<compile_context>
chip_gen: v7x
topology: tpu7x:2x2x1
jax: 0.10.2.dev20260603
libtpu: 0.0.44.dev20260713+nightly
codegen_flags: <defaults>
</compile_context>

<pallas_src>
import functools

import jax
import jax.numpy as jnp
from jax import lax
from jax.experimental import pallas as pl
from jax.experimental.pallas import tpu as pltpu
from jax.experimental.pallas import tpu_sc as plsc

D = 128
B = 1024
I = 50
N = B * I
NC = 2
NS = 16
NW = NC * NS
PER_W = N // NW
C = 320
CHUNKS = PER_W // C
L = 16


def _sc_body(drug_hbm, dis_hbm, mp_hbm, out_hbm,
             mp_v, idx_v, out0, out1, sem0, sem1):
    cid = lax.axis_index("c")
    sid = lax.axis_index("s")
    wid = sid * NC + cid
    base0 = wid * PER_W

    pltpu.sync_copy(mp_hbm.at[pl.ds(base0 * 4, 4 * PER_W)], mp_v)
    lanes = lax.iota(jnp.int32, L)
    quarter = lanes >> 2
    perm0 = (4 * (lanes & 3)).astype(jnp.int32)

    def lane_take(v, perm):
        return lax.gather(
            v, perm[:, None],
            dimension_numbers=lax.GatherDimensionNumbers(
                offset_dims=(), collapsed_slice_dims=(0,),
                start_index_map=(0,)),
            slice_sizes=(1,),
            mode=lax.GatherScatterMode.PROMISE_IN_BOUNDS)

    def deint(t, carry):
        va = mp_v[pl.ds(t * 4 * L, L)]
        vb = mp_v[pl.ds(t * 4 * L + L, L)]
        vc = mp_v[pl.ds(t * 4 * L + 2 * L, L)]
        vd = mp_v[pl.ds(t * 4 * L + 3 * L, L)]
        for o in range(4):
            perm = perm0 + o
            g = jnp.where(
                quarter == 0, lane_take(va, perm),
                jnp.where(quarter == 1, lane_take(vb, perm),
                          jnp.where(quarter == 2, lane_take(vc, perm),
                                    lane_take(vd, perm))))
            idx_v[pl.ds(o * PER_W + t * L, L)] = g
        return carry

    zeros = jnp.zeros((L,), jnp.float32)

    def zero(out_v):
        def zbody(r, carry):
            for l in range(D // L):
                out_v[r, pl.ds(l * L, L)] = zeros
            return carry
        lax.fori_loop(0, C, zbody, 0, unroll=2)

    def start(chunk, out_v, sem):
        off = chunk * C
        for o, tbl in ((0, drug_hbm), (1, drug_hbm),
                       (2, dis_hbm), (3, dis_hbm)):
            pltpu.async_copy(
                tbl.at[idx_v.at[pl.ds(o * PER_W + off, C)]],
                out_v, sem, add=True)

    def wait(out_v, sem):
        for o, tbl in ((0, drug_hbm), (1, drug_hbm),
                       (2, dis_hbm), (3, dis_hbm)):
            pltpu.make_async_copy(
                tbl.at[idx_v.at[pl.ds(o * PER_W, C)]],
                out_v, sem).wait()

    def finish(chunk, out_v, sem):
        wait(out_v, sem)
        pltpu.sync_copy(out_v, out_hbm.at[pl.ds(base0 + chunk * C, C)])
        zero(out_v)

    lax.fori_loop(0, C // L, deint, 0, unroll=4)
    zero(out0)
    start(0, out0, sem0)
    lax.fori_loop(C // L, PER_W // L, deint, 0, unroll=4)
    zero(out1)

    def pair_body(j, carry):
        c0 = 2 * j
        start(c0 + 1, out1, sem1)
        finish(c0, out0, sem0)
        start(c0 + 2, out0, sem0)
        finish(c0 + 1, out1, sem1)
        return carry

    lax.fori_loop(0, (CHUNKS - 1) // 2, pair_body, 0)
    wait(out0, sem0)
    pltpu.sync_copy(out0, out_hbm.at[pl.ds(base0 + (CHUNKS - 1) * C, C)])


@functools.partial(jax.jit, static_argnames=())
def _run(feature_drug, feature_disease, mp_flat):
    mesh = plsc.VectorSubcoreMesh(core_axis_name="c", subcore_axis_name="s")
    f = functools.partial(
        pl.kernel,
        mesh=mesh,
        out_type=jax.ShapeDtypeStruct((N, D), jnp.float32),
        scratch_types=[
            pltpu.VMEM((4 * PER_W,), jnp.int32),
            pltpu.VMEM((4 * PER_W,), jnp.int32),
            pltpu.VMEM((C, D), jnp.float32),
            pltpu.VMEM((C, D), jnp.float32),
            pltpu.SemaphoreType.DMA,
            pltpu.SemaphoreType.DMA,
        ],
    )(_sc_body)
    return f(feature_drug, feature_disease, mp_flat)


def kernel(feature_drug, feature_disease, mp_ins):
    mp_flat = mp_ins.astype(jnp.int32).reshape(N * 4)
    out = _run(feature_drug, feature_disease, mp_flat)
    return out.reshape(B, I, D)

# --- scband reference (transcript-rebuilt; emitter-appended) ---
"""Pipeline reference for scband-meta-path-aggregator-28896539967496 (READ-ONLY COPY).

The authoritative reference and input builder live on the scoring server;
editing this copy changes nothing except your own understanding.
"""

import jax, jax.numpy as jnp
import numpy as np

VOCAB = 100000
IN_FEATS = 128
BATCH = 1024
NUM_INS = 50


def setup_inputs(seed: int = 0) -> dict:
    key = jax.random.key(seed)
    k1, k2, k3 = jax.random.split(key, 3)
    feature_drug = jax.random.normal(k1, (VOCAB, IN_FEATS), dtype=jnp.float32)
    feature_disease = jax.random.normal(k2, (VOCAB, IN_FEATS), dtype=jnp.float32)
    mp_ins = jax.random.randint(k3, (BATCH, NUM_INS, 4), 0, VOCAB, dtype=jnp.int64 if jax.config.jax_enable_x64 else jnp.int32)
    return {"feature_drug": feature_drug, "feature_disease": feature_disease, "mp_ins": mp_ins}


def reference(feature_drug, feature_disease, mp_ins):
    # MetaPathAggregator.forward with agg_type='sum'
    mp_ins_drug = mp_ins[:, :, :2]   # [B, I, 2] indices into drug table
    mp_ins_dis = mp_ins[:, :, 2:]    # [B, I, 2] indices into disease table
    drug_feat = jnp.take(feature_drug, mp_ins_drug, axis=0)      # [B, I, 2, D]
    dis_feat = jnp.take(feature_disease, mp_ins_dis, axis=0)     # [B, I, 2, D]
    mp_ins_feat = jnp.concatenate([drug_feat, dis_feat], axis=2)  # [B, I, 4, D]
    ins_emb = jnp.sum(mp_ins_feat, axis=2)                        # [B, I, D]
    return ins_emb

if __name__ == "__main__":
    import jax
    _d = setup_inputs()
    print(jax.jit(kernel)(*tuple(_d.values())))

</pallas_src>

<mosaic_0001>
#map = affine_map<(d0, d1) -> (0, 0)>
#map1 = affine_map<(d0, d1) -> (0)>
module attributes {stable_mosaic.version = 14 : i64} {
  func.func @_sc_body(%arg0: i32, %arg1: i32, %arg2: memref<100000x128xf32, #tpu.memory_space<hbm>>, %arg3: memref<100000x128xf32, #tpu.memory_space<hbm>>, %arg4: memref<204800xi32, #tpu.memory_space<hbm>>, %arg5: memref<51200x128xf32, #tpu.memory_space<hbm>>, %arg6: memref<6400xi32, #tpu.memory_space<vmem>>, %arg7: memref<6400xi32, #tpu.memory_space<vmem>>, %arg8: memref<320x128xf32, #tpu.memory_space<vmem>>, %arg9: memref<320x128xf32, #tpu.memory_space<vmem>>, %arg10: memref<!tpu.dma_semaphore, #tpu.memory_space<semaphore_mem>>, %arg11: memref<!tpu.dma_semaphore, #tpu.memory_space<semaphore_mem>>) attributes {dimension_semantics = [#tpu.dimension_semantics<core_parallel>, #tpu.dimension_semantics<subcore_parallel>], iteration_bounds = array<i64: 2, 16>, scalar_prefetch = 0 : i64, scratch_operands = 6 : i64, tpu.core_type = #tpu.core_type<sc_vector_subcore>, window_params = [{transform_indices = #map}, {transform_indices = #map}, {transform_indices = #map1}, {transform_indices = #map}]} {
    %mul3A = arith.constant 2 : i32
    %mul3A_0 = arith.muli %arg1, %mul3A : i32
    %add3A = arith.addi %mul3A_0, %arg0 : i32
    %mul3A_1 = arith.constant 1600 : i32
    %mul3A_2 = arith.muli %add3A, %mul3A_1 : i32
    %mul3A_3 = arith.constant 4 : i32
    %mul3A_4 = arith.muli %mul3A_2, %mul3A_3 : i32
    "tpu.region"() ({
      %run_scoped3A = tpu.sem_alloc : memref<!tpu.dma_semaphore, #tpu.memory_space<semaphore_mem>>
      %dma_start3A_82 = tpu.memref_slice %arg4[%mul3A_4] : memref<204800xi32, #tpu.memory_space<hbm>> -> memref<6400xi32, #tpu.memory_space<hbm>>
      %dma_start3A_83 = tpu.memref_slice %arg4[%mul3A_4] : memref<204800xi32, #tpu.memory_space<hbm>> -> memref<6400xi32, #tpu.memory_space<hbm>>
      tpu.enqueue_dma source(%dma_start3A_83 : memref<6400xi32, #tpu.memory_space<hbm>>) target(%arg6 : memref<6400xi32, #tpu.memory_space<vmem>>) target_semaphore(%run_scoped3A : memref<!tpu.dma_semaphore, #tpu.memory_space<semaphore_mem>>)
      %dma_wait3A_84 = tpu.memref_slice %arg4[%mul3A_4] : memref<204800xi32, #tpu.memory_space<hbm>> -> memref<6400xi32, #tpu.memory_space<hbm>>
      %dma_wait3A_85 = tpu.memref_slice %arg4[%mul3A_4] : memref<204800xi32, #tpu.memory_space<hbm>> -> memref<6400xi32, #tpu.memory_space<hbm>>
      tpu.wait_dma2 semaphore(%run_scoped3A : memref<!tpu.dma_semaphore, #tpu.memory_space<semaphore_mem>>) src(%dma_wait3A_85 : memref<6400xi32, #tpu.memory_space<hbm>>) dst(%arg6 : memref<6400xi32, #tpu.memory_space<vmem>>)
      tpu.yield
    }) : () -> ()
    %iota3A = tpu.iota {dimensions = array<i32: 0>} : vector<16xi32>
    %shift_right_arithmetic3A = arith.constant 2 : i32
    %shift_right_arithmetic3A_5 = vector.broadcast %shift_right_arithmetic3A : i32 to vector<16xi32>
    %shift_right_arithmetic3A_6 = arith.shrsi %iota3A, %shift_right_arithmetic3A_5 : vector<16xi32>
    %and3A = arith.constant 3 : i32
    %and3A_7 = vector.broadcast %and3A : i32 to vector<16xi32>
    %and3A_8 = arith.andi %iota3A, %and3A_7 : vector<16xi32>
    %mul3A_9 = arith.constant 4 : i32
    %mul3A_10 = vector.broadcast %mul3A_9 : i32 to vector<16xi32>
    %mul3A_11 = arith.muli %mul3A_10, %and3A_8 : vector<16xi32>
    %broadcast_in_dim3A = arith.constant 0.000000e+00 : f32
    %broadcast_in_dim3A_12 = vector.broadcast %broadcast_in_dim3A : f32 to vector<16xf32>
    %scan3A = arith.constant 0 : i32
    %scan3A_13 = arith.constant 0 : i32
    %scan3A_14 = arith.constant 20 : i32
    %scan3A_15 = arith.addi %scan3A_13, %scan3A_14 : i32
    %scan3A_16 = arith.constant 4 : i32
    scf.for %scan3A_82 = %scan3A_13 to %scan3A_15 step %scan3A_16  : i32 {
      %mul3A_83 = arith.constant 4 : i32
      %mul3A_84 = arith.muli %scan3A_82, %mul3A_83 : i32
      %mul3A_85 = arith.constant 16 : i32
      %mul3A_86 = arith.muli %mul3A_84, %mul3A_85 : i32
      %get3A = arith.index_cast %mul3A_86 : i32 to index
      %get3A_87 = tpu.vector_load %arg6[%get3A] {strides = array<i32>} : memref<6400xi32, #tpu.memory_space<vmem>>, vector<16xi32>,
      %get3A_88 = vector.shape_cast %get3A_87 : vector<16xi32> to vector<16xi32>
      %mul3A_89 = arith.constant 4 : i32
      %mul3A_90 = arith.muli %scan3A_82, %mul3A_89 : i32
      %mul3A_91 = arith.constant 16 : i32
      %mul3A_92 = arith.muli %mul3A_90, %mul3A_91 : i32
      %add3A_93 = arith.constant 16 : i32
      %add3A_94 = arith.addi %mul3A_92, %add3A_93 : i32
      %get3A_95 = arith.index_cast %add3A_94 : i32 to index
      %get3A_96 = tpu.vector_load %arg6[%get3A_95] {strides = array<i32>} : memref<6400xi32, #tpu.memory_space<vmem>>, vector<16xi32>,
      %get3A_97 = vector.shape_cast %get3A_96 : vector<16xi32> to vector<16xi32>
      %mul3A_98 = arith.constant 4 : i32
      %mul3A_99 = arith.muli %scan3A_82, %mul3A_98 : i32
      %mul3A_100 = arith.constant 16 : i32
      %mul3A_101 = arith.muli %mul3A_99, %mul3A_100 : i32
      %add3A_102 = arith.constant 32 : i32
      %add3A_103 = arith.addi %mul3A_101, %add3A_102 : i32
      %get3A_104 = arith.index_cast %add3A_103 : i32 to index
      %get3A_105 = tpu.vector_load %arg6[%get3A_104] {strides = array<i32>} : memref<6400xi32, #tpu.memory_space<vmem>>, vector<16xi32>,
      %get3A_106 = vector.shape_cast %get3A_105 : vector<16xi32> to vector<16xi32>
      %mul3A_107 = arith.constant 4 : i32
      %mul3A_108 = arith.muli %scan3A_82, %mul3A_107 : i32
      %mul3A_109 = arith.constant 16 : i32
      %mul3A_110 = arith.muli %mul3A_108, %mul3A_109 : i32
      %add3A_111 = arith.constant 48 : i32
      %add3A_112 = arith.addi %mul3A_110, %add3A_111 : i32
      %get3A_113 = arith.index_cast %add3A_112 : i32 to index
      %get3A_114 = tpu.vector_load %arg6[%get3A_113] {strides = array<i32>} : memref<6400xi32, #tpu.memory_space<vmem>>, vector<16xi32>,
      %get3A_115 = vector.shape_cast %get3A_114 : vector<16xi32> to vector<16xi32>
      %add3A_116 = arith.constant 0 : i32
      %add3A_117 = vector.broadcast %add3A_116 : i32 to vector<16xi32>
      %add3A_118 = arith.addi %mul3A_11, %add3A_117 : vector<16xi32>
      %eq3A = arith.constant 0 : i32
      %eq3A_119 = vector.broadcast %eq3A : i32 to vector<16xi32>
      %eq3A_120 = arith.cmpi eq, %shift_right_arithmetic3A_6, %eq3A_119 : vector<16xi32>
      %broadcast_in_dim3A_121 = vector.shape_cast %add3A_118 : vector<16xi32> to vector<16x1xi32>
      %gather3A = vector.shape_cast %broadcast_in_dim3A_121 : vector<16x1xi32> to vector<16xi32>
      %gather3A_122 = tpu.dynamic_gather %get3A_88[%gather3A] in [0] : vector<16xi32>, vector<16xi32> -> vector<16xi32>
      %eq3A_123 = arith.constant 1 : i32
      %eq3A_124 = vector.broadcast %eq3A_123 : i32 to vector<16xi32>
      %eq3A_125 = arith.cmpi eq, %shift_right_arithmetic3A_6, %eq3A_124 : vector<16xi32>
      %broadcast_in_dim3A_126 = vector.shape_cast %add3A_118 : vector<16xi32> to vector<16x1xi32>
      %gather3A_127 = vector.shape_cast %broadcast_in_dim3A_126 : vector<16x1xi32> to vector<16xi32>
      %gather3A_128 = tpu.dynamic_gather %get3A_97[%gather3A_127] in [0] : vector<16xi32>, vector<16xi32> -> vector<16xi32>
      %eq3A_129 = arith.constant 2 : i32
      %eq3A_130 = vector.broadcast %eq3A_129 : i32 to vector<16xi32>
      %eq3A_131 = arith.cmpi eq, %shift_right_arithmetic3A_6, %eq3A_130 : vector<16xi32>
      %broadcast_in_dim3A_132 = vector.shape_cast %add3A_118 : vector<16xi32> to vector<16x1xi32>
      %gather3A_133 = vector.shape_cast %broadcast_in_dim3A_132 : vector<16x1xi32> to vector<16xi32>
      %gather3A_134 = tpu.dynamic_gather %get3A_106[%gather3A_133] in [0] : vector<16xi32>, vector<16xi32> -> vector<16xi32>
      %broadcast_in_dim3A_135 = vector.shape_cast %add3A_118 : vector<16xi32> to vector<16x1xi32>
      %gather3A_136 = vector.shape_cast %broadcast_in_dim3A_135 : vector<16x1xi32> to vector<16xi32>
      %gather3A_137 = tpu.dynamic_gather %get3A_115[%gather3A_136] in [0] : vector<16xi32>, vector<16xi32> -> vector<16xi32>
      %select_n3A = arith.select %eq3A_131, %gather3A_134, %gather3A_137 : vector<16xi1>, vector<16xi32>
      %select_n3A_138 = arith.select %eq3A_125, %gather3A_128, %select_n3A : vector<16xi1>, vector<16xi32>
      %select_n3A_139 = arith.select %eq3A_120, %gather3A_122, %select_n3A_138 : vector<16xi1>, vector<16xi32>
      %mul3A_140 = arith.constant 16 : i32
      %mul3A_141 = arith.muli %scan3A_82, %mul3A_140 : i32
      %add3A_142 = arith.constant 0 : i32
      %add3A_143 = arith.addi %add3A_142, %mul3A_141 : i32
      %swap3A = arith.index_cast %add3A_143 : i32 to index
      %swap3A_144 = tpu.vector_load %arg7[%swap3A] {strides = array<i32>} : memref<6400xi32, #tpu.memory_space<vmem>>, vector<16xi32>,
      %swap3A_145 = vector.shape_cast %swap3A_144 : vector<16xi32> to vector<16xi32>
      %swap3A_146 = vector.shape_cast %select_n3A_139 : vector<16xi32> to vector<16xi32>
      tpu.vector_store %arg7[%swap3A], %swap3A_146 {strides = array<i32>} : memref<6400xi32, #tpu.memory_space<vmem>>, vector<16xi32>,
      %add3A_147 = arith.constant 1 : i32
      %add3A_148 = vector.broadcast %add3A_147 : i32 to vector<16xi32>
      %add3A_149 = arith.addi %mul3A_11, %add3A_148 : vector<16xi32>
      %eq3A_150 = arith.constant 0 : i32
      %eq3A_151 = vector.broadcast %eq3A_150 : i32 to vector<16xi32>
      %eq3A_152 = arith.cmpi eq, %shift_right_arithmetic3A_6, %eq3A_151 : vector<16xi32>
      %broadcast_in_dim3A_153 = vector.shape_cast %add3A_149 : vector<16xi32> to vector<16x1xi32>
      %gather3A_154 = vector.shape_cast %broadcast_in_dim3A_153 : vector<16x1xi32> to vector<16xi32>
      %gather3A_155 = tpu.dynamic_gather %get3A_88[%gather3A_154] in [0] : vector<16xi32>, vector<16xi32> -> vector<16xi32>
      %eq3A_156 = arith.constant 1 : i32
      %eq3A_157 = vector.broadcast %eq3A_156 : i32 to vector<16xi32>
      %eq3A_158 = arith.cmpi eq, %shift_right_arithmetic3A_6, %eq3A_157 : vector<16xi32>
      %broadcast_in_dim3A_159 = vector.shape_cast %add3A_149 : vector<16xi32> to vector<16x1xi32>
      %gather3A_160 = vector.shape_cast %broadcast_in_dim3A_159 : vector<16x1xi32> to vector<16xi32>
      %gather3A_161 = tpu.dynamic_gather %get3A_97[%gather3A_160] in [0] : vector<16xi32>, vector<16xi32> -> vector<16xi32>
      %eq3A_162 = arith.constant 2 : i32
      %eq3A_163 = vector.broadcast %eq3A_162 : i32 to vector<16xi32>
      %eq3A_164 = arith.cmpi eq, %shift_right_arithmetic3A_6, %eq3A_163 : vector<16xi32>
      %broadcast_in_dim3A_165 = vector.shape_cast %add3A_149 : vector<16xi32> to vector<16x1xi32>
      %gather3A_166 = vector.shape_cast %broadcast_in_dim3A_165 : vector<16x1xi32> to vector<16xi32>
      %gather3A_167 = tpu.dynamic_gather %get3A_106[%gather3A_166] in [0] : vector<16xi32>, vector<16xi32> -> vector<16xi32>
      %broadcast_in_dim3A_168 = vector.shape_cast %add3A_149 : vector<16xi32> to vector<16x1xi32>
      %gather3A_169 = vector.shape_cast %broadcast_in_dim3A_168 : vector<16x1xi32> to vector<16xi32>
      %gather3A_170 = tpu.dynamic_gather %get3A_115[%gather3A_169] in [0] : vector<16xi32>, vector<16xi32> -> vector<16xi32>
      %select_n3A_171 = arith.select %eq3A_164, %gather3A_167, %gather3A_170 : vector<16xi1>, vector<16xi32>
      %select_n3A_172 = arith.select %eq3A_158, %gather3A_161, %select_n3A_171 : vector<16xi1>, vector<16xi32>
      %select_n3A_173 = arith.select %eq3A_152, %gather3A_155, %select_n3A_172 : vector<16xi1>, vector<16xi32>
      %mul3A_174 = arith.constant 16 : i32
      %mul3A_175 = arith.muli %scan3A_82, %mul3A_174 : i32
      %add3A_176 = arith.constant 1600 : i32
      %add3A_177 = arith.addi %add3A_176, %mul3A_175 : i32
      %swap3A_178 = arith.index_cast %add3A_177 : i32 to index
      %swap3A_179 = tpu.vector_load %arg7[%swap3A_178] {strides = array<i32>} : memref<6400xi32, #tpu.memory_space<vmem>>, vector<16xi32>,
      %swap3A_180 = vector.shape_cast %swap3A_179 : vector<16xi32> to vector<16xi32>
      %swap3A_181 = vector.shape_cast %select_n3A_173 : vector<16xi32> to vector<16xi32>
      tpu.vector_store %arg7[%swap3A_178], %swap3A_181 {strides = array<i32>} : memref<6400xi32, #tpu.memory_space<vmem>>, vector<16xi32>,
      %add3A_182 = arith.constant 2 : i32
      %add3A_183 = vector.broadcast %add3A_182 : i32 to vector<16xi32>
      %add3A_184 = arith.addi %mul3A_11, %add3A_183 : vector<16xi32>
      %eq3A_185 = arith.constant 0 : i32
      %eq3A_186 = vector.broadcast %eq3A_185 : i32 to vector<16xi32>
      %eq3A_187 = arith.cmpi eq, %shift_right_arithmetic3A_6, %eq3A_186 : vector<16xi32>
      %broadcast_in_dim3A_188 = vector.shape_cast %add3A_184 : vector<16xi32> to vector<16x1xi32>
      %gather3A_189 = vector.shape_cast %broadcast_in_dim3A_188 : vector<16x1xi32> to vector<16xi32>
      %gather3A_190 = tpu.dynamic_gather %get3A_88[%gather3A_189] in [0] : vector<16xi32>, vector<16xi32> -> vector<16xi32>
      %eq3A_191 = arith.constant 1 : i32
      %eq3A_192 = vector.broadcast %eq3A_191 : i32 to vector<16xi32>
      %eq3A_193 = arith.cmpi eq, %shift_right_arithmetic3A_6, %eq3A_192 : vector<16xi32>
      %broadcast_in_dim3A_194 = vector.shape_cast %add3A_184 : vector<16xi32> to vector<16x1xi32>
      %gather3A_195 = vector.shape_cast %broadcast_in_dim3A_194 : vector<16x1xi32> to vector<16xi32>
      %gather3A_196 = tpu.dynamic_gather %get3A_97[%gather3A_195] in [0] : vector<16xi32>, vector<16xi32> -> vector<16xi32>
      %eq3A_197 = arith.constant 2 : i32
      %eq3A_198 = vector.broadcast %eq3A_197 : i32 to vector<16xi32>
      %eq3A_199 = arith.cmpi eq, %shift_right_arithmetic3A_6, %eq3A_198 : vector<16xi32>
      %broadcast_in_dim3A_200 = vector.shape_cast %add3A_184 : vector<16xi32> to vector<16x1xi32>
      %gather3A_201 = vector.shape_cast %broadcast_in_dim3A_200 : vector<16x1xi32> to vector<16xi32>
      %gather3A_202 = tpu.dynamic_gather %get3A_106[%gather3A_201] in [0] : vector<16xi32>, vector<16xi32> -> vector<16xi32>
      %broadcast_in_dim3A_203 = vector.shape_cast %add3A_184 : vector<16xi32> to vector<16x1xi32>
      %gather3A_204 = vector.shape_cast %broadcast_in_dim3A_203 : vector<16x1xi32> to vector<16xi32>
      %gather3A_205 = tpu.dynamic_gather %get3A_115[%gather3A_204] in [0] : vector<16xi32>, vector<16xi32> -> vector<16xi32>
      %select_n3A_206 = arith.select %eq3A_199, %gather3A_202, %gather3A_205 : vector<16xi1>, vector<16xi32>
      %select_n3A_207 = arith.select %eq3A_193, %gather3A_196, %select_n3A_206 : vector<16xi1>, vector<16xi32>
      %select_n3A_208 = arith.select %eq3A_187, %gather3A_190, %select_n3A_207 : vector<16xi1>, vector<16xi32>
      %mul3A_209 = arith.constant 16 : i32
      %mul3A_210 = arith.muli %scan3A_82, %mul3A_209 : i32
      %add3A_211 = arith.constant 3200 : i32
      %add3A_212 = arith.addi %add3A_211, %mul3A_210 : i32
      %swap3A_213 = arith.index_cast %add3A_212 : i32 to index
      %swap3A_214 = tpu.vector_load %arg7[%swap3A_213] {strides = array<i32>} : memref<6400xi32, #tpu.memory_space<vmem>>, vector<16xi32>,
      %swap3A_215 = vector.shape_cast %swap3A_214 : vector<16xi32> to vector<16xi32>
      %swap3A_216 = vector.shape_cast %select_n3A_208 : vector<16xi32> to vector<16xi32>
      tpu.vector_store %arg7[%swap3A_213], %swap3A_216 {strides = array<i32>} : memref<6400xi32, #tpu.memory_space<vmem>>, vector<16xi32>,
      %add3A_217 = arith.constant 3 : i32
      %add3A_218 = vector.broadcast %add3A_217 : i32 to vector<16xi32>
      %add3A_219 = arith.addi %mul3A_11, %add3A_218 : vector<16xi32>
      %eq3A_220 = arith.constant 0 : i32
      %eq3A_221 = vector.broadcast %eq3A_220 : i32 to vector<16xi32>
      %eq3A_222 = arith.cmpi eq, %shift_right_arithmetic3A_6, %eq3A_221 : vector<16xi32>
      %broadcast_in_dim3A_223 = vector.shape_cast %add3A_219 : vector<16xi32> to vector<16x1xi32>
      %gather3A_224 = vector.shape_cast %broadcast_in_dim3A_223 : vector<16x1xi32> to vector<16xi32>
      %gather3A_225 = tpu.dynamic_gather %get3A_88[%gather3A_224] in [0] : vector<16xi32>, vector<16xi32> -> vector<16xi32>
      %eq3A_226 = arith.constant 1 : i32
      %eq3A_227 = vector.broadcast %eq3A_226 : i32 to vector<16xi32>
      %eq3A_228 = arith.cmpi eq, %shift_right_arithmetic3A_6, %eq3A_227 : vector<16xi32>
      %broadcast_in_dim3A_229 = vector.shape_cast %add3A_219 : vector<16xi32> to vector<16x1xi32>
      %gather3A_230 = vector.shape_cast %broadcast_in_dim3A_229 : vector<16x1xi32> to vector<16xi32>
      %gather3A_231 = tpu.dynamic_gather %get3A_97[%gather3A_230] in [0] : vector<16xi32>, vector<16xi32> -> vector<16xi32>
      %eq3A_232 = arith.constant 2 : i32
      %eq3A_233 = vector.broadcast %eq3A_232 : i32 to vector<16xi32>
      %eq3A_234 = arith.cmpi eq, %shift_right_arithmetic3A_6, %eq3A_233 : vector<16xi32>
      %broadcast_in_dim3A_235 = vector.shape_cast %add3A_219 : vector<16xi32> to vector<16x1xi32>
      %gather3A_236 = vector.shape_cast %broadcast_in_dim3A_235 : vector<16x1xi32> to vector<16xi32>
      %gather3A_237 = tpu.dynamic_gather %get3A_106[%gather3A_236] in [0] : vector<16xi32>, vector<16xi32> -> vector<16xi32>
      %broadcast_in_dim3A_238 = vector.shape_cast %add3A_219 : vector<16xi32> to vector<16x1xi32>
      %gather3A_239 = vector.shape_cast %broadcast_in_dim3A_238 : vector<16x1xi32> to vector<16xi32>
      %gather3A_240 = tpu.dynamic_gather %get3A_115[%gather3A_239] in [0] : vector<16xi32>, vector<16xi32> -> vector<16xi32>
      %select_n3A_241 = arith.select %eq3A_234, %gather3A_237, %gather3A_240 : vector<16xi1>, vector<16xi32>
      %select_n3A_242 = arith.select %eq3A_228, %gather3A_231, %select_n3A_241 : vector<16xi1>, vector<16xi32>
      %select_n3A_243 = arith.select %eq3A_222, %gather3A_225, %select_n3A_242 : vector<16xi1>, vector<16xi32>
      %mul3A_244 = arith.constant 16 : i32
      %mul3A_245 = arith.muli %scan3A_82, %mul3A_244 : i32
      %add3A_246 = arith.constant 4800 : i32
      %add3A_247 = arith.addi %add3A_246, %mul3A_245 : i32
      %swap3A_248 = arith.index_cast %add3A_247 : i32 to index
      %swap3A_249 = tpu.vector_load %arg7[%swap3A_248] {strides = array<i32>} : memref<6400xi32, #tpu.memory_space<vmem>>, vector<16xi32>,
      %swap3A_250 = vector.shape_cast %swap3A_249 : vector<16xi32> to vector<16xi32>
      %swap3A_251 = vector.shape_cast %select_n3A_243 : vector<16xi32> to vector<16xi32>
      tpu.vector_store %arg7[%swap3A_248], %swap3A_251 {strides = array<i32>} : memref<6400xi32, #tpu.memory_space<vmem>>, vector<16xi32>,
      %scan3A_252 = arith.constant 1 : i32
      %scan3A_253 = arith.addi %scan3A_82, %scan3A_252 : i32
      %mul3A_254 = arith.constant 4 : i32
      %mul3A_255 = arith.muli %scan3A_253, %mul3A_254 : i32
      %mul3A_256 = arith.constant 16 : i32
      %mul3A_257 = arith.muli %mul3A_255, %mul3A_256 : i32
      %get3A_258 = arith.index_cast %mul3A_257 : i32 to index
      %get3A_259 = tpu.vector_load %arg6[%get3A_258] {strides = array<i32>} : memref<6400xi32, #tpu.memory_space<vmem>>, vector<16xi32>,
      %get3A_260 = vector.shape_cast %get3A_259 : vector<16xi32> to vector<16xi32>
      %mul3A_261 = arith.constant 4 : i32
      %mul3A_262 = arith.muli %scan3A_253, %mul3A_261 : i32
      %mul3A_263 = arith.constant 16 : i32
      %mul3A_264 = arith.muli %mul3A_262, %mul3A_263 : i32
      %add3A_265 = arith.constant 16 : i32
      %add3A_266 = arith.addi %mul3A_264, %add3A_265 : i32
      %get3A_267 = arith.index_cast %add3A_266 : i32 to index
      %get3A_268 = tpu.vector_load %arg6[%get3A_267] {strides = array<i32>} : memref<6400xi32, #tpu.memory_space<vmem>>, vector<16xi32>,
      %get3A_269 = vector.shape_cast %get3A_268 : vector<16xi32> to vector<16xi32>
      %mul3A_270 = arith.constant 4 : i32
      %mul3A_271 = arith.muli %scan3A_253, %mul3A_270 : i32
      %mul3A_272 = arith.constant 16 : i32
      %mul3A_273 = arith.muli %mul3A_271, %mul3A_272 : i32
      %add3A_274 = arith.constant 32 : i32
      %add3A_275 = arith.addi %mul3A_273, %add3A_274 : i32
      %get3A_276 = arith.index_cast %add3A_275 : i32 to index
      %get3A_277 = tpu.vector_load %arg6[%get3A_276] {strides = array<i32>} : memref<6400xi32, #tpu.memory_space<vmem>>, vector<16xi32>,
      %get3A_278 = vector.shape_cast %get3A_277 : vector<16xi32> to vector<16xi32>
      %mul3A_279 = arith.constant 4 : i32
      %mul3A_280 = arith.muli %scan3A_253, %mul3A_279 : i32
      %mul3A_281 = arith.constant 16 : i32
      %mul3A_282 = arith.muli %mul3A_280, %mul3A_281 : i32
      %add3A_283 = arith.constant 48 : i32
      %add3A_284 = arith.addi %mul3A_282, %add3A_283 : i32
      %get3A_285 = arith.index_cast %add3A_284 : i32 to index
      %get3A_286 = tpu.vector_load %arg6[%get3A_285] {strides = array<i32>} : memref<6400xi32, #tpu.memory_space<vmem>>, vector<16xi32>,
      %get3A_287 = vector.shape_cast %get3A_286 : vector<16xi32> to vector<16xi32>
      %add3A_288 = arith.constant 0 : i32
      %add3A_289 = vector.broadcast %add3A_288 : i32 to vector<16xi32>
      %add3A_290 = arith.addi %mul3A_11, %add3A_289 : vector<16xi32>
      %eq3A_291 = arith.constant 0 : i32
      %eq3A_292 = vector.broadcast %eq3A_291 : i32 to vector<16xi32>
      %eq3A_293 = arith.cmpi eq, %shift_right_arithmetic3A_6, %eq3A_292 : vector<16xi32>
      %broadcast_in_dim3A_294 = vector.shape_cast %add3A_290 : vector<16xi32> to vector<16x1xi32>
      %gather3A_295 = vector.shape_cast %broadcast_in_dim3A_294 : vector<16x1xi32> to vector<16xi32>
      %gather3A_296 = tpu.dynamic_gather %get3A_260[%gather3A_295] in [0] : vector<16xi32>, vector<16xi32> -> vector<16xi32>
      %eq3A_297 = arith.constant 1 : i32
      %eq3A_298 = vector.broadcast %eq3A_297 : i32 to vector<16xi32>
      %eq3A_299 = arith.cmpi eq, %shift_right_arithmetic3A_6, %eq3A_298 : vector<16xi32>
      %broadcast_in_dim3A_300 = vector.shape_cast %add3A_290 : vector<16xi32> to vector<16x1xi32>
      %gather3A_301 = vector.shape_cast %broadcast_in_dim3A_300 : vector<16x1xi32> to vector<16xi32>
      %gather3A_302 = tpu.dynamic_gather %get3A_269[%gather3A_301] in [0] : vector<16xi32>, vector<16xi32> -> vector<16xi32>
      %eq3A_303 = arith.constant 2 : i32
      %eq3A_304 = vector.broadcast %eq3A_303 : i32 to vector<16xi32>
      %eq3A_305 = arith.cmpi eq, %shift_right_arithmetic3A_6, %eq3A_304 : vector<16xi32>
      %broadcast_in_dim3A_306 = vector.shape_cast %add3A_290 : vector<16xi32> to vector<16x1xi32>
      %gather3A_307 = vector.shape_cast %broadcast_in_dim3A_306 : vector<16x1xi32> to vector<16xi32>
      %gather3A_308 = tpu.dynamic_gather %get3A_278[%gather3A_307] in [0] : vector<16xi32>, vector<16xi32> -> vector<16xi32>
      %broadcast_in_dim3A_309 = vector.shape_cast %add3A_290 : vector<16xi32> to vector<16x1xi32>
      %gather3A_310 = vector.shape_cast %broadcast_in_dim3A_309 : vector<16x1xi32> to vector<16xi32>
      %gather3A_311 = tpu.dynamic_gather %get3A_287[%gather3A_310] in [0] : vector<16xi32>, vector<16xi32> -> vector<16xi32>
      %select_n3A_312 = arith.select %eq3A_305, %gather3A_308, %gather3A_311 : vector<16xi1>, vector<16xi32>
      %select_n3A_313 = arith.select %eq3A_299, %gather3A_302, %select_n3A_312 : vector<16xi1>, vector<16xi32>
      %select_n3A_314 = arith.select %eq3A_293, %gather3A_296, %select_n3A_313 : vector<16xi1>, vector<16xi32>
      %mul3A_315 = arith.constant 16 : i32
      %mul3A_316 = arith.muli %scan3A_253, %mul3A_315 : i32
      %add3A_317 = arith.constant 0 : i32
      %add3A_318 = arith.addi %add3A_317, %mul3A_316 : i32
      %swap3A_319 = arith.index_cast %add3A_318 : i32 to index
      %swap3A_320 = tpu.vector_load %arg7[%swap3A_319] {strides = array<i32>} : memref<6400xi32, #tpu.memory_space<vmem>>, vector<16xi32>,
      %swap3A_321 = vector.shape_cast %swap3A_320 : vector<16xi32> to vector<16xi32>
      %swap3A_322 = vector.shape_cast %select_n3A_314 : vector<16xi32> to vector<16xi32>
      tpu.vector_store %arg7[%swap3A_319], %swap3A_322 {strides = array<i32>} : memref<6400xi32, #tpu.memory_space<vmem>>, vector<16xi32>,
      %add3A_323 = arith.constant 1 : i32
      %add3A_324 = vector.broadcast %add3A_323 : i32 to vector<16xi32>
      %add3A_325 = arith.addi %mul3A_11, %add3A_324 : vector<16xi32>
      %eq3A_326 = arith.constant 0 : i32
      %eq3A_327 = vector.broadcast %eq3A_326 : i32 to vector<16xi32>
      %eq3A_328 = arith.cmpi eq, %shift_right_arithmetic3A_6, %eq3A_327 : vector<16xi32>
      %broadcast_in_dim3A_329 = vector.shape_cast %add3A_325 : vector<16xi32> to vector<16x1xi32>
      %gather3A_330 = vector.shape_cast %broadcast_in_dim3A_329 : vector<16x1xi32> to vector<16xi32>
      %gather3A_331 = tpu.dynamic_gather %get3A_260[%gather3A_330] in [0] : vector<16xi32>, vector<16xi32> -> vector<16xi32>
      %eq3A_332 = arith.constant 1 : i32
      %eq3A_333 = vector.broadcast %eq3A_332 : i32 to vector<16xi32>
      %eq3A_334 = arith.cmpi eq, %shift_right_arithmetic3A_6, %eq3A_333 : vector<16xi32>
      %broadcast_in_dim3A_335 = vector.shape_cast %add3A_325 : vector<16xi32> to vector<16x1xi32>
      %gather3A_336 = vector.shape_cast %broadcast_in_dim3A_335 : vector<16x1xi32> to vector<16xi32>
      %gather3A_337 = tpu.dynamic_gather %get3A_269[%gather3A_336] in [0] : vector<16xi32>, vector<16xi32> -> vector<16xi32>
      %eq3A_338 = arith.constant 2 : i32
      %eq3A_339 = vector.broadcast %eq3A_338 : i32 to vector<16xi32>
      %eq3A_340 = arith.cmpi eq, %shift_right_arithmetic3A_6, %eq3A_339 : vector<16xi32>
      %broadcast_in_dim3A_341 = vector.shape_cast %add3A_325 : vector<16xi32> to vector<16x1xi32>
      %gather3A_342 = vector.shape_cast %broadcast_in_dim3A_341 : vector<16x1xi32> to vector<16xi32>
      %gather3A_343 = tpu.dynamic_gather %get3A_278[%gather3A_342] in [0] : vector<16xi32>, vector<16xi32> -> vector<16xi32>
      %broadcast_in_dim3A_344 = vector.shape_cast %add3A_325 : vector<16xi32> to vector<16x1xi32>
      %gather3A_345 = vector.shape_cast %broadcast_in_dim3A_344 : vector<16x1xi32> to vector<16xi32>
      %gather3A_346 = tpu.dynamic_gather %get3A_287[%gather3A_345] in [0] : vector<16xi32>, vector<16xi32> -> vector<16xi32>
      %select_n3A_347 = arith.select %eq3A_340, %gather3A_343, %gather3A_346 : vector<16xi1>, vector<16xi32>
      %select_n3A_348 = arith.select %eq3A_334, %gather3A_337, %select_n3A_347 : vector<16xi1>, vector<16xi32>
      %select_n3A_349 = arith.select %eq3A_328, %gather3A_331, %select_n3A_348 : vector<16xi1>, vector<16xi32>
      %mul3A_350 = arith.constant 16 : i32
      %mul3A_351 = arith.muli %scan3A_253, %mul3A_350 : i32
      %add3A_352 = arith.constant 1600 : i32
      %add3A_353 = arith.addi %add3A_352, %mul3A_351 : i32
      %swap3A_354 = arith.index_cast %add3A_353 : i32 to index
      %swap3A_355 = tpu.vector_load %arg7[%swap3A_354] {strides = array<i32>} : memref<6400xi32, #tpu.memory_space<vmem>>, vector<16xi32>,
      %swap3A_356 = vector.shape_cast %swap3A_355 : vector<16xi32> to vector<16xi32>
      %swap3A_357 = vector.shape_cast %select_n3A_349 : vector<16xi32> to vector<16xi32>
      tpu.vector_store %arg7[%swap3A_354], %swap3A_357 {strides = array<i32>} : memref<6400xi32, #tpu.memory_space<vmem>>, vector<16xi32>,
      %add3A_358 = arith.constant 2 : i32
      %add3A_359 = vector.broadcast %add3A_358 : i32 to vector<16xi32>
      %add3A_360 = arith.addi %mul3A_11, %add3A_359 : vector<16xi32>
      %eq3A_361 = arith.constant 0 : i32
      %eq3A_362 = vector.broadcast %eq3A_361 : i32 to vector<16xi32>
      %eq3A_363 = arith.cmpi eq, %shift_right_arithmetic3A_6, %eq3A_362 : vector<16xi32>
      %broadcast_in_dim3A_364 = vector.shape_cast %add3A_360 : vector<16xi32> to vector<16x1xi32>
      %gather3A_365 = vector.shape_cast %broadcast_in_dim3A_364 : vector<16x1xi32> to vector<16xi32>
      %gather3A_366 = tpu.dynamic_gather %get3A_260[%gather3A_365] in [0] : vector<16xi32>, vector<16xi32> -> vector<16xi32>
      %eq3A_367 = arith.constant 1 : i32
      %eq3A_368 = vector.broadcast %eq3A_367 : i32 to vector<16xi32>
      %eq3A_369 = arith.cmpi eq, %shift_right_arithmetic3A_6, %eq3A_368 : vector<16xi32>
      %broadcast_in_dim3A_370 = vector.shape_cast %add3A_360 : vector<16xi32> to vector<16x1xi32>
      %gather3A_371 = vector.shape_cast %broadcast_in_dim3A_370 : vector<16x1xi32> to vector<16xi32>
      %gather3A_372 = tpu.dynamic_gather %get3A_269[%gather3A_371] in [0] : vector<16xi32>, vector<16xi32> -> vector<16xi32>
      %eq3A_373 = arith.constant 2 : i32
      %eq3A_374 = vector.broadcast %eq3A_373 : i32 to vector<16xi32>
      %eq3A_375 = arith.cmpi eq, %shift_right_arithmetic3A_6, %eq3A_374 : vector<16xi32>
      %broadcast_in_dim3A_376 = vector.shape_cast %add3A_360 : vector<16xi32> to vector<16x1xi32>
      %gather3A_377 = vector.shape_cast %broadcast_in_dim3A_376 : vector<16x1xi32> to vector<16xi32>
      %gather3A_378 = tpu.dynamic_gather %get3A_278[%gather3A_377] in [0] : vector<16xi32>, vector<16xi32> -> vector<16xi32>
      %broadcast_in_dim3A_379 = vector.shape_cast %add3A_360 : vector<16xi32> to vector<16x1xi32>
      %gather3A_380 = vector.shape_cast %broadcast_in_dim3A_379 : vector<16x1xi32> to vector<16xi32>
      %gather3A_381 = tpu.dynamic_gather %get3A_287[%gather3A_380] in [0] : vector<16xi32>, vector<16xi32> -> vector<16xi32>
      %select_n3A_382 = arith.select %eq3A_375, %gather3A_378, %gather3A_381 : vector<16xi1>, vector<16xi32>
      %select_n3A_383 = arith.select %eq3A_369, %gather3A_372, %select_n3A_382 : vector<16xi1>, vector<16xi32>
      %select_n3A_384 = arith.select %eq3A_363, %gather3A_366, %select_n3A_383 : vector<16xi1>, vector<16xi32>
      %mul3A_385 = arith.constant 16 : i32
      %mul3A_386 = arith.muli %scan3A_253, %mul3A_385 : i32
      %add3A_387 = arith.constant 3200 : i32
      %add3A_388 = arith.addi %add3A_387, %mul3A_386 : i32
      %swap3A_389 = arith.index_cast %add3A_388 : i32 to index
      %swap3A_390 = tpu.vector_load %arg7[%swap3A_389] {strides = array<i32>} : memref<6400xi32, #tpu.memory_space<vmem>>, vector<16xi32>,
      %swap3A_391 = vector.shape_cast %swap3A_390 : vector<16xi32> to vector<16xi32>
      %swap3A_392 = vector.shape_cast %select_n3A_384 : vector<16xi32> to vector<16xi32>
      tpu.vector_store %arg7[%swap3A_389], %swap3A_392 {strides = array<i32>} : memref<6400xi32, #tpu.memory_space<vmem>>, vector<16xi32>,
      %add3A_393 = arith.constant 3 : i32
      %add3A_394 = vector.broadcast %add3A_393 : i32 to vector<16xi32>
      %add3A_395 = arith.addi %mul3A_11, %add3A_394 : vector<16xi32>
      %eq3A_396 = arith.constant 0 : i32
      %eq3A_397 = vector.broadcast %eq3A_396 : i32 to vector<16xi32>
      %eq3A_398 = arith.cmpi eq, %shift_right_arithmetic3A_6, %eq3A_397 : vector<16xi32>
      %broadcast_in_dim3A_399 = vector.shape_cast %add3A_395 : vector<16xi32> to vector<16x1xi32>
      %gather3A_400 = vector.shape_cast %broadcast_in_dim3A_399 : vector<16x1xi32> to vector<16xi32>
      %gather3A_401 = tpu.dynamic_gather %get3A_260[%gather3A_400] in [0] : vector<16xi32>, vector<16xi32> -> vector<16xi32>
      %eq3A_402 = arith.constant 1 : i32
      %eq3A_403 = vector.broadcast %eq3A_402 : i32 to vector<16xi32>
      %eq3A_404 = arith.cmpi eq, %shift_right_arithmetic3A_6, %eq3A_403 : vector<16xi32>
      %broadcast_in_dim3A_405 = vector.shape_cast %add3A_395 : vector<16xi32> to vector<16x1xi32>
      %gather3A_406 = vector.shape_cast %broadcast_in_dim3A_405 : vector<16x1xi32> to vector<16xi32>
      %gather3A_407 = tpu.dynamic_gather %get3A_269[%gather3A_406] in [0] : vector<16xi32>, vector<16xi32> -> vector<16xi32>
      %eq3A_408 = arith.constant 2 : i32
      %eq3A_409 = vector.broadcast %eq3A_408 : i32 to vector<16xi32>
      %eq3A_410 = arith.cmpi eq, %shift_right_arithmetic3A_6, %eq3A_409 : vector<16xi32>
      %broadcast_in_dim3A_411 = vector.shape_cast %add3A_395 : vector<16xi32> to vector<16x1xi32>
      %gather3A_412 = vector.shape_cast %broadcast_in_dim3A_411 : vector<16x1xi32> to vector<16xi32>
      %gather3A_413 = tpu.dynamic_gather %get3A_278[%gather3A_412] in [0] : vector<16xi32>, vector<16xi32> -> vector<16xi32>
      %broadcast_in_dim3A_414 = vector.shape_cast %add3A_395 : vector<16xi32> to vector<16x1xi32>
      %gather3A_415 = vector.shape_cast %broadcast_in_dim3A_414 : vector<16x1xi32> to vector<16xi32>
      %gather3A_416 = tpu.dynamic_gather %get3A_287[%gather3A_415] in [0] : vector<16xi32>, vector<16xi32> -> vector<16xi32>
      %select_n3A_417 = arith.select %eq3A_410, %gather3A_413, %gather3A_416 : vector<16xi1>, vector<16xi32>
      %select_n3A_418 = arith.select %eq3A_404, %gather3A_407, %select_n3A_417 : vector<16xi1>, vector<16xi32>
      %select_n3A_419 = arith.select %eq3A_398, %gather3A_401, %select_n3A_418 : vector<16xi1>, vector<16xi32>
      %mul3A_420 = arith.constant 16 : i32
      %mul3A_421 = arith.muli %scan3A_253, %mul3A_420 : i32
      %add3A_422 = arith.constant 4800 : i32
      %add3A_423 = arith.addi %add3A_422, %mul3A_421 : i32
      %swap3A_424 = arith.index_cast %add3A_423 : i32 to index
      %swap3A_425 = tpu.vector_load %arg7[%swap3A_424] {strides = array<i32>} : memref<6400xi32, #tpu.memory_space<vmem>>, vector<16xi32>,
      %swap3A_426 = vector.shape_cast %swap3A_425 : vector<16xi32> to vector<16xi32>
      %swap3A_427 = vector.shape_cast %select_n3A_419 : vector<16xi32> to vector<16xi32>
      tpu.vector_store %arg7[%swap3A_424], %swap3A_427 {strides = array<i32>} : memref<6400xi32, #tpu.memory_space<vmem>>, vector<16xi32>,
      %scan3A_428 = arith.constant 2 : i32
      %scan3A_429 = arith.addi %scan3A_82, %scan3A_428 : i32
      %mul3A_430 = arith.constant 4 : i32
      %mul3A_431 = arith.muli %scan3A_429, %mul3A_430 : i32
      %mul3A_432 = arith.constant 16 : i32
      %mul3A_433 = arith.muli %mul3A_431, %mul3A_432 : i32
      %get3A_434 = arith.index_cast %mul3A_433 : i32 to index
      %get3A_435 = tpu.vector_load %arg6[%get3A_434] {strides = array<i32>} : memref<6400xi32, #tpu.memory_space<vmem>>, vector<16xi32>,
      %get3A_436 = vector.shape_cast %get3A_435 : vector<16xi32> to vector<16xi32>
      %mul3A_437 = arith.constant 4 : i32
      %mul3A_438 = arith.muli %scan3A_429, %mul3A_437 : i32
      %mul3A_439 = arith.constant 16 : i32
      %mul3A_440 = arith.muli %mul3A_438, %mul3A_439 : i32
      %add3A_441 = arith.constant 16 : i32
      %add3A_442 = arith.addi %mul3A_440, %add3A_441 : i32
      %get3A_443 = arith.index_cast %add3A_442 : i32 to index
      %get3A_444 = tpu.vector_load %arg6[%get3A_443] {strides = array<i32>} : memref<6400xi32, #tpu.memory_space<vmem>>, vector<16xi32>,
      %get3A_445 = vector.shape_cast %get3A_444 : vector<16xi32> to vector<16xi32>
      %mul3A_446 = arith.constant 4 : i32
      %mul3A_447 = arith.muli %scan3A_429, %mul3A_446 : i32
      %mul3A_448 = arith.constant 16 : i32
      %mul3A_449 = arith.muli %mul3A_447, %mul3A_448 : i32
      %add3A_450 = arith.constant 32 : i32
      %add3A_451 = arith.addi %mul3A_449, %add3A_450 : i32
      %get3A_452 = arith.index_cast %add3A_451 : i32 to index
      %get3A_453 = tpu.vector_load %arg6[%get3A_452] {strides = array<i32>} : memref<6400xi32, #tpu.memory_space<vmem>>, vector<16xi32>,
      %get3A_454 = vector.shape_cast %get3A_453 : vector<16xi32> to vector<16xi32>
      %mul3A_455 = arith.constant 4 : i32
      %mul3A_456 = arith.muli %scan3A_429, %mul3A_455 : i32
      %mul3A_457 = arith.constant 16 : i32
      %mul3A_458 = arith.muli %mul3A_456, %mul3A_457 : i32
      %add3A_459 = arith.constant 48 : i32
      %add3A_460 = arith.addi %mul3A_458, %add3A_459 : i32
      %get3A_461 = arith.index_cast %add3A_460 : i32 to index
      %get3A_462 = tpu.vector_load %arg6[%get3A_461] {strides = array<i32>} : memref<6400xi32, #tpu.memory_space<vmem>>, vector<16xi32>,
      %get3A_463 = vector.shape_cast %get3A_462 : vector<16xi32> to vector<16xi32>
      %add3A_464 = arith.constant 0 : i32
      %add3A_465 = vector.broadcast %add3A_464 : i32 to vector<16xi32>
      %add3A_466 = arith.addi %mul3A_11, %add3A_465 : vector<16xi32>
      %eq3A_467 = arith.constant 0 : i32
      %eq3A_468 = vector.broadcast %eq3A_467 : i32 to vector<16xi32>
      %eq3A_469 = arith.cmpi eq, %shift_right_arithmetic3A_6, %eq3A_468 : vector<16xi32>
      %broadcast_in_dim3A_470 = vector.shape_cast %add3A_466 : vector<16xi32> to vector<16x1xi32>
      %gather3A_471 = vector.shape_cast %broadcast_in_dim3A_470 : vector<16x1xi32> to vector<16xi32>
      %gather3A_472 = tpu.dynamic_gather %get3A_436[%gather3A_471] in [0] : vector<16xi32>, vector<16xi32> -> vector<16xi32>
      %eq3A_473 = arith.constant 1 : i32
      %eq3A_474 = vector.broadcast %eq3A_473 : i32 to vector<16xi32>
      %eq3A_475 = arith.cmpi eq, %shift_right_arithmetic3A_6, %eq3A_474 : vector<16xi32>
      %broadcast_in_dim3A_476 = vector.shape_cast %add3A_466 : vector<16xi32> to vector<16x1xi32>
      %gather3A_477 = vector.shape_cast %broadcast_in_dim3A_476 : vector<16x1xi32> to vector<16xi32>
      %gather3A_478 = tpu.dynamic_gather %get3A_445[%gather3A_477] in [0] : vector<16xi32>, vector<16xi32> -> vector<16xi32>
      %eq3A_479 = arith.constant 2 : i32
      %eq3A_480 = vector.broadcast %eq3A_479 : i32 to vector<16xi32>
      %eq3A_481 = arith.cmpi eq, %shift_right_arithmetic3A_6, %eq3A_480 : vector<16xi32>
      %broadcast_in_dim3A_482 = vector.shape_cast %add3A_466 : vector<16xi32> to vector<16x1xi32>
      %gather3A_483 = vector.shape_cast %broadcast_in_dim3A_482 : vector<16x1xi32> to vector<16xi32>
      %gather3A_484 = tpu.dynamic_gather %get3A_454[%gather3A_483] in [0] : vector<16xi32>, vector<16xi32> -> vector<16xi32>
      %broadcast_in_dim3A_485 = vector.shape_cast %add3A_466 : vector<16xi32> to vector<16x1xi32>
      %gather3A_486 = vector.shape_cast %broadcast_in_dim3A_485 : vector<16x1xi32> to vector<16xi32>
      %gather3A_487 = tpu.dynamic_gather %get3A_463[%gather3A_486] in [0] : vector<16xi32>, vector<16xi32> -> vector<16xi32>
      %select_n3A_488 = arith.select %eq3A_481, %gather3A_484, %gather3A_487 : vector<16xi1>, vector<16xi32>
      %select_n3A_489 = arith.select %eq3A_475, %gather3A_478, %select_n3A_488 : vector<16xi1>, vector<16xi32>
      %select_n3A_490 = arith.select %eq3A_469, %gather3A_472, %select_n3A_489 : vector<16xi1>, vector<16xi32>
      %mul3A_491 = arith.constant 16 : i32
      %mul3A_492 = arith.muli %scan3A_429, %mul3A_491 : i32
      %add3A_493 = arith.constant 0 : i32
      %add3A_494 = arith.addi %add3A_493, %mul3A_492 : i32
      %swap3A_495 = arith.index_cast %add3A_494 : i32 to index
      %swap3A_496 = tpu.vector_load %arg7[%swap3A_495] {strides = array<i32>} : memref<6400xi32, #tpu.memory_space<vmem>>, vector<16xi32>,
      %swap3A_497 = vector.shape_cast %swap3A_496 : vector<16xi32> to vector<16xi32>
      %swap3A_498 = vector.shape_cast %select_n3A_490 : vector<16xi32> to vector<16xi32>
      tpu.vector_store %arg7[%swap3A_495], %swap3A_498 {strides = array<i32>} : memref<6400xi32, #tpu.memory_space<vmem>>, vector<16xi32>,
      %add3A_499 = arith.constant 1 : i32
      %add3A_500 = vector.broadcast %add3A_499 : i32 to vector<16xi32>
      %add3A_501 = arith.addi %mul3A_11, %add3A_500 : vector<16xi32>
      %eq3A_502 = arith.constant 0 : i32
      %eq3A_503 = vector.broadcast %eq3A_502 : i32 to vector<16xi32>
      %eq3A_504 = arith.cmpi eq, %shift_right_arithmetic3A_6, %eq3A_503 : vector<16xi32>
      %broadcast_in_dim3A_505 = vector.shape_cast %add3A_501 : vector<16xi32> to vector<16x1xi32>
      %gather3A_506 = vector.shape_cast %broadcast_in_dim3A_505 : vector<16x1xi32> to vector<16xi32>
      %gather3A_507 = tpu.dynamic_gather %get3A_436[%gather3A_506] in [0] : vector<16xi32>, vector<16xi32> -> vector<16xi32>
      %eq3A_508 = arith.constant 1 : i32
      %eq3A_509 = vector.broadcast %eq3A_508 : i32 to vector<16xi32>
      %eq3A_510 = arith.cmpi eq, %shift_right_arithmetic3A_6, %eq3A_509 : vector<16xi32>
      %broadcast_in_dim3A_511 = vector.shape_cast %add3A_501 : vector<16xi32> to vector<16x1xi32>
      %gather3A_512 = vector.shape_cast %broadcast_in_dim3A_511 : vector<16x1xi32> to vector<16xi32>
      %gather3A_513 = tpu.dynamic_gather %get3A_445[%gather3A_512] in [0] : vector<16xi32>, vector<16xi32> -> vector<16xi32>
      %eq3A_514 = arith.constant 2 : i32
      %eq3A_515 = vector.broadcast %eq3A_514 : i32 to vector<16xi32>
      %eq3A_516 = arith.cmpi eq, %shift_right_arithmetic3A_6, %eq3A_515 : vector<16xi32>
      %broadcast_in_dim3A_517 = vector.shape_cast %add3A_501 : vector<16xi32> to vector<16x1xi32>
      %gather3A_518 = vector.shape_cast %broadcast_in_dim3A_517 : vector<16x1xi32> to vector<16xi32>
      %gather3A_519 = tpu.dynamic_gather %get3A_454[%gather3A_518] in [0] : vector<16xi32>, vector<16xi32> -> vector<16xi32>
      %broadcast_in_dim3A_520 = vector.shape_cast %add3A_501 : vector<16xi32> to vector<16x1xi32>
      %gather3A_521 = vector.shape_cast %broadcast_in_dim3A_520 : vector<16x1xi32> to vector<16xi32>
      %gather3A_522 = tpu.dynamic_gather %get3A_463[%gather3A_521] in [0] : vector<16xi32>, vector<16xi32> -> vector<16xi32>
      %select_n3A_523 = arith.select %eq3A_516, %gather3A_519, %gather3A_522 : vector<16xi1>, vector<16xi32>
      %select_n3A_524 = arith.select %eq3A_510, %gather3A_513, %select_n3A_523 : vector<16xi1>, vector<16xi32>
      %select_n3A_525 = arith.select %eq3A_504, %gather3A_507, %select_n3A_524 : vector<16xi1>, vector<16xi32>
      %mul3A_526 = arith.constant 16 : i32
      %mul3A_527 = arith.muli %scan3A_429, %mul3A_526 : i32
      %add3A_528 = arith.constant 1600 : i32
      %add3A_529 = arith.addi %add3A_528, %mul3A_527 : i32
      %swap3A_530 = arith.index_cast %add3A_529 : i32 to index
      %swap3A_531 = tpu.vector_load %arg7[%swap3A_530] {strides = array<i32>} : memref<6400xi32, #tpu.memory_space<vmem>>, vector<16xi32>,
      %swap3A_532 = vector.shape_cast %swap3A_531 : vector<16xi32> to vector<16xi32>
      %swap3A_533 = vector.shape_cast %select_n3A_525 : vector<16xi32> to vector<16xi32>
      tpu.vector_store %arg7[%swap3A_530], %swap3A_533 {strides = array<i32>} : memref<6400xi32, #tpu.memory_space<vmem>>, vector<16xi32>,
      %add3A_534 = arith.constant 2 : i32
      %add3A_535 = vector.broadcast %add3A_534 : i32 to vector<16xi32>
      %add3A_536 = arith.addi %mul3A_11, %add3A_535 : vector<16xi32>
      %eq3A_537 = arith.constant 0 : i32
      %eq3A_538 = vector.broadcast %eq3A_537 : i32 to vector<16xi32>
      %eq3A_539 = arith.cmpi eq, %shift_right_arithmetic3A_6, %eq3A_538 : vector<16xi32>
      %broadcast_in_dim3A_540 = vector.shape_cast %add3A_536 : vector<16xi32> to vector<16x1xi32>
      %gather3A_541 = vector.shape_cast %broadcast_in_dim3A_540 : vector<16x1xi32> to vector<16xi32>
      %gather3A_542 = tpu.dynamic_gather %get3A_436[%gather3A_541] in [0] : vector<16xi32>, vector<16xi32> -> vector<16xi32>
      %eq3A_543 = arith.constant 1 : i32
      %eq3A_544 = vector.broadcast %eq3A_543 : i32 to vector<16xi32>
      %eq3A_545 = arith.cmpi eq, %shift_right_arithmetic3A_6, %eq3A_544 : vector<16xi32>
      %broadcast_in_dim3A_546 = vector.shape_cast %add3A_536 : vector<16xi32> to vector<16x1xi32>
      %gather3A_547 = vector.shape_cast %broadcast_in_dim3A_546 : vector<16x1xi32> to vector<16xi32>
      %gather3A_548 = tpu.dynamic_gather %get3A_445[%gather3A_547] in [0] : vector<16xi32>, vector<16xi32> -> vector<16xi32>
      %eq3A_549 = arith.constant 2 : i32
      %eq3A_550 = vector.broadcast %eq3A_549 : i32 to vector<16xi32>
      %eq3A_551 = arith.cmpi eq, %shift_right_arithmetic3A_6, %eq3A_550 : vector<16xi32>
      %broadcast_in_dim3A_552 = vector.shape_cast %add3A_536 : vector<16xi32> to vector<16x1xi32>
      %gather3A_553 = vector.shape_cast %broadcast_in_dim3A_552 : vector<16x1xi32> to vector<16xi32>
      %gather3A_554 = tpu.dynamic_gather %get3A_454[%gather3A_553] in [0] : vector<16xi32>, vector<16xi32> -> vector<16xi32>
      %broadcast_in_dim3A_555 = vector.shape_cast %add3A_536 : vector<16xi32> to vector<16x1xi32>
      %gather3A_556 = vector.shape_cast %broadcast_in_dim3A_555 : vector<16x1xi32> to vector<16xi32>
      %gather3A_557 = tpu.dynamic_gather %get3A_463[%gather3A_556] in [0] : vector<16xi32>, vector<16xi32> -> vector<16xi32>
      %select_n3A_558 = arith.select %eq3A_551, %gather3A_554, %gather3A_557 : vector<16xi1>, vector<16xi32>
      %select_n3A_559 = arith.select %eq3A_545, %gather3A_548, %select_n3A_558 : vector<16xi1>, vector<16xi32>
      %select_n3A_560 = arith.select %eq3A_539, %gather3A_542, %select_n3A_559 : vector<16xi1>, vector<16xi32>
      %mul3A_561 = arith.constant 16 : i32
      %mul3A_562 = arith.muli %scan3A_429, %mul3A_561 : i32
      %add3A_563 = arith.constant 3200 : i32
      %add3A_564 = arith.addi %add3A_563, %mul3A_562 : i32
      %swap3A_565 = arith.index_cast %add3A_564 : i32 to index
      %swap3A_566 = tpu.vector_load %arg7[%swap3A_565] {strides = array<i32>} : memref<6400xi32, #tpu.memory_space<vmem>>, vector<16xi32>,
      %swap3A_567 = vector.shape_cast %swap3A_566 : vector<16xi32> to vector<16xi32>
      %swap3A_568 = vector.shape_cast %select_n3A_560 : vector<16xi32> to vector<16xi32>
      tpu.vector_store %arg7[%swap3A_565], %swap3A_568 {strides = array<i32>} : memref<6400xi32, #tpu.memory_space<vmem>>, vector<16xi32>,
      %add3A_569 = arith.constant 3 : i32
      %add3A_570 = vector.broadcast %add3A_569 : i32 to vector<16xi32>
      %add3A_571 = arith.addi %mul3A_11, %add3A_570 : vector<16xi32>
      %eq3A_572 = arith.constant 0 : i32
      %eq3A_573 = vector.broadcast %eq3A_572 : i32 to vector<16xi32>
      %eq3A_574 = arith.cmpi eq, %shift_right_arithmetic3A_6, %eq3A_573 : vector<16xi32>
      %broadcast_in_dim3A_575 = vector.shape_cast %add3A_571 : vector<16xi32> to vector<16x1xi32>
      %gather3A_576 = vector.shape_cast %broadcast_in_dim3A_575 : vector<16x1xi32> to vector<16xi32>
      %gather3A_577 = tpu.dynamic_gather %get3A_436[%gather3A_576] in [0] : vector<16xi32>, vector<16xi32> -> vector<16xi32>
      %eq3A_578 = arith.constant 1 : i32
      %eq3A_579 = vector.broadcast %eq3A_578 : i32 to vector<16xi32>
      %eq3A_580 = arith.cmpi eq, %shift_right_arithmetic3A_6, %eq3A_579 : vector<16xi32>
      %broadcast_in_dim3A_581 = vector.shape_cast %add3A_571 : vector<16xi32> to vector<16x1xi32>
      %gather3A_582 = vector.shape_cast %broadcast_in_dim3A_581 : vector<16x1xi32> to vector<16xi32>
      %gather3A_583 = tpu.dynamic_gather %get3A_445[%gather3A_582] in [0] : vector<16xi32>, vector<16xi32> -> vector<16xi32>
      %eq3A_584 = arith.constant 2 : i32
      %eq3A_585 = vector.broadcast %eq3A_584 : i32 to vector<16xi32>
      %eq3A_586 = arith.cmpi eq, %shift_right_arithmetic3A_6, %eq3A_585 : vector<16xi32>
      %broadcast_in_dim3A_587 = vector.shape_cast %add3A_571 : vector<16xi32> to vector<16x1xi32>
      %gather3A_588 = vector.shape_cast %broadcast_in_dim3A_587 : vector<16x1xi32> to vector<16xi32>
      %gather3A_589 = tpu.dynamic_gather %get3A_454[%gather3A_588] in [0] : vector<16xi32>, vector<16xi32> -> vector<16xi32>
      %broadcast_in_dim3A_590 = vector.shape_cast %add3A_571 : vector<16xi32> to vector<16x1xi32>
      %gather3A_591 = vector.shape_cast %broadcast_in_dim3A_590 : vector<16x1xi32> to vector<16xi32>
      %gather3A_592 = tpu.dynamic_gather %get3A_463[%gather3A_591] in [0] : vector<16xi32>, vector<16xi32> -> vector<16xi32>
      %select_n3A_593 = arith.select %eq3A_586, %gather3A_589, %gather3A_592 : vector<16xi1>, vector<16xi32>
      %select_n3A_594 = arith.select %eq3A_580, %gather3A_583, %select_n3A_593 : vector<16xi1>, vector<16xi32>
      %select_n3A_595 = arith.select %eq3A_574, %gather3A_577, %select_n3A_594 : vector<16xi1>, vector<16xi32>
      %mul3A_596 = arith.constant 16 : i32
      %mul3A_597 = arith.muli %scan3A_429, %mul3A_596 : i32
      %add3A_598 = arith.constant 4800 : i32
      %add3A_599 = arith.addi %add3A_598, %mul3A_597 : i32
      %swap3A_600 = arith.index_cast %add3A_599 : i32 to index
      %swap3A_601 = tpu.vector_load %arg7[%swap3A_600] {strides = array<i32>} : memref<6400xi32, #tpu.memory_space<vmem>>, vector<16xi32>,
      %swap3A_602 = vector.shape_cast %swap3A_601 : vector<16xi32> to vector<16xi32>
      %swap3A_603 = vector.shape_cast %select_n3A_595 : vector<16xi32> to vector<16xi32>
      tpu.vector_store %arg7[%swap3A_600], %swap3A_603 {strides = array<i32>} : memref<6400xi32, #tpu.memory_space<vmem>>, vector<16xi32>,
      %scan3A_604 = arith.constant 3 : i32
      %scan3A_605 = arith.addi %scan3A_82, %scan3A_604 : i32
      %mul3A_606 = arith.constant 4 : i32
      %mul3A_607 = arith.muli %scan3A_605, %mul3A_606 : i32
      %mul3A_608 = arith.constant 16 : i32
      %mul3A_609 = arith.muli %mul3A_607, %mul3A_608 : i32
      %get3A_610 = arith.index_cast %mul3A_609 : i32 to index
      %get3A_611 = tpu.vector_load %arg6[%get3A_610] {strides = array<i32>} : memref<6400xi32, #tpu.memory_space<vmem>>, vector<16xi32>,
      %get3A_612 = vector.shape_cast %get3A_611 : vector<16xi32> to vector<16xi32>
      %mul3A_613 = arith.constant 4 : i32
      %mul3A_614 = arith.muli %scan3A_605, %mul3A_613 : i32
      %mul3A_615 = arith.constant 16 : i32
      %mul3A_616 = arith.muli %mul3A_614, %mul3A_615 : i32
      %add3A_617 = arith.constant 16 : i32
      %add3A_618 = arith.addi %mul3A_616, %add3A_617 : i32
      %get3A_619 = arith.index_cast %add3A_618 : i32 to index
      %get3A_620 = tpu.vector_load %arg6[%get3A_619] {strides = array<i32>} : memref<6400xi32, #tpu.memory_space<vmem>>, vector<16xi32>,
      %get3A_621 = vector.shape_cast %get3A_620 : vector<16xi32> to vector<16xi32>
      %mul3A_622 = arith.constant 4 : i32
      %mul3A_623 = arith.muli %scan3A_605, %mul3A_622 : i32
      %mul3A_624 = arith.constant 16 : i32
      %mul3A_625 = arith.muli %mul3A_623, %mul3A_624 : i32
      %add3A_626 = arith.constant 32 : i32
      %add3A_627 = arith.addi %mul3A_625, %add3A_626 : i32
      %get3A_628 = arith.index_cast %add3A_627 : i32 to index
      %get3A_629 = tpu.vector_load %arg6[%get3A_628] {strides = array<i32>} : memref<6400xi32, #tpu.memory_space<vmem>>, vector<16xi32>,
      %get3A_630 = vector.shape_cast %get3A_629 : vector<16xi32> to vector<16xi32>
      %mul3A_631 = arith.constant 4 : i32
      %mul3A_632 = arith.muli %scan3A_605, %mul3A_631 : i32
      %mul3A_633 = arith.constant 16 : i32
      %mul3A_634 = arith.muli %mul3A_632, %mul3A_633 : i32
      %add3A_635 = arith.constant 48 : i32
      %add3A_636 = arith.addi %mul3A_634, %add3A_635 : i32
      %get3A_637 = arith.index_cast %add3A_636 : i32 to index
      %get3A_638 = tpu.vector_load %arg6[%get3A_637] {strides = array<i32>} : memref<6400xi32, #tpu.memory_space<vmem>>, vector<16xi32>,
      %get3A_639 = vector.shape_cast %get3A_638 : vector<16xi32> to vector<16xi32>
      %add3A_640 = arith.constant 0 : i32
      %add3A_641 = vector.broadcast %add3A_640 : i32 to vector<16xi32>
      %add3A_642 = arith.addi %mul3A_11, %add3A_641 : vector<16xi32>
      %eq3A_643 = arith.constant 0 : i32
      %eq3A_644 = vector.broadcast %eq3A_643 : i32 to vector<16xi32>
      %eq3A_645 = arith.cmpi eq, %shift_right_arithmetic3A_6, %eq3A_644 : vector<16xi32>
      %broadcast_in_dim3A_646 = vector.shape_cast %add3A_642 : vector<16xi32> to vector<16x1xi32>
      %gather3A_647 = vector.shape_cast %broadcast_in_dim3A_646 : vector<16x1xi32> to vector<16xi32>
      %gather3A_648 = tpu.dynamic_gather %get3A_612[%gather3A_647] in [0] : vector<16xi32>, vector<16xi32> -> vector<16xi32>
      %eq3A_649 = arith.constant 1 : i32
      %eq3A_650 = vector.broadcast %eq3A_649 : i32 to vector<16xi32>
      %eq3A_651 = arith.cmpi eq, %shift_right_arithmetic3A_6, %eq3A_650 : vector<16xi32>
      %broadcast_in_dim3A_652 = vector.shape_cast %add3A_642 : vector<16xi32> to vector<16x1xi32>
      %gather3A_653 = vector.shape_cast %broadcast_in_dim3A_652 : vector<16x1xi32> to vector<16xi32>
      %gather3A_654 = tpu.dynamic_gather %get3A_621[%gather3A_653] in [0] : vector<16xi32>, vector<16xi32> -> vector<16xi32>
      %eq3A_655 = arith.constant 2 : i32
      %eq3A_656 = vector.broadcast %eq3A_655 : i32 to vector<16xi32>
      %eq3A_657 = arith.cmpi eq, %shift_right_arithmetic3A_6, %eq3A_656 : vector<16xi32>
      %broadcast_in_dim3A_658 = vector.shape_cast %add3A_642 : vector<16xi32> to vector<16x1xi32>
      %gather3A_659 = vector.shape_cast %broadcast_in_dim3A_658 : vector<16x1xi32> to vector<16xi32>
      %gather3A_660 = tpu.dynamic_gather %get3A_630[%gather3A_659] in [0] : vector<16xi32>, vector<16xi32> -> vector<16xi32>
      %broadcast_in_dim3A_661 = vector.shape_cast %add3A_642 : vector<16xi32> to vector<16x1xi32>
      %gather3A_662 = vector.shape_cast %broadcast_in_dim3A_661 : vector<16x1xi32> to vector<16xi32>
      %gather3A_663 = tpu.dynamic_gather %get3A_639[%gather3A_662] in [0] : vector<16xi32>, vector<16xi32> -> vector<16xi32>
      %select_n3A_664 = arith.select %eq3A_657, %gather3A_660, %gather3A_663 : vector<16xi1>, vector<16xi32>
      %select_n3A_665 = arith.select %eq3A_651, %gather3A_654, %select_n3A_664 : vector<16xi1>, vector<16xi32>
      %select_n3A_666 = arith.select %eq3A_645, %gather3A_648, %select_n3A_665 : vector<16xi1>, vector<16xi32>
      %mul3A_667 = arith.constant 16 : i32
      %mul3A_668 = arith.muli %scan3A_605, %mul3A_667 : i32
      %add3A_669 = arith.constant 0 : i32
      %add3A_670 = arith.addi %add3A_669, %mul3A_668 : i32
      %swap3A_671 = arith.index_cast %add3A_670 : i32 to index
      %swap3A_672 = tpu.vector_load %arg7[%swap3A_671] {strides = array<i32>} : memref<6400xi32, #tpu.memory_space<vmem>>, vector<16xi32>,
      %swap3A_673 = vector.shape_cast %swap3A_672 : vector<16xi32> to vector<16xi32>
      %swap3A_674 = vector.shape_cast %select_n3A_666 : vector<16xi32> to vector<16xi32>
      tpu.vector_store %arg7[%swap3A_671], %swap3A_674 {strides = array<i32>} : memref<6400xi32, #tpu.memory_space<vmem>>, vector<16xi32>,
      %add3A_675 = arith.constant 1 : i32
      %add3A_676 = vector.broadcast %add3A_675 : i32 to vector<16xi32>
      %add3A_677 = arith.addi %mul3A_11, %add3A_676 : vector<16xi32>
      %eq3A_678 = arith.constant 0 : i32
      %eq3A_679 = vector.broadcast %eq3A_678 : i32 to vector<16xi32>
      %eq3A_680 = arith.cmpi eq, %shift_right_arithmetic3A_6, %eq3A_679 : vector<16xi32>
      %broadcast_in_dim3A_681 = vector.shape_cast %add3A_677 : vector<16xi32> to vector<16x1xi32>
      %gather3A_682 = vector.shape_cast %broadcast_in_dim3A_681 : vector<16x1xi32> to vector<16xi32>
      %gather3A_683 = tpu.dynamic_gather %get3A_612[%gather3A_682] in [0] : vector<16xi32>, vector<16xi32> -> vector<16xi32>
      %eq3A_684 = arith.constant 1 : i32
      %eq3A_685 = vector.broadcast %eq3A_684 : i32 to vector<16xi32>
      %eq3A_686 = arith.cmpi eq, %shift_right_arithmetic3A_6, %eq3A_685 : vector<16xi32>
      %broadcast_in_dim3A_687 = vector.shape_cast %add3A_677 : vector<16xi32> to vector<16x1xi32>
      %gather3A_688 = vector.shape_cast %broadcast_in_dim3A_687 : vector<16x1xi32> to vector<16xi32>
      %gather3A_689 = tpu.dynamic_gather %get3A_621[%gather3A_688] in [0] : vector<16xi32>, vector<16xi32> -> vector<16xi32>
      %eq3A_690 = arith.constant 2 : i32
      %eq3A_691 = vector.broadcast %eq3A_690 : i32 to vector<16xi32>
      %eq3A_692 = arith.cmpi eq, %shift_right_arithmetic3A_6, %eq3A_691 : vector<16xi32>
      %broadcast_in_dim3A_693 = vector.shape_cast %add3A_677 : vector<16xi32> to vector<16x1xi32>
      %gather3A_694 = vector.shape_cast %broadcast_in_dim3A_693 : vector<16x1xi32> to vector<16xi32>
      %gather3A_695 = tpu.dynamic_gather %get3A_630[%gather3A_694] in [0] : vector<16xi32>, vector<16xi32> -> vector<16xi32>
      %broadcast_in_dim3A_696 = vector.shape_cast %add3A_677 : vector<16xi32> to vector<16x1xi32>
      %gather3A_697 = vector.shape_cast %broadcast_in_dim3A_696 : vector<16x1xi32> to vector<16xi32>
      %gather3A_698 = tpu.dynamic_gather %get3A_639[%gather3A_697] in [0] : vector<16xi32>, vector<16xi32> -> vector<16xi32>
      %select_n3A_699 = arith.select %eq3A_692, %gather3A_695, %gather3A_698 : vector<16xi1>, vector<16xi32>
      %select_n3A_700 = arith.select %eq3A_686, %gather3A_689, %select_n3A_699 : vector<16xi1>, vector<16xi32>
      %select_n3A_701 = arith.select %eq3A_680, %gather3A_683, %select_n3A_700 : vector<16xi1>, vector<16xi32>
      %mul3A_702 = arith.constant 16 : i32
      %mul3A_703 = arith.muli %scan3A_605, %mul3A_702 : i32
      %add3A_704 = arith.constant 1600 : i32
      %add3A_705 = arith.addi %add3A_704, %mul3A_703 : i32
      %swap3A_706 = arith.index_cast %add3A_705 : i32 to index
      %swap3A_707 = tpu.vector_load %arg7[%swap3A_706] {strides = array<i32>} : memref<6400xi32, #tpu.memory_space<vmem>>, vector<16xi32>,
      %swap3A_708 = vector.shape_cast %swap3A_707 : vector<16xi32> to vector<16xi32>
      %swap3A_709 = vector.shape_cast %select_n3A_701 : vector<16xi32> to vector<16xi32>
      tpu.vector_store %arg7[%swap3A_706], %swap3A_709 {strides = array<i32>} : memref<6400xi32, #tpu.memory_space<vmem>>, vector<16xi32>,
      %add3A_710 = arith.constant 2 : i32
      %add3A_711 = vector.broadcast %add3A_710 : i32 to vector<16xi32>
      %add3A_712 = arith.addi %mul3A_11, %add3A_711 : vector<16xi32>
      %eq3A_713 = arith.constant 0 : i32
      %eq3A_714 = vector.broadcast %eq3A_713 : i32 to vector<16xi32>
      %eq3A_715 = arith.cmpi eq, %shift_right_arithmetic3A_6, %eq3A_714 : vector<16xi32>
      %broadcast_in_dim3A_716 = vector.shape_cast %add3A_712 : vector<16xi32> to vector<16x1xi32>
      %gather3A_717 = vector.shape_cast %broadcast_in_dim3A_716 : vector<16x1xi32> to vector<16xi32>
      %gather3A_718 = tpu.dynamic_gather %get3A_612[%gather3A_717] in [0] : vector<16xi32>, vector<16xi32> -> vector<16xi32>
      %eq3A_719 = arith.constant 1 : i32
      %eq3A_720 = vector.broadcast %eq3A_719 : i32 to vector<16xi32>
      %eq3A_721 = arith.cmpi eq, %shift_right_arithmetic3A_6, %eq3A_720 : vector<16xi32>
      %broadcast_in_dim3A_722 = vector.shape_cast %add3A_712 : vector<16xi32> to vector<16x1xi32>
      %gather3A_723 = vector.shape_cast %broadcast_in_dim3A_722 : vector<16x1xi32> to vector<16xi32>
      %gather3A_724 = tpu.dynamic_gather %get3A_621[%gather3A_723] in [0] : vector<16xi32>, vector<16xi32> -> vector<16xi32>
      %eq3A_725 = arith.constant 2 : i32
      %eq3A_726 = vector.broadcast %eq3A_725 : i32 to vector<16xi32>
      %eq3A_727 = arith.cmpi eq, %shift_right_arithmetic3A_6, %eq3A_726 : vector<16xi32>
      %broadcast_in_dim3A_728 = vector.shape_cast %add3A_712 : vector<16xi32> to vector<16x1xi32>
      %gather3A_729 = vector.shape_cast %broadcast_in_dim3A_728 : vector<16x1xi32> to vector<16xi32>
      %gather3A_730 = tpu.dynamic_gather %get3A_630[%gather3A_729] in [0] : vector<16xi32>, vector<16xi32> -> vector<16xi32>
      %broadcast_in_dim3A_731 = vector.shape_cast %add3A_712 : vector<16xi32> to vector<16x1xi32>
      %gather3A_732 = vector.shape_cast %broadcast_in_dim3A_731 : vector<16x1xi32> to vector<16xi32>
      %gather3A_733 = tpu.dynamic_gather %get3A_639[%gather3A_732] in [0] : vector<16xi32>, vector<16xi32> -> vector<16xi32>
      %select_n3A_734 = arith.select %eq3A_727, %gather3A_730, %gather3A_733 : vector<16xi1>, vector<16xi32>
      %select_n3A_735 = arith.select %eq3A_721, %gather3A_724, %select_n3A_734 : vector<16xi1>, vector<16xi32>
      %select_n3A_736 = arith.select %eq3A_715, %gather3A_718, %select_n3A_735 : vector<16xi1>, vector<16xi32>
      %mul3A_737 = arith.constant 16 : i32
      %mul3A_738 = arith.muli %scan3A_605, %mul3A_737 : i32
      %add3A_739 = arith.constant 3200 : i32
      %add3A_740 = arith.addi %add3A_739, %mul3A_738 : i32
      %swap3A_741 = arith.index_cast %add3A_740 : i32 to index
      %swap3A_742 = tpu.vector_load %arg7[%swap3A_741] {strides = array<i32>} : memref<6400xi32, #tpu.memory_space<vmem>>, vector<16xi32>,
      %swap3A_743 = vector.shape_cast %swap3A_742 : vector<16xi32> to vector<16xi32>
      %swap3A_744 = vector.shape_cast %select_n3A_736 : vector<16xi32> to vector<16xi32>
      tpu.vector_store %arg7[%swap3A_741], %swap3A_744 {strides = array<i32>} : memref<6400xi32, #tpu.memory_space<vmem>>, vector<16xi32>,
      %add3A_745 = arith.constant 3 : i32
      %add3A_746 = vector.broadcast %add3A_745 : i32 to vector<16xi32>
      %add3A_747 = arith.addi %mul3A_11, %add3A_746 : vector<16xi32>
      %eq3A_748 = arith.constant 0 : i32
      %eq3A_749 = vector.broadcast %eq3A_748 : i32 to vector<16xi32>
      %eq3A_750 = arith.cmpi eq, %shift_right_arithmetic3A_6, %eq3A_749 : vector<16xi32>
      %broadcast_in_dim3A_751 = vector.shape_cast %add3A_747 : vector<16xi32> to vector<16x1xi32>
      %gather3A_752 = vector.shape_cast %broadcast_in_dim3A_751 : vector<16x1xi32> to vector<16xi32>
      %gather3A_753 = tpu.dynamic_gather %get3A_612[%gather3A_752] in [0] : vector<16xi32>, vector<16xi32> -> vector<16xi32>
      %eq3A_754 = arith.constant 1 : i32
      %eq3A_755 = vector.broadcast %eq3A_754 : i32 to vector<16xi32>
      %eq3A_756 = arith.cmpi eq, %shift_right_arithmetic3A_6, %eq3A_755 : vector<16xi32>
      %broadcast_in_dim3A_757 = vector.shape_cast %add3A_747 : vector<16xi32> to vector<16x1xi32>
      %gather3A_758 = vector.shape_cast %broadcast_in_dim3A_757 : vector<16x1xi32> to vector<16xi32>
      %gather3A_759 = tpu.dynamic_gather %get3A_621[%gather3A_758] in [0] : vector<16xi32>, vector<16xi32> -> vector<16xi32>
      %eq3A_760 = arith.constant 2 : i32
      %eq3A_761 = vector.broadcast %eq3A_760 : i32 to vector<16xi32>
      %eq3A_762 = arith.cmpi eq, %shift_right_arithmetic3A_6, %eq3A_761 : vector<16xi32>
      %broadcast_in_dim3A_763 = vector.shape_cast %add3A_747 : vector<16xi32> to vector<16x1xi32>
      %gather3A_764 = vector.shape_cast %broadcast_in_dim3A_763 : vector<16x1xi32> to vector<16xi32>
      %gather3A_765 = tpu.dynamic_gather %get3A_630[%gather3A_764] in [0] : vector<16xi32>, vector<16xi32> -> vector<16xi32>
      %broadcast_in_dim3A_766 = vector.shape_cast %add3A_747 : vector<16xi32> to vector<16x1xi32>
      %gather3A_767 = vector.shape_cast %broadcast_in_dim3A_766 : vector<16x1xi32> to vector<16xi32>
      %gather3A_768 = tpu.dynamic_gather %get3A_639[%gather3A_767] in [0] : vector<16xi32>, vector<16xi32> -> vector<16xi32>
      %select_n3A_769 = arith.select %eq3A_762, %gather3A_765, %gather3A_768 : vector<16xi1>, vector<16xi32>
      %select_n3A_770 = arith.select %eq3A_756, %gather3A_759, %select_n3A_769 : vector<16xi1>, vector<16xi32>
      %select_n3A_771 = arith.select %eq3A_750, %gather3A_753, %select_n3A_770 : vector<16xi1>, vector<16xi32>
      %mul3A_772 = arith.constant 16 : i32
      %mul3A_773 = arith.muli %scan3A_605, %mul3A_772 : i32
      %add3A_774 = arith.constant 4800 : i32
      %add3A_775 = arith.addi %add3A_774, %mul3A_773 : i32
      %swap3A_776 = arith.index_cast %add3A_775 : i32 to index
      %swap3A_777 = tpu.vector_load %arg7[%swap3A_776] {strides = array<i32>} : memref<6400xi32, #tpu.memory_space<vmem>>, vector<16xi32>,
      %swap3A_778 = vector.shape_cast %swap3A_777 : vector<16xi32> to vector<16xi32>
      %swap3A_779 = vector.shape_cast %select_n3A_771 : vector<16xi32> to vector<16xi32>
      tpu.vector_store %arg7[%swap3A_776], %swap3A_779 {strides = array<i32>} : memref<6400xi32, #tpu.memory_space<vmem>>, vector<16xi32>,
    }
    %scan3A_17 = arith.constant 20 : i32
    %scan3A_18 = arith.constant 0 : i32
    %scan3A_19 = arith.constant 0 : i32
    %scan3A_20 = arith.constant 320 : i32
    %scan3A_21 = arith.addi %scan3A_19, %scan3A_20 : i32
    %scan3A_22 = arith.constant 2 : i32
    scf.for %scan3A_82 = %scan3A_19 to %scan3A_21 step %scan3A_22  : i32 {
      %swap3A = arith.index_cast %scan3A_82 : i32 to index
      %swap3A_83 = arith.constant 0 : index
      %swap3A_84 = tpu.vector_load %arg8[%swap3A, %swap3A_83] {strides = array<i32>} : memref<320x128xf32, #tpu.memory_space<vmem>>, vector<1x16xf32>,
      %swap3A_85 = vector.shape_cast %swap3A_84 : vector<1x16xf32> to vector<16xf32>
      %swap3A_86 = vector.shape_cast %broadcast_in_dim3A_12 : vector<16xf32> to vector<1x16xf32>
      tpu.vector_store %arg8[%swap3A, %swap3A_83], %swap3A_86 {strides = array<i32>} : memref<320x128xf32, #tpu.memory_space<vmem>>, vector<1x16xf32>,
      %swap3A_87 = arith.index_cast %scan3A_82 : i32 to index
      %swap3A_88 = arith.constant 16 : index
      %swap3A_89 = tpu.vector_load %arg8[%swap3A_87, %swap3A_88] {strides = array<i32>} : memref<320x128xf32, #tpu.memory_space<vmem>>, vector<1x16xf32>,
      %swap3A_90 = vector.shape_cast %swap3A_89 : vector<1x16xf32> to vector<16xf32>
      %swap3A_91 = vector.shape_cast %broadcast_in_dim3A_12 : vector<16xf32> to vector<1x16xf32>
      tpu.vector_store %arg8[%swap3A_87, %swap3A_88], %swap3A_91 {strides = array<i32>} : memref<320x128xf32, #tpu.memory_space<vmem>>, vector<1x16xf32>,
      %swap3A_92 = arith.index_cast %scan3A_82 : i32 to index
      %swap3A_93 = arith.constant 32 : index
      %swap3A_94 = tpu.vector_load %arg8[%swap3A_92, %swap3A_93] {strides = array<i32>} : memref<320x128xf32, #tpu.memory_space<vmem>>, vector<1x16xf32>,
      %swap3A_95 = vector.shape_cast %swap3A_94 : vector<1x16xf32> to vector<16xf32>
      %swap3A_96 = vector.shape_cast %broadcast_in_dim3A_12 : vector<16xf32> to vector<1x16xf32>
      tpu.vector_store %arg8[%swap3A_92, %swap3A_93], %swap3A_96 {strides = array<i32>} : memref<320x128xf32, #tpu.memory_space<vmem>>, vector<1x16xf32>,
      %swap3A_97 = arith.index_cast %scan3A_82 : i32 to index
      %swap3A_98 = arith.constant 48 : index
      %swap3A_99 = tpu.vector_load %arg8[%swap3A_97, %swap3A_98] {strides = array<i32>} : memref<320x128xf32, #tpu.memory_space<vmem>>, vector<1x16xf32>,
      %swap3A_100 = vector.shape_cast %swap3A_99 : vector<1x16xf32> to vector<16xf32>
      %swap3A_101 = vector.shape_cast %broadcast_in_dim3A_12 : vector<16xf32> to vector<1x16xf32>
      tpu.vector_store %arg8[%swap3A_97, %swap3A_98], %swap3A_101 {strides = array<i32>} : memref<320x128xf32, #tpu.memory_space<vmem>>, vector<1x16xf32>,
      %swap3A_102 = arith.index_cast %scan3A_82 : i32 to index
      %swap3A_103 = arith.constant 64 : index
      %swap3A_104 = tpu.vector_load %arg8[%swap3A_102, %swap3A_103] {strides = array<i32>} : memref<320x128xf32, #tpu.memory_space<vmem>>, vector<1x16xf32>,
      %swap3A_105 = vector.shape_cast %swap3A_104 : vector<1x16xf32> to vector<16xf32>
      %swap3A_106 = vector.shape_cast %broadcast_in_dim3A_12 : vector<16xf32> to vector<1x16xf32>
      tpu.vector_store %arg8[%swap3A_102, %swap3A_103], %swap3A_106 {strides = array<i32>} : memref<320x128xf32, #tpu.memory_space<vmem>>, vector<1x16xf32>,
      %swap3A_107 = arith.index_cast %scan3A_82 : i32 to index
      %swap3A_108 = arith.constant 80 : index
      %swap3A_109 = tpu.vector_load %arg8[%swap3A_107, %swap3A_108] {strides = array<i32>} : memref<320x128xf32, #tpu.memory_space<vmem>>, vector<1x16xf32>,
      %swap3A_110 = vector.shape_cast %swap3A_109 : vector<1x16xf32> to vector<16xf32>
      %swap3A_111 = vector.shape_cast %broadcast_in_dim3A_12 : vector<16xf32> to vector<1x16xf32>
      tpu.vector_store %arg8[%swap3A_107, %swap3A_108], %swap3A_111 {strides = array<i32>} : memref<320x128xf32, #tpu.memory_space<vmem>>, vector<1x16xf32>,
      %swap3A_112 = arith.index_cast %scan3A_82 : i32 to index
      %swap3A_113 = arith.constant 96 : index
      %swap3A_114 = tpu.vector_load %arg8[%swap3A_112, %swap3A_113] {strides = array<i32>} : memref<320x128xf32, #tpu.memory_space<vmem>>, vector<1x16xf32>,
      %swap3A_115 = vector.shape_cast %swap3A_114 : vector<1x16xf32> to vector<16xf32>
      %swap3A_116 = vector.shape_cast %broadcast_in_dim3A_12 : vector<16xf32> to vector<1x16xf32>
      tpu.vector_store %arg8[%swap3A_112, %swap3A_113], %swap3A_116 {strides = array<i32>} : memref<320x128xf32, #tpu.memory_space<vmem>>, vector<1x16xf32>,
      %swap3A_117 = arith.index_cast %scan3A_82 : i32 to index
      %swap3A_118 = arith.constant 112 : index
      %swap3A_119 = tpu.vector_load %arg8[%swap3A_117, %swap3A_118] {strides = array<i32>} : memref<320x128xf32, #tpu.memory_space<vmem>>, vector<1x16xf32>,
      %swap3A_120 = vector.shape_cast %swap3A_119 : vector<1x16xf32> to vector<16xf32>
      %swap3A_121 = vector.shape_cast %broadcast_in_dim3A_12 : vector<16xf32> to vector<1x16xf32>
      tpu.vector_store %arg8[%swap3A_117, %swap3A_118], %swap3A_121 {strides = array<i32>} : memref<320x128xf32, #tpu.memory_space<vmem>>, vector<1x16xf32>,
      %scan3A_122 = arith.constant 1 : i32
      %scan3A_123 = arith.addi %scan3A_82, %scan3A_122 : i32
      %swap3A_124 = arith.index_cast %scan3A_123 : i32 to index
      %swap3A_125 = arith.constant 0 : index
      %swap3A_126 = tpu.vector_load %arg8[%swap3A_124, %swap3A_125] {strides = array<i32>} : memref<320x128xf32, #tpu.memory_space<vmem>>, vector<1x16xf32>,
      %swap3A_127 = vector.shape_cast %swap3A_126 : vector<1x16xf32> to vector<16xf32>
      %swap3A_128 = vector.shape_cast %broadcast_in_dim3A_12 : vector<16xf32> to vector<1x16xf32>
      tpu.vector_store %arg8[%swap3A_124, %swap3A_125], %swap3A_128 {strides = array<i32>} : memref<320x128xf32, #tpu.memory_space<vmem>>, vector<1x16xf32>,
      %swap3A_129 = arith.index_cast %scan3A_123 : i32 to index
      %swap3A_130 = arith.constant 16 : index
      %swap3A_131 = tpu.vector_load %arg8[%swap3A_129, %swap3A_130] {strides = array<i32>} : memref<320x128xf32, #tpu.memory_space<vmem>>, vector<1x16xf32>,
      %swap3A_132 = vector.shape_cast %swap3A_131 : vector<1x16xf32> to vector<16xf32>
      %swap3A_133 = vector.shape_cast %broadcast_in_dim3A_12 : vector<16xf32> to vector<1x16xf32>
      tpu.vector_store %arg8[%swap3A_129, %swap3A_130], %swap3A_133 {strides = array<i32>} : memref<320x128xf32, #tpu.memory_space<vmem>>, vector<1x16xf32>,
      %swap3A_134 = arith.index_cast %scan3A_123 : i32 to index
      %swap3A_135 = arith.constant 32 : index
      %swap3A_136 = tpu.vector_load %arg8[%swap3A_134, %swap3A_135] {strides = array<i32>} : memref<320x128xf32, #tpu.memory_space<vmem>>, vector<1x16xf32>,
      %swap3A_137 = vector.shape_cast %swap3A_136 : vector<1x16xf32> to vector<16xf32>
      %swap3A_138 = vector.shape_cast %broadcast_in_dim3A_12 : vector<16xf32> to vector<1x16xf32>
      tpu.vector_store %arg8[%swap3A_134, %swap3A_135], %swap3A_138 {strides = array<i32>} : memref<320x128xf32, #tpu.memory_space<vmem>>, vector<1x16xf32>,
      %swap3A_139 = arith.index_cast %scan3A_123 : i32 to index
      %swap3A_140 = arith.constant 48 : index
      %swap3A_141 = tpu.vector_load %arg8[%swap3A_139, %swap3A_140] {strides = array<i32>} : memref<320x128xf32, #tpu.memory_space<vmem>>, vector<1x16xf32>,
      %swap3A_142 = vector.shape_cast %swap3A_141 : vector<1x16xf32> to vector<16xf32>
      %swap3A_143 = vector.shape_cast %broadcast_in_dim3A_12 : vector<16xf32> to vector<1x16xf32>
      tpu.vector_store %arg8[%swap3A_139, %swap3A_140], %swap3A_143 {strides = array<i32>} : memref<320x128xf32, #tpu.memory_space<vmem>>, vector<1x16xf32>,
      %swap3A_144 = arith.index_cast %scan3A_123 : i32 to index
      %swap3A_145 = arith.constant 64 : index
      %swap3A_146 = tpu.vector_load %arg8[%swap3A_144, %swap3A_145] {strides = array<i32>} : memref<320x128xf32, #tpu.memory_space<vmem>>, vector<1x16xf32>,
      %swap3A_147 = vector.shape_cast %swap3A_146 : vector<1x16xf32> to vector<16xf32>
      %swap3A_148 = vector.shape_cast %broadcast_in_dim3A_12 : vector<16xf32> to vector<1x16xf32>
      tpu.vector_store %arg8[%swap3A_144, %swap3A_145], %swap3A_148 {strides = array<i32>} : memref<320x128xf32, #tpu.memory_space<vmem>>, vector<1x16xf32>,
      %swap3A_149 = arith.index_cast %scan3A_123 : i32 to index
      %swap3A_150 = arith.constant 80 : index
      %swap3A_151 = tpu.vector_load %arg8[%swap3A_149, %swap3A_150] {strides = array<i32>} : memref<320x128xf32, #tpu.memory_space<vmem>>, vector<1x16xf32>,
      %swap3A_152 = vector.shape_cast %swap3A_151 : vector<1x16xf32> to vector<16xf32>
      %swap3A_153 = vector.shape_cast %broadcast_in_dim3A_12 : vector<16xf32> to vector<1x16xf32>
      tpu.vector_store %arg8[%swap3A_149, %swap3A_150], %swap3A_153 {strides = array<i32>} : memref<320x128xf32, #tpu.memory_space<vmem>>, vector<1x16xf32>,
      %swap3A_154 = arith.index_cast %scan3A_123 : i32 to index
      %swap3A_155 = arith.constant 96 : index
      %swap3A_156 = tpu.vector_load %arg8[%swap3A_154, %swap3A_155] {strides = array<i32>} : memref<320x128xf32, #tpu.memory_space<vmem>>, vector<1x16xf32>,
      %swap3A_157 = vector.shape_cast %swap3A_156 : vector<1x16xf32> to vector<16xf32>
      %swap3A_158 = vector.shape_cast %broadcast_in_dim3A_12 : vector<16xf32> to vector<1x16xf32>
      tpu.vector_store %arg8[%swap3A_154, %swap3A_155], %swap3A_158 {strides = array<i32>} : memref<320x128xf32, #tpu.memory_space<vmem>>, vector<1x16xf32>,
      %swap3A_159 = arith.index_cast %scan3A_123 : i32 to index
      %swap3A_160 = arith.constant 112 : index
      %swap3A_161 = tpu.vector_load %arg8[%swap3A_159, %swap3A_160] {strides = array<i32>} : memref<320x128xf32, #tpu.memory_space<vmem>>, vector<1x16xf32>,
      %swap3A_162 = vector.shape_cast %swap3A_161 : vector<1x16xf32> to vector<16xf32>
      %swap3A_163 = vector.shape_cast %broadcast_in_dim3A_12 : vector<16xf32> to vector<1x16xf32>
      tpu.vector_store %arg8[%swap3A_159, %swap3A_160], %swap3A_163 {strides = array<i32>} : memref<320x128xf32, #tpu.memory_space<vmem>>, vector<1x16xf32>,
    }
    %scan3A_23 = arith.constant 320 : i32
    %dma_start3A = arith.constant 0 : i32
    %dma_start3A_24 = tpu.memref_slice %arg7[%dma_start3A] : memref<6400xi32, #tpu.memory_space<vmem>> -> memref<320xi32, #tpu.memory_space<vmem>>
    %dma_start3A_25 = arith.constant 0 : i32
    %dma_start3A_26 = arith.constant 0 : i32
    %dma_start3A_27 = tpu.memref_slice %arg2[%dma_start3A_25, %dma_start3A_26] : memref<100000x128xf32, #tpu.memory_space<hbm>> -> memref<100000x128xf32, #tpu.memory_space<hbm>>
    tpu.enqueue_indirect_dma source(%dma_start3A_27 : memref<100000x128xf32, #tpu.memory_space<hbm>>) target(%arg8 : memref<320x128xf32, #tpu.memory_space<vmem>>) offsets(%dma_start3A_24 : memref<320xi32, #tpu.memory_space<vmem>>) semaphore(%arg10 : memref<!tpu.dma_semaphore, #tpu.memory_space<semaphore_mem>>) {add = true}
    %dma_start3A_28 = arith.constant 1600 : i32
    %dma_start3A_29 = tpu.memref_slice %arg7[%dma_start3A_28] : memref<6400xi32, #tpu.memory_space<vmem>> -> memref<320xi32, #tpu.memory_space<vmem>>
    %dma_start3A_30 = arith.constant 0 : i32
    %dma_start3A_31 = arith.constant 0 : i32
    %dma_start3A_32 = tpu.memref_slice %arg2[%dma_start3A_30, %dma_start3A_31] : memref<100000x128xf32, #tpu.memory_space<hbm>> -> memref<100000x128xf32, #tpu.memory_space<hbm>>
    tpu.enqueue_indirect_dma source(%dma_start3A_32 : memref<100000x128xf32, #tpu.memory_space<hbm>>) target(%arg8 : memref<320x128xf32, #tpu.memory_space<vmem>>) offsets(%dma_start3A_29 : memref<320xi32, #tpu.memory_space<vmem>>) semaphore(%arg10 : memref<!tpu.dma_semaphore, #tpu.memory_space<semaphore_mem>>) {add = true}
    %dma_start3A_33 = arith.constant 3200 : i32
    %dma_start3A_34 = tpu.memref_slice %arg7[%dma_start3A_33] : memref<6400xi32, #tpu.memory_space<vmem>> -> memref<320xi32, #tpu.memory_space<vmem>>
    %dma_start3A_35 = arith.constant 0 : i32
    %dma_start3A_36 = arith.constant 0 : i32
    %dma_start3A_37 = tpu.memref_slice %arg3[%dma_start3A_35, %dma_start3A_36] : memref<100000x128xf32, #tpu.memory_space<hbm>> -> memref<100000x128xf32, #tpu.memory_space<hbm>>
    tpu.enqueue_indirect_dma source(%dma_start3A_37 : memref<100000x128xf32, #tpu.memory_space<hbm>>) target(%arg8 : memref<320x128xf32, #tpu.memory_space<vmem>>) offsets(%dma_start3A_34 : memref<320xi32, #tpu.memory_space<vmem>>) semaphore(%arg10 : memref<!tpu.dma_semaphore, #tpu.memory_space<semaphore_mem>>) {add = true}
    %dma_start3A_38 = arith.constant 4800 : i32
    %dma_start3A_39 = tpu.memref_slice %arg7[%dma_start3A_38] : memref<6400xi32, #tpu.memory_space<vmem>> -> memref<320xi32, #tpu.memory_space<vmem>>
    %dma_start3A_40 = arith.constant 0 : i32
    %dma_start3A_41 = arith.constant 0 : i32
    %dma_start3A_42 = tpu.memref_slice %arg3[%dma_start3A_40, %dma_start3A_41] : memref<100000x128xf32, #tpu.memory_space<hbm>> -> memref<100000x128xf32, #tpu.memory_space<hbm>>
    tpu.enqueue_indirect_dma source(%dma_start3A_42 : memref<100000x128xf32, #tpu.memory_space<hbm>>) target(%arg8 : memref<320x128xf32, #tpu.memory_space<vmem>>) offsets(%dma_start3A_39 : memref<320xi32, #tpu.memory_space<vmem>>) semaphore(%arg10 : memref<!tpu.dma_semaphore, #tpu.memory_space<semaphore_mem>>) {add = true}
    %scan3A_43 = arith.constant 0 : i32
    %scan3A_44 = arith.constant 20 : i32
    %scan3A_45 = arith.constant 80 : i32
    %scan3A_46 = arith.addi %scan3A_44, %scan3A_45 : i32
    %scan3A_47 = arith.constant 4 : i32
    scf.for %scan3A_82 = %scan3A_44 to %scan3A_46 step %scan3A_47  : i32 {
      %mul3A_83 = arith.constant 4 : i32
      %mul3A_84 = arith.muli %scan3A_82, %mul3A_83 : i32
      %mul3A_85 = arith.constant 16 : i32
      %mul3A_86 = arith.muli %mul3A_84, %mul3A_85 : i32
      %get3A = arith.index_cast %mul3A_86 : i32 to index
      %get3A_87 = tpu.vector_load %arg6[%get3A] {strides = array<i32>} : memref<6400xi32, #tpu.memory_space<vmem>>, vector<16xi32>,
      %get3A_88 = vector.shape_cast %get3A_87 : vector<16xi32> to vector<16xi32>
      %mul3A_89 = arith.constant 4 : i32
      %mul3A_90 = arith.muli %scan3A_82, %mul3A_89 : i32
      %mul3A_91 = arith.constant 16 : i32
      %mul3A_92 = arith.muli %mul3A_90, %mul3A_91 : i32
      %add3A_93 = arith.constant 16 : i32
      %add3A_94 = arith.addi %mul3A_92, %add3A_93 : i32
      %get3A_95 = arith.index_cast %add3A_94 : i32 to index
      %get3A_96 = tpu.vector_load %arg6[%get3A_95] {strides = array<i32>} : memref<6400xi32, #tpu.memory_space<vmem>>, vector<16xi32>,
      %get3A_97 = vector.shape_cast %get3A_96 : vector<16xi32> to vector<16xi32>
      %mul3A_98 = arith.constant 4 : i32
      %mul3A_99 = arith.muli %scan3A_82, %mul3A_98 : i32
      %mul3A_100 = arith.constant 16 : i32
      %mul3A_101 = arith.muli %mul3A_99, %mul3A_100 : i32
      %add3A_102 = arith.constant 32 : i32
      %add3A_103 = arith.addi %mul3A_101, %add3A_102 : i32
      %get3A_104 = arith.index_cast %add3A_103 : i32 to index
      %get3A_105 = tpu.vector_load %arg6[%get3A_104] {strides = array<i32>} : memref<6400xi32, #tpu.memory_space<vmem>>, vector<16xi32>,
      %get3A_106 = vector.shape_cast %get3A_105 : vector<16xi32> to vector<16xi32>
      %mul3A_107 = arith.constant 4 : i32
      %mul3A_108 = arith.muli %scan3A_82, %mul3A_107 : i32
      %mul3A_109 = arith.constant 16 : i32
      %mul3A_110 = arith.muli %mul3A_108, %mul3A_109 : i32
      %add3A_111 = arith.constant 48 : i32
      %add3A_112 = arith.addi %mul3A_110, %add3A_111 : i32
      %get3A_113 = arith.index_cast %add3A_112 : i32 to index
      %get3A_114 = tpu.vector_load %arg6[%get3A_113] {strides = array<i32>} : memref<6400xi32, #tpu.memory_space<vmem>>, vector<16xi32>,
      %get3A_115 = vector.shape_cast %get3A_114 : vector<16xi32> to vector<16xi32>
      %add3A_116 = arith.constant 0 : i32
      %add3A_117 = vector.broadcast %add3A_116 : i32 to vector<16xi32>
      %add3A_118 = arith.addi %mul3A_11, %add3A_117 : vector<16xi32>
      %eq3A = arith.constant 0 : i32
      %eq3A_119 = vector.broadcast %eq3A : i32 to vector<16xi32>
      %eq3A_120 = arith.cmpi eq, %shift_right_arithmetic3A_6, %eq3A_119 : vector<16xi32>
      %broadcast_in_dim3A_121 = vector.shape_cast %add3A_118 : vector<16xi32> to vector<16x1xi32>
      %gather3A = vector.shape_cast %broadcast_in_dim3A_121 : vector<16x1xi32> to vector<16xi32>
      %gather3A_122 = tpu.dynamic_gather %get3A_88[%gather3A] in [0] : vector<16xi32>, vector<16xi32> -> vector<16xi32>
      %eq3A_123 = arith.constant 1 : i32
      %eq3A_124 = vector.broadcast %eq3A_123 : i32 to vector<16xi32>
      %eq3A_125 = arith.cmpi eq, %shift_right_arithmetic3A_6, %eq3A_124 : vector<16xi32>
      %broadcast_in_dim3A_126 = vector.shape_cast %add3A_118 : vector<16xi32> to vector<16x1xi32>
      %gather3A_127 = vector.shape_cast %broadcast_in_dim3A_126 : vector<16x1xi32> to vector<16xi32>
      %gather3A_128 = tpu.dynamic_gather %get3A_97[%gather3A_127] in [0] : vector<16xi32>, vector<16xi32> -> vector<16xi32>
      %eq3A_129 = arith.constant 2 : i32
      %eq3A_130 = vector.broadcast %eq3A_129 : i32 to vector<16xi32>
      %eq3A_131 = arith.cmpi eq, %shift_right_arithmetic3A_6, %eq3A_130 : vector<16xi32>
      %broadcast_in_dim3A_132 = vector.shape_cast %add3A_118 : vector<16xi32> to vector<16x1xi32>
      %gather3A_133 = vector.shape_cast %broadcast_in_dim3A_132 : vector<16x1xi32> to vector<16xi32>
      %gather3A_134 = tpu.dynamic_gather %get3A_106[%gather3A_133] in [0] : vector<16xi32>, vector<16xi32> -> vector<16xi32>
      %broadcast_in_dim3A_135 = vector.shape_cast %add3A_118 : vector<16xi32> to vector<16x1xi32>
      %gather3A_136 = vector.shape_cast %broadcast_in_dim3A_135 : vector<16x1xi32> to vector<16xi32>
      %gather3A_137 = tpu.dynamic_gather %get3A_115[%gather3A_136] in [0] : vector<16xi32>, vector<16xi32> -> vector<16xi32>
      %select_n3A = arith.select %eq3A_131, %gather3A_134, %gather3A_137 : vector<16xi1>, vector<16xi32>
      %select_n3A_138 = arith.select %eq3A_125, %gather3A_128, %select_n3A : vector<16xi1>, vector<16xi32>
      %select_n3A_139 = arith.select %eq3A_120, %gather3A_122, %select_n3A_138 : vector<16xi1>, vector<16xi32>
      %mul3A_140 = arith.constant 16 : i32
      %mul3A_141 = arith.muli %scan3A_82, %mul3A_140 : i32
      %add3A_142 = arith.constant 0 : i32
      %add3A_143 = arith.addi %add3A_142, %mul3A_141 : i32
      %swap3A = arith.index_cast %add3A_143 : i32 to index
      %swap3A_144 = tpu.vector_load %arg7[%swap3A] {strides = array<i32>} : memref<6400xi32, #tpu.memory_space<vmem>>, vector<16xi32>,
      %swap3A_145 = vector.shape_cast %swap3A_144 : vector<16xi32> to vector<16xi32>
      %swap3A_146 = vector.shape_cast %select_n3A_139 : vector<16xi32> to vector<16xi32>
      tpu.vector_store %arg7[%swap3A], %swap3A_146 {strides = array<i32>} : memref<6400xi32, #tpu.memory_space<vmem>>, vector<16xi32>,
      %add3A_147 = arith.constant 1 : i32
      %add3A_148 = vector.broadcast %add3A_147 : i32 to vector<16xi32>
      %add3A_149 = arith.addi %mul3A_11, %add3A_148 : vector<16xi32>
      %eq3A_150 = arith.constant 0 : i32
      %eq3A_151 = vector.broadcast %eq3A_150 : i32 to vector<16xi32>
      %eq3A_152 = arith.cmpi eq, %shift_right_arithmetic3A_6, %eq3A_151 : vector<16xi32>
      %broadcast_in_dim3A_153 = vector.shape_cast %add3A_149 : vector<16xi32> to vector<16x1xi32>
      %gather3A_154 = vector.shape_cast %broadcast_in_dim3A_153 : vector<16x1xi32> to vector<16xi32>
      %gather3A_155 = tpu.dynamic_gather %get3A_88[%gather3A_154] in [0] : vector<16xi32>, vector<16xi32> -> vector<16xi32>
      %eq3A_156 = arith.constant 1 : i32
      %eq3A_157 = vector.broadcast %eq3A_156 : i32 to vector<16xi32>
      %eq3A_158 = arith.cmpi eq, %shift_right_arithmetic3A_6, %eq3A_157 : vector<16xi32>
      %broadcast_in_dim3A_159 = vector.shape_cast %add3A_149 : vector<16xi32> to vector<16x1xi32>
      %gather3A_160 = vector.shape_cast %broadcast_in_dim3A_159 : vector<16x1xi32> to vector<16xi32>
      %gather3A_161 = tpu.dynamic_gather %get3A_97[%gather3A_160] in [0] : vector<16xi32>, vector<16xi32> -> vector<16xi32>
      %eq3A_162 = arith.constant 2 : i32
      %eq3A_163 = vector.broadcast %eq3A_162 : i32 to vector<16xi32>
      %eq3A_164 = arith.cmpi eq, %shift_right_arithmetic3A_6, %eq3A_163 : vector<16xi32>
      %broadcast_in_dim3A_165 = vector.shape_cast %add3A_149 : vector<16xi32> to vector<16x1xi32>
      %gather3A_166 = vector.shape_cast %broadcast_in_dim3A_165 : vector<16x1xi32> to vector<16xi32>
      %gather3A_167 = tpu.dynamic_gather %get3A_106[%gather3A_166] in [0] : vector<16xi32>, vector<16xi32> -> vector<16xi32>
      %broadcast_in_dim3A_168 = vector.shape_cast %add3A_149 : vector<16xi32> to vector<16x1xi32>
      %gather3A_169 = vector.shape_cast %broadcast_in_dim3A_168 : vector<16x1xi32> to vector<16xi32>
      %gather3A_170 = tpu.dynamic_gather %get3A_115[%gather3A_169] in [0] : vector<16xi32>, vector<16xi32> -> vector<16xi32>
      %select_n3A_171 = arith.select %eq3A_164, %gather3A_167, %gather3A_170 : vector<16xi1>, vector<16xi32>
      %select_n3A_172 = arith.select %eq3A_158, %gather3A_161, %select_n3A_171 : vector<16xi1>, vector<16xi32>
      %select_n3A_173 = arith.select %eq3A_152, %gather3A_155, %select_n3A_172 : vector<16xi1>, vector<16xi32>
      %mul3A_174 = arith.constant 16 : i32
      %mul3A_175 = arith.muli %scan3A_82, %mul3A_174 : i32
      %add3A_176 = arith.constant 1600 : i32
      %add3A_177 = arith.addi %add3A_176, %mul3A_175 : i32
      %swap3A_178 = arith.index_cast %add3A_177 : i32 to index
      %swap3A_179 = tpu.vector_load %arg7[%swap3A_178] {strides = array<i32>} : memref<6400xi32, #tpu.memory_space<vmem>>, vector<16xi32>,
      %swap3A_180 = vector.shape_cast %swap3A_179 : vector<16xi32> to vector<16xi32>
      %swap3A_181 = vector.shape_cast %select_n3A_173 : vector<16xi32> to vector<16xi32>
      tpu.vector_store %arg7[%swap3A_178], %swap3A_181 {strides = array<i32>} : memref<6400xi32, #tpu.memory_space<vmem>>, vector<16xi32>,
      %add3A_182 = arith.constant 2 : i32
      %add3A_183 = vector.broadcast %add3A_182 : i32 to vector<16xi32>
      %add3A_184 = arith.addi %mul3A_11, %add3A_183 : vector<16xi32>
      %eq3A_185 = arith.constant 0 : i32
      %eq3A_186 = vector.broadcast %eq3A_185 : i32 to vector<16xi32>
      %eq3A_187 = arith.cmpi eq, %shift_right_arithmetic3A_6, %eq3A_186 : vector<16xi32>
      %broadcast_in_dim3A_188 = vector.shape_cast %add3A_184 : vector<16xi32> to vector<16x1xi32>
      %gather3A_189 = vector.shape_cast %broadcast_in_dim3A_188 : vector<16x1xi32> to vector<16xi32>
      %gather3A_190 = tpu.dynamic_gather %get3A_88[%gather3A_189] in [0] : vector<16xi32>, vector<16xi32> -> vector<16xi32>
      %eq3A_191 = arith.constant 1 : i32
      %eq3A_192 = vector.broadcast %eq3A_191 : i32 to vector<16xi32>
      %eq3A_193 = arith.cmpi eq, %shift_right_arithmetic3A_6, %eq3A_192 : vector<16xi32>
      %broadcast_in_dim3A_194 = vector.shape_cast %add3A_184 : vector<16xi32> to vector<16x1xi32>
      %gather3A_195 = vector.shape_cast %broadcast_in_dim3A_194 : vector<16x1xi32> to vector<16xi32>
      %gather3A_196 = tpu.dynamic_gather %get3A_97[%gather3A_195] in [0] : vector<16xi32>, vector<16xi32> -> vector<16xi32>
      %eq3A_197 = arith.constant 2 : i32
      %eq3A_198 = vector.broadcast %eq3A_197 : i32 to vector<16xi32>
      %eq3A_199 = arith.cmpi eq, %shift_right_arithmetic3A_6, %eq3A_198 : vector<16xi32>
      %broadcast_in_dim3A_200 = vector.shape_cast %add3A_184 : vector<16xi32> to vector<16x1xi32>
      %gather3A_201 = vector.shape_cast %broadcast_in_dim3A_200 : vector<16x1xi32> to vector<16xi32>
      %gather3A_202 = tpu.dynamic_gather %get3A_106[%gather3A_201] in [0] : vector<16xi32>, vector<16xi32> -> vector<16xi32>
      %broadcast_in_dim3A_203 = vector.shape_cast %add3A_184 : vector<16xi32> to vector<16x1xi32>
      %gather3A_204 = vector.shape_cast %broadcast_in_dim3A_203 : vector<16x1xi32> to vector<16xi32>
      %gather3A_205 = tpu.dynamic_gather %get3A_115[%gather3A_204] in [0] : vector<16xi32>, vector<16xi32> -> vector<16xi32>
      %select_n3A_206 = arith.select %eq3A_199, %gather3A_202, %gather3A_205 : vector<16xi1>, vector<16xi32>
      %select_n3A_207 = arith.select %eq3A_193, %gather3A_196, %select_n3A_206 : vector<16xi1>, vector<16xi32>
      %select_n3A_208 = arith.select %eq3A_187, %gather3A_190, %select_n3A_207 : vector<16xi1>, vector<16xi32>
      %mul3A_209 = arith.constant 16 : i32
      %mul3A_210 = arith.muli %scan3A_82, %mul3A_209 : i32
      %add3A_211 = arith.constant 3200 : i32
      %add3A_212 = arith.addi %add3A_211, %mul3A_210 : i32
      %swap3A_213 = arith.index_cast %add3A_212 : i32 to index
      %swap3A_214 = tpu.vector_load %arg7[%swap3A_213] {strides = array<i32>} : memref<6400xi32, #tpu.memory_space<vmem>>, vector<16xi32>,
      %swap3A_215 = vector.shape_cast %swap3A_214 : vector<16xi32> to vector<16xi32>
      %swap3A_216 = vector.shape_cast %select_n3A_208 : vector<16xi32> to vector<16xi32>
      tpu.vector_store %arg7[%swap3A_213], %swap3A_216 {strides = array<i32>} : memref<6400xi32, #tpu.memory_space<vmem>>, vector<16xi32>,
      %add3A_217 = arith.constant 3 : i32
      %add3A_218 = vector.broadcast %add3A_217 : i32 to vector<16xi32>
      %add3A_219 = arith.addi %mul3A_11, %add3A_218 : vector<16xi32>
      %eq3A_220 = arith.constant 0 : i32
      %eq3A_221 = vector.broadcast %eq3A_220 : i32 to vector<16xi32>
      %eq3A_222 = arith.cmpi eq, %shift_right_arithmetic3A_6, %eq3A_221 : vector<16xi32>
      %broadcast_in_dim3A_223 = vector.shape_cast %add3A_219 : vector<16xi32> to vector<16x1xi32>
      %gather3A_224 = vector.shape_cast %broadcast_in_dim3A_223 : vector<16x1xi32> to vector<16xi32>
      %gather3A_225 = tpu.dynamic_gather %get3A_88[%gather3A_224] in [0] : vector<16xi32>, vector<16xi32> -> vector<16xi32>
      %eq3A_226 = arith.constant 1 : i32
      %eq3A_227 = vector.broadcast %eq3A_226 : i32 to vector<16xi32>
      %eq3A_228 = arith.cmpi eq, %shift_right_arithmetic3A_6, %eq3A_227 : vector<16xi32>
      %broadcast_in_dim3A_229 = vector.shape_cast %add3A_219 : vector<16xi32> to vector<16x1xi32>
      %gather3A_230 = vector.shape_cast %broadcast_in_dim3A_229 : vector<16x1xi32> to vector<16xi32>
      %gather3A_231 = tpu.dynamic_gather %get3A_97[%gather3A_230] in [0] : vector<16xi32>, vector<16xi32> -> vector<16xi32>
      %eq3A_232 = arith.constant 2 : i32
      %eq3A_233 = vector.broadcast %eq3A_232 : i32 to vector<16xi32>
      %eq3A_234 = arith.cmpi eq, %shift_right_arithmetic3A_6, %eq3A_233 : vector<16xi32>
      %broadcast_in_dim3A_235 = vector.shape_cast %add3A_219 : vector<16xi32> to vector<16x1xi32>
      %gather3A_236 = vector.shape_cast %broadcast_in_dim3A_235 : vector<16x1xi32> to vector<16xi32>
      %gather3A_237 = tpu.dynamic_gather %get3A_106[%gather3A_236] in [0] : vector<16xi32>, vector<16xi32> -> vector<16xi32>
      %broadcast_in_dim3A_238 = vector.shape_cast %add3A_219 : vector<16xi32> to vector<16x1xi32>
      %gather3A_239 = vector.shape_cast %broadcast_in_dim3A_238 : vector<16x1xi32> to vector<16xi32>
      %gather3A_240 = tpu.dynamic_gather %get3A_115[%gather3A_239] in [0] : vector<16xi32>, vector<16xi32> -> vector<16xi32>
      %select_n3A_241 = arith.select %eq3A_234, %gather3A_237, %gather3A_240 : vector<16xi1>, vector<16xi32>
      %select_n3A_242 = arith.select %eq3A_228, %gather3A_231, %select_n3A_241 : vector<16xi1>, vector<16xi32>
      %select_n3A_243 = arith.select %eq3A_222, %gather3A_225, %select_n3A_242 : vector<16xi1>, vector<16xi32>
      %mul3A_244 = arith.constant 16 : i32
      %mul3A_245 = arith.muli %scan3A_82, %mul3A_244 : i32
      %add3A_246 = arith.constant 4800 : i32
      %add3A_247 = arith.addi %add3A_246, %mul3A_245 : i32
      %swap3A_248 = arith.index_cast %add3A_247 : i32 to index
      %swap3A_249 = tpu.vector_load %arg7[%swap3A_248] {strides = array<i32>} : memref<6400xi32, #tpu.memory_space<vmem>>, vector<16xi32>,
      %swap3A_250 = vector.shape_cast %swap3A_249 : vector<16xi32> to vector<16xi32>
      %swap3A_251 = vector.shape_cast %select_n3A_243 : vector<16xi32> to vector<16xi32>
      tpu.vector_store %arg7[%swap3A_248], %swap3A_251 {strides = array<i32>} : memref<6400xi32, #tpu.memory_space<vmem>>, vector<16xi32>,
      %scan3A_252 = arith.constant 1 : i32
      %scan3A_253 = arith.addi %scan3A_82, %scan3A_252 : i32
      %mul3A_254 = arith.constant 4 : i32
      %mul3A_255 = arith.muli %scan3A_253, %mul3A_254 : i32
      %mul3A_256 = arith.constant 16 : i32
      %mul3A_257 = arith.muli %mul3A_255, %mul3A_256 : i32
      %get3A_258 = arith.index_cast %mul3A_257 : i32 to index
      %get3A_259 = tpu.vector_load %arg6[%get3A_258] {strides = array<i32>} : memref<6400xi32, #tpu.memory_space<vmem>>, vector<16xi32>,
      %get3A_260 = vector.shape_cast %get3A_259 : vector<16xi32> to vector<16xi32>
      %mul3A_261 = arith.constant 4 : i32
      %mul3A_262 = arith.muli %scan3A_253, %mul3A_261 : i32
      %mul3A_263 = arith.constant 16 : i32
      %mul3A_264 = arith.muli %mul3A_262, %mul3A_263 : i32
      %add3A_265 = arith.constant 16 : i32
      %add3A_266 = arith.addi %mul3A_264, %add3A_265 : i32
      %get3A_267 = arith.index_cast %add3A_266 : i32 to index
      %get3A_268 = tpu.vector_load %arg6[%get3A_267] {strides = array<i32>} : memref<6400xi32, #tpu.memory_space<vmem>>, vector<16xi32>,
      %get3A_269 = vector.shape_cast %get3A_268 : vector<16xi32> to vector<16xi32>
      %mul3A_270 = arith.constant 4 : i32
      %mul3A_271 = arith.muli %scan3A_253, %mul3A_270 : i32
      %mul3A_272 = arith.constant 16 : i32
      %mul3A_273 = arith.muli %mul3A_271, %mul3A_272 : i32
      %add3A_274 = arith.constant 32 : i32
      %add3A_275 = arith.addi %mul3A_273, %add3A_274 : i32
      %get3A_276 = arith.index_cast %add3A_275 : i32 to index
      %get3A_277 = tpu.vector_load %arg6[%get3A_276] {strides = array<i32>} : memref<6400xi32, #tpu.memory_space<vmem>>, vector<16xi32>,
      %get3A_278 = vector.shape_cast %get3A_277 : vector<16xi32> to vector<16xi32>
      %mul3A_279 = arith.constant 4 : i32
      %mul3A_280 = arith.muli %scan3A_253, %mul3A_279 : i32
      %mul3A_281 = arith.constant 16 : i32
      %mul3A_282 = arith.muli %mul3A_280, %mul3A_281 : i32
      %add3A_283 = arith.constant 48 : i32
      %add3A_284 = arith.addi %mul3A_282, %add3A_283 : i32
      %get3A_285 = arith.index_cast %add3A_284 : i32 to index
      %get3A_286 = tpu.vector_load %arg6[%get3A_285] {strides = array<i32>} : memref<6400xi32, #tpu.memory_space<vmem>>, vector<16xi32>,
      %get3A_287 = vector.shape_cast %get3A_286 : vector<16xi32> to vector<16xi32>
      %add3A_288 = arith.constant 0 : i32
      %add3A_289 = vector.broadcast %add3A_288 : i32 to vector<16xi32>
      %add3A_290 = arith.addi %mul3A_11, %add3A_289 : vector<16xi32>
      %eq3A_291 = arith.constant 0 : i32
      %eq3A_292 = vector.broadcast %eq3A_291 : i32 to vector<16xi32>
      %eq3A_293 = arith.cmpi eq, %shift_right_arithmetic3A_6, %eq3A_292 : vector<16xi32>
      %broadcast_in_dim3A_294 = vector.shape_cast %add3A_290 : vector<16xi32> to vector<16x1xi32>
      %gather3A_295 = vector.shape_cast %broadcast_in_dim3A_294 : vector<16x1xi32> to vector<16xi32>
      %gather3A_296 = tpu.dynamic_gather %get3A_260[%gather3A_295] in [0] : vector<16xi32>, vector<16xi32> -> vector<16xi32>
      %eq3A_297 = arith.constant 1 : i32
      %eq3A_298 = vector.broadcast %eq3A_297 : i32 to vector<16xi32>
      %eq3A_299 = arith.cmpi eq, %shift_right_arithmetic3A_6, %eq3A_298 : vector<16xi32>
      %broadcast_in_dim3A_300 = vector.shape_cast %add3A_290 : vector<16xi32> to vector<16x1xi32>
      %gather3A_301 = vector.shape_cast %broadcast_in_dim3A_300 : vector<16x1xi32> to vector<16xi32>
      %gather3A_302 = tpu.dynamic_gather %get3A_269[%gather3A_301] in [0] : vector<16xi32>, vector<16xi32> -> vector<16xi32>
      %eq3A_303 = arith.constant 2 : i32
      %eq3A_304 = vector.broadcast %eq3A_303 : i32 to vector<16xi32>
      %eq3A_305 = arith.cmpi eq, %shift_right_arithmetic3A_6, %eq3A_304 : vector<16xi32>
      %broadcast_in_dim3A_306 = vector.shape_cast %add3A_290 : vector<16xi32> to vector<16x1xi32>
      %gather3A_307 = vector.shape_cast %broadcast_in_dim3A_306 : vector<16x1xi32> to vector<16xi32>
      %gather3A_308 = tpu.dynamic_gather %get3A_278[%gather3A_307] in [0] : vector<16xi32>, vector<16xi32> -> vector<16xi32>
      %broadcast_in_dim3A_309 = vector.shape_cast %add3A_290 : vector<16xi32> to vector<16x1xi32>
      %gather3A_310 = vector.shape_cast %broadcast_in_dim3A_309 : vector<16x1xi32> to vector<16xi32>
      %gather3A_311 = tpu.dynamic_gather %get3A_287[%gather3A_310] in [0] : vector<16xi32>, vector<16xi32> -> vector<16xi32>
      %select_n3A_312 = arith.select %eq3A_305, %gather3A_308, %gather3A_311 : vector<16xi1>, vector<16xi32>
      %select_n3A_313 = arith.select %eq3A_299, %gather3A_302, %select_n3A_312 : vector<16xi1>, vector<16xi32>
      %select_n3A_314 = arith.select %eq3A_293, %gather3A_296, %select_n3A_313 : vector<16xi1>, vector<16xi32>
      %mul3A_315 = arith.constant 16 : i32
      %mul3A_316 = arith.muli %scan3A_253, %mul3A_315 : i32
      %add3A_317 = arith.constant 0 : i32
      %add3A_318 = arith.addi %add3A_317, %mul3A_316 : i32
      %swap3A_319 = arith.index_cast %add3A_318 : i32 to index
      %swap3A_320 = tpu.vector_load %arg7[%swap3A_319] {strides = array<i32>} : memref<6400xi32, #tpu.memory_space<vmem>>, vector<16xi32>,
      %swap3A_321 = vector.shape_cast %swap3A_320 : vector<16xi32> to vector<16xi32>
      %swap3A_322 = vector.shape_cast %select_n3A_314 : vector<16xi32> to vector<16xi32>
      tpu.vector_store %arg7[%swap3A_319], %swap3A_322 {strides = array<i32>} : memref<6400xi32, #tpu.memory_space<vmem>>, vector<16xi32>,
      %add3A_323 = arith.constant 1 : i32
      %add3A_324 = vector.broadcast %add3A_323 : i32 to vector<16xi32>
      %add3A_325 = arith.addi %mul3A_11, %add3A_324 : vector<16xi32>
      %eq3A_326 = arith.constant 0 : i32
      %eq3A_327 = vector.broadcast %eq3A_326 : i32 to vector<16xi32>
      %eq3A_328 = arith.cmpi eq, %shift_right_arithmetic3A_6, %eq3A_327 : vector<16xi32>
      %broadcast_in_dim3A_329 = vector.shape_cast %add3A_325 : vector<16xi32> to vector<16x1xi32>
      %gather3A_330 = vector.shape_cast %broadcast_in_dim3A_329 : vector<16x1xi32> to vector<16xi32>
      %gather3A_331 = tpu.dynamic_gather %get3A_260[%gather3A_330] in [0] : vector<16xi32>, vector<16xi32> -> vector<16xi32>
      %eq3A_332 = arith.constant 1 : i32
      %eq3A_333 = vector.broadcast %eq3A_332 : i32 to vector<16xi32>
      %eq3A_334 = arith.cmpi eq, %shift_right_arithmetic3A_6, %eq3A_333 : vector<16xi32>
      %broadcast_in_dim3A_335 = vector.shape_cast %add3A_325 : vector<16xi32> to vector<16x1xi32>
      %gather3A_336 = vector.shape_cast %broadcast_in_dim3A_335 : vector<16x1xi32> to vector<16xi32>
      %gather3A_337 = tpu.dynamic_gather %get3A_269[%gather3A_336] in [0] : vector<16xi32>, vector<16xi32> -> vector<16xi32>
      %eq3A_338 = arith.constant 2 : i32
      %eq3A_339 = vector.broadcast %eq3A_338 : i32 to vector<16xi32>
      %eq3A_340 = arith.cmpi eq, %shift_right_arithmetic3A_6, %eq3A_339 : vector<16xi32>
      %broadcast_in_dim3A_341 = vector.shape_cast %add3A_325 : vector<16xi32> to vector<16x1xi32>
      %gather3A_342 = vector.shape_cast %broadcast_in_dim3A_341 : vector<16x1xi32> to vector<16xi32>
      %gather3A_343 = tpu.dynamic_gather %get3A_278[%gather3A_342] in [0] : vector<16xi32>, vector<16xi32> -> vector<16xi32>
      %broadcast_in_dim3A_344 = vector.shape_cast %add3A_325 : vector<16xi32> to vector<16x1xi32>
      %gather3A_345 = vector.shape_cast %broadcast_in_dim3A_344 : vector<16x1xi32> to vector<16xi32>
      %gather3A_346 = tpu.dynamic_gather %get3A_287[%gather3A_345] in [0] : vector<16xi32>, vector<16xi32> -> vector<16xi32>
      %select_n3A_347 = arith.select %eq3A_340, %gather3A_343, %gather3A_346 : vector<16xi1>, vector<16xi32>
      %select_n3A_348 = arith.select %eq3A_334, %gather3A_337, %select_n3A_347 : vector<16xi1>, vector<16xi32>
      %select_n3A_349 = arith.select %eq3A_328, %gather3A_331, %select_n3A_348 : vector<16xi1>, vector<16xi32>
      %mul3A_350 = arith.constant 16 : i32
      %mul3A_351 = arith.muli %scan3A_253, %mul3A_350 : i32
      %add3A_352 = arith.constant 1600 : i32
      %add3A_353 = arith.addi %add3A_352, %mul3A_351 : i32
      %swap3A_354 = arith.index_cast %add3A_353 : i32 to index
      %swap3A_355 = tpu.vector_load %arg7[%swap3A_354] {strides = array<i32>} : memref<6400xi32, #tpu.memory_space<vmem>>, vector<16xi32>,
      %swap3A_356 = vector.shape_cast %swap3A_355 : vector<16xi32> to vector<16xi32>
      %swap3A_357 = vector.shape_cast %select_n3A_349 : vector<16xi32> to vector<16xi32>
      tpu.vector_store %arg7[%swap3A_354], %swap3A_357 {strides = array<i32>} : memref<6400xi32, #tpu.memory_space<vmem>>, vector<16xi32>,
      %add3A_358 = arith.constant 2 : i32
      %add3A_359 = vector.broadcast %add3A_358 : i32 to vector<16xi32>
      %add3A_360 = arith.addi %mul3A_11, %add3A_359 : vector<16xi32>
      %eq3A_361 = arith.constant 0 : i32
      %eq3A_362 = vector.broadcast %eq3A_361 : i32 to vector<16xi32>
      %eq3A_363 = arith.cmpi eq, %shift_right_arithmetic3A_6, %eq3A_362 : vector<16xi32>
      %broadcast_in_dim3A_364 = vector.shape_cast %add3A_360 : vector<16xi32> to vector<16x1xi32>
      %gather3A_365 = vector.shape_cast %broadcast_in_dim3A_364 : vector<16x1xi32> to vector<16xi32>
      %gather3A_366 = tpu.dynamic_gather %get3A_260[%gather3A_365] in [0] : vector<16xi32>, vector<16xi32> -> vector<16xi32>
      %eq3A_367 = arith.constant 1 : i32
      %eq3A_368 = vector.broadcast %eq3A_367 : i32 to vector<16xi32>
      %eq3A_369 = arith.cmpi eq, %shift_right_arithmetic3A_6, %eq3A_368 : vector<16xi32>
      %broadcast_in_dim3A_370 = vector.shape_cast %add3A_360 : vector<16xi32> to vector<16x1xi32>
      %gather3A_371 = vector.shape_cast %broadcast_in_dim3A_370 : vector<16x1xi32> to vector<16xi32>
      %gather3A_372 = tpu.dynamic_gather %get3A_269[%gather3A_371] in [0] : vector<16xi32>, vector<16xi32> -> vector<16xi32>
      %eq3A_373 = arith.constant 2 : i32
      %eq3A_374 = vector.broadcast %eq3A_373 : i32 to vector<16xi32>
      %eq3A_375 = arith.cmpi eq, %shift_right_arithmetic3A_6, %eq3A_374 : vector<16xi32>
      %broadcast_in_dim3A_376 = vector.shape_cast %add3A_360 : vector<16xi32> to vector<16x1xi32>
      %gather3A_377 = vector.shape_cast %broadcast_in_dim3A_376 : vector<16x1xi32> to vector<16xi32>
      %gather3A_378 = tpu.dynamic_gather %get3A_278[%gather3A_377] in [0] : vector<16xi32>, vector<16xi32> -> vector<16xi32>
      %broadcast_in_dim3A_379 = vector.shape_cast %add3A_360 : vector<16xi32> to vector<16x1xi32>
      %gather3A_380 = vector.shape_cast %broadcast_in_dim3A_379 : vector<16x1xi32> to vector<16xi32>
      %gather3A_381 = tpu.dynamic_gather %get3A_287[%gather3A_380] in [0] : vector<16xi32>, vector<16xi32> -> vector<16xi32>
      %select_n3A_382 = arith.select %eq3A_375, %gather3A_378, %gather3A_381 : vector<16xi1>, vector<16xi32>
      %select_n3A_383 = arith.select %eq3A_369, %gather3A_372, %select_n3A_382 : vector<16xi1>, vector<16xi32>
      %select_n3A_384 = arith.select %eq3A_363, %gather3A_366, %select_n3A_383 : vector<16xi1>, vector<16xi32>
      %mul3A_385 = arith.constant 16 : i32
      %mul3A_386 = arith.muli %scan3A_253, %mul3A_385 : i32
      %add3A_387 = arith.constant 3200 : i32
      %add3A_388 = arith.addi %add3A_387, %mul3A_386 : i32
      %swap3A_389 = arith.index_cast %add3A_388 : i32 to index
      %swap3A_390 = tpu.vector_load %arg7[%swap3A_389] {strides = array<i32>} : memref<6400xi32, #tpu.memory_space<vmem>>, vector<16xi32>,
      %swap3A_391 = vector.shape_cast %swap3A_390 : vector<16xi32> to vector<16xi32>
      %swap3A_392 = vector.shape_cast %select_n3A_384 : vector<16xi32> to vector<16xi32>
      tpu.vector_store %arg7[%swap3A_389], %swap3A_392 {strides = array<i32>} : memref<6400xi32, #tpu.memory_space<vmem>>, vector<16xi32>,
      %add3A_393 = arith.constant 3 : i32
      %add3A_394 = vector.broadcast %add3A_393 : i32 to vector<16xi32>
      %add3A_395 = arith.addi %mul3A_11, %add3A_394 : vector<16xi32>
      %eq3A_396 = arith.constant 0 : i32
      %eq3A_397 = vector.broadcast %eq3A_396 : i32 to vector<16xi32>
      %eq3A_398 = arith.cmpi eq, %shift_right_arithmetic3A_6, %eq3A_397 : vector<16xi32>
      %broadcast_in_dim3A_399 = vector.shape_cast %add3A_395 : vector<16xi32> to vector<16x1xi32>
      %gather3A_400 = vector.shape_cast %broadcast_in_dim3A_399 : vector<16x1xi32> to vector<16xi32>
      %gather3A_401 = tpu.dynamic_gather %get3A_260[%gather3A_400] in [0] : vector<16xi32>, vector<16xi32> -> vector<16xi32>
      %eq3A_402 = arith.constant 1 : i32
      %eq3A_403 = vector.broadcast %eq3A_402 : i32 to vector<16xi32>
      %eq3A_404 = arith.cmpi eq, %shift_right_arithmetic3A_6, %eq3A_403 : vector<16xi32>
      %broadcast_in_dim3A_405 = vector.shape_cast %add3A_395 : vector<16xi32> to vector<16x1xi32>
      %gather3A_406 = vector.shape_cast %broadcast_in_dim3A_405 : vector<16x1xi32> to vector<16xi32>
      %gather3A_407 = tpu.dynamic_gather %get3A_269[%gather3A_406] in [0] : vector<16xi32>, vector<16xi32> -> vector<16xi32>
      %eq3A_408 = arith.constant 2 : i32
      %eq3A_409 = vector.broadcast %eq3A_408 : i32 to vector<16xi32>
      %eq3A_410 = arith.cmpi eq, %shift_right_arithmetic3A_6, %eq3A_409 : vector<16xi32>
      %broadcast_in_dim3A_411 = vector.shape_cast %add3A_395 : vector<16xi32> to vector<16x1xi32>
      %gather3A_412 = vector.shape_cast %broadcast_in_dim3A_411 : vector<16x1xi32> to vector<16xi32>
      %gather3A_413 = tpu.dynamic_gather %get3A_278[%gather3A_412] in [0] : vector<16xi32>, vector<16xi32> -> vector<16xi32>
      %broadcast_in_dim3A_414 = vector.shape_cast %add3A_395 : vector<16xi32> to vector<16x1xi32>
      %gather3A_415 = vector.shape_cast %broadcast_in_dim3A_414 : vector<16x1xi32> to vector<16xi32>
      %gather3A_416 = tpu.dynamic_gather %get3A_287[%gather3A_415] in [0] : vector<16xi32>, vector<16xi32> -> vector<16xi32>
      %select_n3A_417 = arith.select %eq3A_410, %gather3A_413, %gather3A_416 : vector<16xi1>, vector<16xi32>
      %select_n3A_418 = arith.select %eq3A_404, %gather3A_407, %select_n3A_417 : vector<16xi1>, vector<16xi32>
      %select_n3A_419 = arith.select %eq3A_398, %gather3A_401, %select_n3A_418 : vector<16xi1>, vector<16xi32>
      %mul3A_420 = arith.constant 16 : i32
      %mul3A_421 = arith.muli %scan3A_253, %mul3A_420 : i32
      %add3A_422 = arith.constant 4800 : i32
      %add3A_423 = arith.addi %add3A_422, %mul3A_421 : i32
      %swap3A_424 = arith.index_cast %add3A_423 : i32 to index
      %swap3A_425 = tpu.vector_load %arg7[%swap3A_424] {strides = array<i32>} : memref<6400xi32, #tpu.memory_space<vmem>>, vector<16xi32>,
      %swap3A_426 = vector.shape_cast %swap3A_425 : vector<16xi32> to vector<16xi32>
      %swap3A_427 = vector.shape_cast %select_n3A_419 : vector<16xi32> to vector<16xi32>
      tpu.vector_store %arg7[%swap3A_424], %swap3A_427 {strides = array<i32>} : memref<6400xi32, #tpu.memory_space<vmem>>, vector<16xi32>,
      %scan3A_428 = arith.constant 2 : i32
      %scan3A_429 = arith.addi %scan3A_82, %scan3A_428 : i32
      %mul3A_430 = arith.constant 4 : i32
      %mul3A_431 = arith.muli %scan3A_429, %mul3A_430 : i32
      %mul3A_432 = arith.constant 16 : i32
      %mul3A_433 = arith.muli %mul3A_431, %mul3A_432 : i32
      %get3A_434 = arith.index_cast %mul3A_433 : i32 to index
      %get3A_435 = tpu.vector_load %arg6[%get3A_434] {strides = array<i32>} : memref<6400xi32, #tpu.memory_space<vmem>>, vector<16xi32>,
      %get3A_436 = vector.shape_cast %get3A_435 : vector<16xi32> to vector<16xi32>
      %mul3A_437 = arith.constant 4 : i32
      %mul3A_438 = arith.muli %scan3A_429, %mul3A_437 : i32
      %mul3A_439 = arith.constant 16 : i32
      %mul3A_440 = arith.muli %mul3A_438, %mul3A_439 : i32
      %add3A_441 = arith.constant 16 : i32
      %add3A_442 = arith.addi %mul3A_440, %add3A_441 : i32
      %get3A_443 = arith.index_cast %add3A_442 : i32 to index
      %get3A_444 = tpu.vector_load %arg6[%get3A_443] {strides = array<i32>} : memref<6400xi32, #tpu.memory_space<vmem>>, vector<16xi32>,
      %get3A_445 = vector.shape_cast %get3A_444 : vector<16xi32> to vector<16xi32>
      %mul3A_446 = arith.constant 4 : i32
      %mul3A_447 = arith.muli %scan3A_429, %mul3A_446 : i32
      %mul3A_448 = arith.constant 16 : i32
      %mul3A_449 = arith.muli %mul3A_447, %mul3A_448 : i32
      %add3A_450 = arith.constant 32 : i32
      %add3A_451 = arith.addi %mul3A_449, %add3A_450 : i32
      %get3A_452 = arith.index_cast %add3A_451 : i32 to index
      %get3A_453 = tpu.vector_load %arg6[%get3A_452] {strides = array<i32>} : memref<6400xi32, #tpu.memory_space<vmem>>, vector<16xi32>,
      %get3A_454 = vector.shape_cast %get3A_453 : vector<16xi32> to vector<16xi32>
      %mul3A_455 = arith.constant 4 : i32
      %mul3A_456 = arith.muli %scan3A_429, %mul3A_455 : i32
      %mul3A_457 = arith.constant 16 : i32
      %mul3A_458 = arith.muli %mul3A_456, %mul3A_457 : i32
      %add3A_459 = arith.constant 48 : i32
      %add3A_460 = arith.addi %mul3A_458, %add3A_459 : i32
      %get3A_461 = arith.index_cast %add3A_460 : i32 to index
      %get3A_462 = tpu.vector_load %arg6[%get3A_461] {strides = array<i32>} : memref<6400xi32, #tpu.memory_space<vmem>>, vector<16xi32>,
      %get3A_463 = vector.shape_cast %get3A_462 : vector<16xi32> to vector<16xi32>
      %add3A_464 = arith.constant 0 : i32
      %add3A_465 = vector.broadcast %add3A_464 : i32 to vector<16xi32>
      %add3A_466 = arith.addi %mul3A_11, %add3A_465 : vector<16xi32>
      %eq3A_467 = arith.constant 0 : i32
      %eq3A_468 = vector.broadcast %eq3A_467 : i32 to vector<16xi32>
      %eq3A_469 = arith.cmpi eq, %shift_right_arithmetic3A_6, %eq3A_468 : vector<16xi32>
      %broadcast_in_dim3A_470 = vector.shape_cast %add3A_466 : vector<16xi32> to vector<16x1xi32>
      %gather3A_471 = vector.shape_cast %broadcast_in_dim3A_470 : vector<16x1xi32> to vector<16xi32>
      %gather3A_472 = tpu.dynamic_gather %get3A_436[%gather3A_471] in [0] : vector<16xi32>, vector<16xi32> -> vector<16xi32>
      %eq3A_473 = arith.constant 1 : i32
      %eq3A_474 = vector.broadcast %eq3A_473 : i32 to vector<16xi32>
      %eq3A_475 = arith.cmpi eq, %shift_right_arithmetic3A_6, %eq3A_474 : vector<16xi32>
      %broadcast_in_dim3A_476 = vector.shape_cast %add3A_466 : vector<16xi32> to vector<16x1xi32>
      %gather3A_477 = vector.shape_cast %broadcast_in_dim3A_476 : vector<16x1xi32> to vector<16xi32>
      %gather3A_478 = tpu.dynamic_gather %get3A_445[%gather3A_477] in [0] : vector<16xi32>, vector<16xi32> -> vector<16xi32>
      %eq3A_479 = arith.constant 2 : i32
      %eq3A_480 = vector.broadcast %eq3A_479 : i32 to vector<16xi32>
      %eq3A_481 = arith.cmpi eq, %shift_right_arithmetic3A_6, %eq3A_480 : vector<16xi32>
      %broadcast_in_dim3A_482 = vector.shape_cast %add3A_466 : vector<16xi32> to vector<16x1xi32>
      %gather3A_483 = vector.shape_cast %broadcast_in_dim3A_482 : vector<16x1xi32> to vector<16xi32>
      %gather3A_484 = tpu.dynamic_gather %get3A_454[%gather3A_483] in [0] : vector<16xi32>, vector<16xi32> -> vector<16xi32>
      %broadcast_in_dim3A_485 = vector.shape_cast %add3A_466 : vector<16xi32> to vector<16x1xi32>
      %gather3A_486 = vector.shape_cast %broadcast_in_dim3A_485 : vector<16x1xi32> to vector<16xi32>
      %gather3A_487 = tpu.dynamic_gather %get3A_463[%gather3A_486] in [0] : vector<16xi32>, vector<16xi32> -> vector<16xi32>
      %select_n3A_488 = arith.select %eq3A_481, %gather3A_484, %gather3A_487 : vector<16xi1>, vector<16xi32>
      %select_n3A_489 = arith.select %eq3A_475, %gather3A_478, %select_n3A_488 : vector<16xi1>, vector<16xi32>
      %select_n3A_490 = arith.select %eq3A_469, %gather3A_472, %select_n3A_489 : vector<16xi1>, vector<16xi32>
      %mul3A_491 = arith.constant 16 : i32
      %mul3A_492 = arith.muli %scan3A_429, %mul3A_491 : i32
      %add3A_493 = arith.constant 0 : i32
      %add3A_494 = arith.addi %add3A_493, %mul3A_492 : i32
      %swap3A_495 = arith.index_cast %add3A_494 : i32 to index
      %swap3A_496 = tpu.vector_load %arg7[%swap3A_495] {strides = array<i32>} : memref<6400xi32, #tpu.memory_space<vmem>>, vector<16xi32>,
      %swap3A_497 = vector.shape_cast %swap3A_496 : vector<16xi32> to vector<16xi32>
      %swap3A_498 = vector.shape_cast %select_n3A_490 : vector<16xi32> to vector<16xi32>
      tpu.vector_store %arg7[%swap3A_495], %swap3A_498 {strides = array<i32>} : memref<6400xi32, #tpu.memory_space<vmem>>, vector<16xi32>,
      %add3A_499 = arith.constant 1 : i32
      %add3A_500 = vector.broadcast %add3A_499 : i32 to vector<16xi32>
      %add3A_501 = arith.addi %mul3A_11, %add3A_500 : vector<16xi32>
      %eq3A_502 = arith.constant 0 : i32
      %eq3A_503 = vector.broadcast %eq3A_502 : i32 to vector<16xi32>
      %eq3A_504 = arith.cmpi eq, %shift_right_arithmetic3A_6, %eq3A_503 : vector<16xi32>
      %broadcast_in_dim3A_505 = vector.shape_cast %add3A_501 : vector<16xi32> to vector<16x1xi32>
      %gather3A_506 = vector.shape_cast %broadcast_in_dim3A_505 : vector<16x1xi32> to vector<16xi32>
      %gather3A_507 = tpu.dynamic_gather %get3A_436[%gather3A_506] in [0] : vector<16xi32>, vector<16xi32> -> vector<16xi32>
      %eq3A_508 = arith.constant 1 : i32
      %eq3A_509 = vector.broadcast %eq3A_508 : i32 to vector<16xi32>
      %eq3A_510 = arith.cmpi eq, %shift_right_arithmetic3A_6, %eq3A_509 : vector<16xi32>
      %broadcast_in_dim3A_511 = vector.shape_cast %add3A_501 : vector<16xi32> to vector<16x1xi32>
      %gather3A_512 = vector.shape_cast %broadcast_in_dim3A_511 : vector<16x1xi32> to vector<16xi32>
      %gather3A_513 = tpu.dynamic_gather %get3A_445[%gather3A_512] in [0] : vector<16xi32>, vector<16xi32> -> vector<16xi32>
      %eq3A_514 = arith.constant 2 : i32
      %eq3A_515 = vector.broadcast %eq3A_514 : i32 to vector<16xi32>
      %eq3A_516 = arith.cmpi eq, %shift_right_arithmetic3A_6, %eq3A_515 : vector<16xi32>
      %broadcast_in_dim3A_517 = vector.shape_cast %add3A_501 : vector<16xi32> to vector<16x1xi32>
      %gather3A_518 = vector.shape_cast %broadcast_in_dim3A_517 : vector<16x1xi32> to vector<16xi32>
      %gather3A_519 = tpu.dynamic_gather %get3A_454[%gather3A_518] in [0] : vector<16xi32>, vector<16xi32> -> vector<16xi32>
      %broadcast_in_dim3A_520 = vector.shape_cast %add3A_501 : vector<16xi32> to vector<16x1xi32>
      %gather3A_521 = vector.shape_cast %broadcast_in_dim3A_520 : vector<16x1xi32> to vector<16xi32>
      %gather3A_522 = tpu.dynamic_gather %get3A_463[%gather3A_521] in [0] : vector<16xi32>, vector<16xi32> -> vector<16xi32>
      %select_n3A_523 = arith.select %eq3A_516, %gather3A_519, %gather3A_522 : vector<16xi1>, vector<16xi32>
      %select_n3A_524 = arith.select %eq3A_510, %gather3A_513, %select_n3A_523 : vector<16xi1>, vector<16xi32>
      %select_n3A_525 = arith.select %eq3A_504, %gather3A_507, %select_n3A_524 : vector<16xi1>, vector<16xi32>
      %mul3A_526 = arith.constant 16 : i32
      %mul3A_527 = arith.muli %scan3A_429, %mul3A_526 : i32
      %add3A_528 = arith.constant 1600 : i32
      %add3A_529 = arith.addi %add3A_528, %mul3A_527 : i32
      %swap3A_530 = arith.index_cast %add3A_529 : i32 to index
      %swap3A_531 = tpu.vector_load %arg7[%swap3A_530] {strides = array<i32>} : memref<6400xi32, #tpu.memory_space<vmem>>, vector<16xi32>,
      %swap3A_532 = vector.shape_cast %swap3A_531 : vector<16xi32> to vector<16xi32>
      %swap3A_533 = vector.shape_cast %select_n3A_525 : vector<16xi32> to vector<16xi32>
      tpu.vector_store %arg7[%swap3A_530], %swap3A_533 {strides = array<i32>} : memref<6400xi32, #tpu.memory_space<vmem>>, vector<16xi32>,
      %add3A_534 = arith.constant 2 : i32
      %add3A_535 = vector.broadcast %add3A_534 : i32 to vector<16xi32>
      %add3A_536 = arith.addi %mul3A_11, %add3A_535 : vector<16xi32>
      %eq3A_537 = arith.constant 0 : i32
      %eq3A_538 = vector.broadcast %eq3A_537 : i32 to vector<16xi32>
      %eq3A_539 = arith.cmpi eq, %shift_right_arithmetic3A_6, %eq3A_538 : vector<16xi32>
      %broadcast_in_dim3A_540 = vector.shape_cast %add3A_536 : vector<16xi32> to vector<16x1xi32>
      %gather3A_541 = vector.shape_cast %broadcast_in_dim3A_540 : vector<16x1xi32> to vector<16xi32>
      %gather3A_542 = tpu.dynamic_gather %get3A_436[%gather3A_541] in [0] : vector<16xi32>, vector<16xi32> -> vector<16xi32>
      %eq3A_543 = arith.constant 1 : i32
      %eq3A_544 = vector.broadcast %eq3A_543 : i32 to vector<16xi32>
      %eq3A_545 = arith.cmpi eq, %shift_right_arithmetic3A_6, %eq3A_544 : vector<16xi32>
      %broadcast_in_dim3A_546 = vector.shape_cast %add3A_536 : vector<16xi32> to vector<16x1xi32>
      %gather3A_547 = vector.shape_cast %broadcast_in_dim3A_546 : vector<16x1xi32> to vector<16xi32>
      %gather3A_548 = tpu.dynamic_gather %get3A_445[%gather3A_547] in [0] : vector<16xi32>, vector<16xi32> -> vector<16xi32>
      %eq3A_549 = arith.constant 2 : i32
      %eq3A_550 = vector.broadcast %eq3A_549 : i32 to vector<16xi32>
      %eq3A_551 = arith.cmpi eq, %shift_right_arithmetic3A_6, %eq3A_550 : vector<16xi32>
      %broadcast_in_dim3A_552 = vector.shape_cast %add3A_536 : vector<16xi32> to vector<16x1xi32>
      %gather3A_553 = vector.shape_cast %broadcast_in_dim3A_552 : vector<16x1xi32> to vector<16xi32>
      %gather3A_554 = tpu.dynamic_gather %get3A_454[%gather3A_553] in [0] : vector<16xi32>, vector<16xi32> -> vector<16xi32>
      %broadcast_in_dim3A_555 = vector.shape_cast %add3A_536 : vector<16xi32> to vector<16x1xi32>
      %gather3A_556 = vector.shape_cast %broadcast_in_dim3A_555 : vector<16x1xi32> to vector<16xi32>
      %gather3A_557 = tpu.dynamic_gather %get3A_463[%gather3A_556] in [0] : vector<16xi32>, vector<16xi32> -> vector<16xi32>
      %select_n3A_558 = arith.select %eq3A_551, %gather3A_554, %gather3A_557 : vector<16xi1>, vector<16xi32>
      %select_n3A_559 = arith.select %eq3A_545, %gather3A_548, %select_n3A_558 : vector<16xi1>, vector<16xi32>
      %select_n3A_560 = arith.select %eq3A_539, %gather3A_542, %select_n3A_559 : vector<16xi1>, vector<16xi32>
      %mul3A_561 = arith.constant 16 : i32
      %mul3A_562 = arith.muli %scan3A_429, %mul3A_561 : i32
      %add3A_563 = arith.constant 3200 : i32
      %add3A_564 = arith.addi %add3A_563, %mul3A_562 : i32
      %swap3A_565 = arith.index_cast %add3A_564 : i32 to index
      %swap3A_566 = tpu.vector_load %arg7[%swap3A_565] {strides = array<i32>} : memref<6400xi32, #tpu.memory_space<vmem>>, vector<16xi32>,
      %swap3A_567 = vector.shape_cast %swap3A_566 : vector<16xi32> to vector<16xi32>
      %swap3A_568 = vector.shape_cast %select_n3A_560 : vector<16xi32> to vector<16xi32>
      tpu.vector_store %arg7[%swap3A_565], %swap3A_568 {strides = array<i32>} : memref<6400xi32, #tpu.memory_space<vmem>>, vector<16xi32>,
      %add3A_569 = arith.constant 3 : i32
      %add3A_570 = vector.broadcast %add3A_569 : i32 to vector<16xi32>
      %add3A_571 = arith.addi %mul3A_11, %add3A_570 : vector<16xi32>
      %eq3A_572 = arith.constant 0 : i32
      %eq3A_573 = vector.broadcast %eq3A_572 : i32 to vector<16xi32>
      %eq3A_574 = arith.cmpi eq, %shift_right_arithmetic3A_6, %eq3A_573 : vector<16xi32>
      %broadcast_in_dim3A_575 = vector.shape_cast %add3A_571 : vector<16xi32> to vector<16x1xi32>
      %gather3A_576 = vector.shape_cast %broadcast_in_dim3A_575 : vector<16x1xi32> to vector<16xi32>
      %gather3A_577 = tpu.dynamic_gather %get3A_436[%gather3A_576] in [0] : vector<16xi32>, vector<16xi32> -> vector<16xi32>
      %eq3A_578 = arith.constant 1 : i32
      %eq3A_579 = vector.broadcast %eq3A_578 : i32 to vector<16xi32>
      %eq3A_580 = arith.cmpi eq, %shift_right_arithmetic3A_6, %eq3A_579 : vector<16xi32>
      %broadcast_in_dim3A_581 = vector.shape_cast %add3A_571 : vector<16xi32> to vector<16x1xi32>
      %gather3A_582 = vector.shape_cast %broadcast_in_dim3A_581 : vector<16x1xi32> to vector<16xi32>
      %gather3A_583 = tpu.dynamic_gather %get3A_445[%gather3A_582] in [0] : vector<16xi32>, vector<16xi32> -> vector<16xi32>
      %eq3A_584 = arith.constant 2 : i32
      %eq3A_585 = vector.broadcast %eq3A_584 : i32 to vector<16xi32>
      %eq3A_586 = arith.cmpi eq, %shift_right_arithmetic3A_6, %eq3A_585 : vector<16xi32>
      %broadcast_in_dim3A_587 = vector.shape_cast %add3A_571 : vector<16xi32> to vector<16x1xi32>
      %gather3A_588 = vector.shape_cast %broadcast_in_dim3A_587 : vector<16x1xi32> to vector<16xi32>
      %gather3A_589 = tpu.dynamic_gather %get3A_454[%gather3A_588] in [0] : vector<16xi32>, vector<16xi32> -> vector<16xi32>
      %broadcast_in_dim3A_590 = vector.shape_cast %add3A_571 : vector<16xi32> to vector<16x1xi32>
      %gather3A_591 = vector.shape_cast %broadcast_in_dim3A_590 : vector<16x1xi32> to vector<16xi32>
      %gather3A_592 = tpu.dynamic_gather %get3A_463[%gather3A_591] in [0] : vector<16xi32>, vector<16xi32> -> vector<16xi32>
      %select_n3A_593 = arith.select %eq3A_586, %gather3A_589, %gather3A_592 : vector<16xi1>, vector<16xi32>
      %select_n3A_594 = arith.select %eq3A_580, %gather3A_583, %select_n3A_593 : vector<16xi1>, vector<16xi32>
      %select_n3A_595 = arith.select %eq3A_574, %gather3A_577, %select_n3A_594 : vector<16xi1>, vector<16xi32>
      %mul3A_596 = arith.constant 16 : i32
      %mul3A_597 = arith.muli %scan3A_429, %mul3A_596 : i32
      %add3A_598 = arith.constant 4800 : i32
      %add3A_599 = arith.addi %add3A_598, %mul3A_597 : i32
      %swap3A_600 = arith.index_cast %add3A_599 : i32 to index
      %swap3A_601 = tpu.vector_load %arg7[%swap3A_600] {strides = array<i32>} : memref<6400xi32, #tpu.memory_space<vmem>>, vector<16xi32>,
      %swap3A_602 = vector.shape_cast %swap3A_601 : vector<16xi32> to vector<16xi32>
      %swap3A_603 = vector.shape_cast %select_n3A_595 : vector<16xi32> to vector<16xi32>
      tpu.vector_store %arg7[%swap3A_600], %swap3A_603 {strides = array<i32>} : memref<6400xi32, #tpu.memory_space<vmem>>, vector<16xi32>,
      %scan3A_604 = arith.constant 3 : i32
      %scan3A_605 = arith.addi %scan3A_82, %scan3A_604 : i32
      %mul3A_606 = arith.constant 4 : i32
      %mul3A_607 = arith.muli %scan3A_605, %mul3A_606 : i32
      %mul3A_608 = arith.constant 16 : i32
      %mul3A_609 = arith.muli %mul3A_607, %mul3A_608 : i32
      %get3A_610 = arith.index_cast %mul3A_609 : i32 to index
      %get3A_611 = tpu.vector_load %arg6[%get3A_610] {strides = array<i32>} : memref<6400xi32, #tpu.memory_space<vmem>>, vector<16xi32>,
      %get3A_612 = vector.shape_cast %get3A_611 : vector<16xi32> to vector<16xi32>
      %mul3A_613 = arith.constant 4 : i32
      %mul3A_614 = arith.muli %scan3A_605, %mul3A_613 : i32
      %mul3A_615 = arith.constant 16 : i32
      %mul3A_616 = arith.muli %mul3A_614, %mul3A_615 : i32
      %add3A_617 = arith.constant 16 : i32
      %add3A_618 = arith.addi %mul3A_616, %add3A_617 : i32
      %get3A_619 = arith.index_cast %add3A_618 : i32 to index
      %get3A_620 = tpu.vector_load %arg6[%get3A_619] {strides = array<i32>} : memref<6400xi32, #tpu.memory_space<vmem>>, vector<16xi32>,
      %get3A_621 = vector.shape_cast %get3A_620 : vector<16xi32> to vector<16xi32>
      %mul3A_622 = arith.constant 4 : i32
      %mul3A_623 = arith.muli %scan3A_605, %mul3A_622 : i32
      %mul3A_624 = arith.constant 16 : i32
      %mul3A_625 = arith.muli %mul3A_623, %mul3A_624 : i32
      %add3A_626 = arith.constant 32 : i32
      %add3A_627 = arith.addi %mul3A_625, %add3A_626 : i32
      %get3A_628 = arith.index_cast %add3A_627 : i32 to index
      %get3A_629 = tpu.vector_load %arg6[%get3A_628] {strides = array<i32>} : memref<6400xi32, #tpu.memory_space<vmem>>, vector<16xi32>,
      %get3A_630 = vector.shape_cast %get3A_629 : vector<16xi32> to vector<16xi32>
      %mul3A_631 = arith.constant 4 : i32
      %mul3A_632 = arith.muli %scan3A_605, %mul3A_631 : i32
      %mul3A_633 = arith.constant 16 : i32
      %mul3A_634 = arith.muli %mul3A_632, %mul3A_633 : i32
      %add3A_635 = arith.constant 48 : i32
      %add3A_636 = arith.addi %mul3A_634, %add3A_635 : i32
      %get3A_637 = arith.index_cast %add3A_636 : i32 to index
      %get3A_638 = tpu.vector_load %arg6[%get3A_637] {strides = array<i32>} : memref<6400xi32, #tpu.memory_space<vmem>>, vector<16xi32>,
      %get3A_639 = vector.shape_cast %get3A_638 : vector<16xi32> to vector<16xi32>
      %add3A_640 = arith.constant 0 : i32
      %add3A_641 = vector.broadcast %add3A_640 : i32 to vector<16xi32>
      %add3A_642 = arith.addi %mul3A_11, %add3A_641 : vector<16xi32>
      %eq3A_643 = arith.constant 0 : i32
      %eq3A_644 = vector.broadcast %eq3A_643 : i32 to vector<16xi32>
      %eq3A_645 = arith.cmpi eq, %shift_right_arithmetic3A_6, %eq3A_644 : vector<16xi32>
      %broadcast_in_dim3A_646 = vector.shape_cast %add3A_642 : vector<16xi32> to vector<16x1xi32>
      %gather3A_647 = vector.shape_cast %broadcast_in_dim3A_646 : vector<16x1xi32> to vector<16xi32>
      %gather3A_648 = tpu.dynamic_gather %get3A_612[%gather3A_647] in [0] : vector<16xi32>, vector<16xi32> -> vector<16xi32>
      %eq3A_649 = arith.constant 1 : i32
      %eq3A_650 = vector.broadcast %eq3A_649 : i32 to vector<16xi32>
      %eq3A_651 = arith.cmpi eq, %shift_right_arithmetic3A_6, %eq3A_650 : vector<16xi32>
      %broadcast_in_dim3A_652 = vector.shape_cast %add3A_642 : vector<16xi32> to vector<16x1xi32>
      %gather3A_653 = vector.shape_cast %broadcast_in_dim3A_652 : vector<16x1xi32> to vector<16xi32>
      %gather3A_654 = tpu.dynamic_gather %get3A_621[%gather3A_653] in [0] : vector<16xi32>, vector<16xi32> -> vector<16xi32>
      %eq3A_655 = arith.constant 2 : i32
      %eq3A_656 = vector.broadcast %eq3A_655 : i32 to vector<16xi32>
      %eq3A_657 = arith.cmpi eq, %shift_right_arithmetic3A_6, %eq3A_656 : vector<16xi32>
      %broadcast_in_dim3A_658 = vector.shape_cast %add3A_642 : vector<16xi32> to vector<16x1xi32>
      %gather3A_659 = vector.shape_cast %broadcast_in_dim3A_658 : vector<16x1xi32> to vector<16xi32>
      %gather3A_660 = tpu.dynamic_gather %get3A_630[%gather3A_659] in [0] : vector<16xi32>, vector<16xi32> -> vector<16xi32>
      %broadcast_in_dim3A_661 = vector.shape_cast %add3A_642 : vector<16xi32> to vector<16x1xi32>
      %gather3A_662 = vector.shape_cast %broadcast_in_dim3A_661 : vector<16x1xi32> to vector<16xi32>
      %gather3A_663 = tpu.dynamic_gather %get3A_639[%gather3A_662] in [0] : vector<16xi32>, vector<16xi32> -> vector<16xi32>
      %select_n3A_664 = arith.select %eq3A_657, %gather3A_660, %gather3A_663 : vector<16xi1>, vector<16xi32>
      %select_n3A_665 = arith.select %eq3A_651, %gather3A_654, %select_n3A_664 : vector<16xi1>, vector<16xi32>
      %select_n3A_666 = arith.select %eq3A_645, %gather3A_648, %select_n3A_665 : vector<16xi1>, vector<16xi32>
      %mul3A_667 = arith.constant 16 : i32
      %mul3A_668 = arith.muli %scan3A_605, %mul3A_667 : i32
      %add3A_669 = arith.constant 0 : i32
      %add3A_670 = arith.addi %add3A_669, %mul3A_668 : i32
      %swap3A_671 = arith.index_cast %add3A_670 : i32 to index
      %swap3A_672 = tpu.vector_load %arg7[%swap3A_671] {strides = array<i32>} : memref<6400xi32, #tpu.memory_space<vmem>>, vector<16xi32>,
      %swap3A_673 = vector.shape_cast %swap3A_672 : vector<16xi32> to vector<16xi32>
      %swap3A_674 = vector.shape_cast %select_n3A_666 : vector<16xi32> to vector<16xi32>
      tpu.vector_store %arg7[%swap3A_671], %swap3A_674 {strides = array<i32>} : memref<6400xi32, #tpu.memory_space<vmem>>, vector<16xi32>,
      %add3A_675 = arith.constant 1 : i32
      %add3A_676 = vector.broadcast %add3A_675 : i32 to vector<16xi32>
      %add3A_677 = arith.addi %mul3A_11, %add3A_676 : vector<16xi32>
      %eq3A_678 = arith.constant 0 : i32
      %eq3A_679 = vector.broadcast %eq3A_678 : i32 to vector<16xi32>
      %eq3A_680 = arith.cmpi eq, %shift_right_arithmetic3A_6, %eq3A_679 : vector<16xi32>
      %broadcast_in_dim3A_681 = vector.shape_cast %add3A_677 : vector<16xi32> to vector<16x1xi32>
      %gather3A_682 = vector.shape_cast %broadcast_in_dim3A_681 : vector<16x1xi32> to vector<16xi32>
      %gather3A_683 = tpu.dynamic_gather %get3A_612[%gather3A_682] in [0] : vector<16xi32>, vector<16xi32> -> vector<16xi32>
      %eq3A_684 = arith.constant 1 : i32
      %eq3A_685 = vector.broadcast %eq3A_684 : i32 to vector<16xi32>
      %eq3A_686 = arith.cmpi eq, %shift_right_arithmetic3A_6, %eq3A_685 : vector<16xi32>
      %broadcast_in_dim3A_687 = vector.shape_cast %add3A_677 : vector<16xi32> to vector<16x1xi32>
      %gather3A_688 = vector.shape_cast %broadcast_in_dim3A_687 : vector<16x1xi32> to vector<16xi32>
      %gather3A_689 = tpu.dynamic_gather %get3A_621[%gather3A_688] in [0] : vector<16xi32>, vector<16xi32> -> vector<16xi32>
      %eq3A_690 = arith.constant 2 : i32
      %eq3A_691 = vector.broadcast %eq3A_690 : i32 to vector<16xi32>
      %eq3A_692 = arith.cmpi eq, %shift_right_arithmetic3A_6, %eq3A_691 : vector<16xi32>
      %broadcast_in_dim3A_693 = vector.shape_cast %add3A_677 : vector<16xi32> to vector<16x1xi32>
      %gather3A_694 = vector.shape_cast %broadcast_in_dim3A_693 : vector<16x1xi32> to vector<16xi32>
      %gather3A_695 = tpu.dynamic_gather %get3A_630[%gather3A_694] in [0] : vector<16xi32>, vector<16xi32> -> vector<16xi32>
      %broadcast_in_dim3A_696 = vector.shape_cast %add3A_677 : vector<16xi32> to vector<16x1xi32>
      %gather3A_697 = vector.shape_cast %broadcast_in_dim3A_696 : vector<16x1xi32> to vector<16xi32>
      %gather3A_698 = tpu.dynamic_gather %get3A_639[%gather3A_697] in [0] : vector<16xi32>, vector<16xi32> -> vector<16xi32>
      %select_n3A_699 = arith.select %eq3A_692, %gather3A_695, %gather3A_698 : vector<16xi1>, vector<16xi32>
      %select_n3A_700 = arith.select %eq3A_686, %gather3A_689, %select_n3A_699 : vector<16xi1>, vector<16xi32>
      %select_n3A_701 = arith.select %eq3A_680, %gather3A_683, %select_n3A_700 : vector<16xi1>, vector<16xi32>
      %mul3A_702 = arith.constant 16 : i32
      %mul3A_703 = arith.muli %scan3A_605, %mul3A_702 : i32
      %add3A_704 = arith.constant 1600 : i32
      %add3A_705 = arith.addi %add3A_704, %mul3A_703 : i32
      %swap3A_706 = arith.index_cast %add3A_705 : i32 to index
      %swap3A_707 = tpu.vector_load %arg7[%swap3A_706] {strides = array<i32>} : memref<6400xi32, #tpu.memory_space<vmem>>, vector<16xi32>,
      %swap3A_708 = vector.shape_cast %swap3A_707 : vector<16xi32> to vector<16xi32>
      %swap3A_709 = vector.shape_cast %select_n3A_701 : vector<16xi32> to vector<16xi32>
      tpu.vector_store %arg7[%swap3A_706], %swap3A_709 {strides = array<i32>} : memref<6400xi32, #tpu.memory_space<vmem>>, vector<16xi32>,
      %add3A_710 = arith.constant 2 : i32
      %add3A_711 = vector.broadcast %add3A_710 : i32 to vector<16xi32>
      %add3A_712 = arith.addi %mul3A_11, %add3A_711 : vector<16xi32>
      %eq3A_713 = arith.constant 0 : i32
      %eq3A_714 = vector.broadcast %eq3A_713 : i32 to vector<16xi32>
      %eq3A_715 = arith.cmpi eq, %shift_right_arithmetic3A_6, %eq3A_714 : vector<16xi32>
      %broadcast_in_dim3A_716 = vector.shape_cast %add3A_712 : vector<16xi32> to vector<16x1xi32>
      %gather3A_717 = vector.shape_cast %broadcast_in_dim3A_716 : vector<16x1xi32> to vector<16xi32>
      %gather3A_718 = tpu.dynamic_gather %get3A_612[%gather3A_717] in [0] : vector<16xi32>, vector<16xi32> -> vector<16xi32>
      %eq3A_719 = arith.constant 1 : i32
      %eq3A_720 = vector.broadcast %eq3A_719 : i32 to vector<16xi32>
      %eq3A_721 = arith.cmpi eq, %shift_right_arithmetic3A_6, %eq3A_720 : vector<16xi32>
      %broadcast_in_dim3A_722 = vector.shape_cast %add3A_712 : vector<16xi32> to vector<16x1xi32>
      %gather3A_723 = vector.shape_cast %broadcast_in_dim3A_722 : vector<16x1xi32> to vector<16xi32>
      %gather3A_724 = tpu.dynamic_gather %get3A_621[%gather3A_723] in [0] : vector<16xi32>, vector<16xi32> -> vector<16xi32>
      %eq3A_725 = arith.constant 2 : i32
      %eq3A_726 = vector.broadcast %eq3A_725 : i32 to vector<16xi32>
      %eq3A_727 = arith.cmpi eq, %shift_right_arithmetic3A_6, %eq3A_726 : vector<16xi32>
      %broadcast_in_dim3A_728 = vector.shape_cast %add3A_712 : vector<16xi32> to vector<16x1xi32>
      %gather3A_729 = vector.shape_cast %broadcast_in_dim3A_728 : vector<16x1xi32> to vector<16xi32>
      %gather3A_730 = tpu.dynamic_gather %get3A_630[%gather3A_729] in [0] : vector<16xi32>, vector<16xi32> -> vector<16xi32>
      %broadcast_in_dim3A_731 = vector.shape_cast %add3A_712 : vector<16xi32> to vector<16x1xi32>
      %gather3A_732 = vector.shape_cast %broadcast_in_dim3A_731 : vector<16x1xi32> to vector<16xi32>
      %gather3A_733 = tpu.dynamic_gather %get3A_639[%gather3A_732] in [0] : vector<16xi32>, vector<16xi32> -> vector<16xi32>
      %select_n3A_734 = arith.select %eq3A_727, %gather3A_730, %gather3A_733 : vector<16xi1>, vector<16xi32>
      %select_n3A_735 = arith.select %eq3A_721, %gather3A_724, %select_n3A_734 : vector<16xi1>, vector<16xi32>
      %select_n3A_736 = arith.select %eq3A_715, %gather3A_718, %select_n3A_735 : vector<16xi1>, vector<16xi32>
      %mul3A_737 = arith.constant 16 : i32
      %mul3A_738 = arith.muli %scan3A_605, %mul3A_737 : i32
      %add3A_739 = arith.constant 3200 : i32
      %add3A_740 = arith.addi %add3A_739, %mul3A_738 : i32
      %swap3A_741 = arith.index_cast %add3A_740 : i32 to index
      %swap3A_742 = tpu.vector_load %arg7[%swap3A_741] {strides = array<i32>} : memref<6400xi32, #tpu.memory_space<vmem>>, vector<16xi32>,
      %swap3A_743 = vector.shape_cast %swap3A_742 : vector<16xi32> to vector<16xi32>
      %swap3A_744 = vector.shape_cast %select_n3A_736 : vector<16xi32> to vector<16xi32>
      tpu.vector_store %arg7[%swap3A_741], %swap3A_744 {strides = array<i32>} : memref<6400xi32, #tpu.memory_space<vmem>>, vector<16xi32>,
      %add3A_745 = arith.constant 3 : i32
      %add3A_746 = vector.broadcast %add3A_745 : i32 to vector<16xi32>
      %add3A_747 = arith.addi %mul3A_11, %add3A_746 : vector<16xi32>
      %eq3A_748 = arith.constant 0 : i32
      %eq3A_749 = vector.broadcast %eq3A_748 : i32 to vector<16xi32>
      %eq3A_750 = arith.cmpi eq, %shift_right_arithmetic3A_6, %eq3A_749 : vector<16xi32>
      %broadcast_in_dim3A_751 = vector.shape_cast %add3A_747 : vector<16xi32> to vector<16x1xi32>
      %gather3A_752 = vector.shape_cast %broadcast_in_dim3A_751 : vector<16x1xi32> to vector<16xi32>
      %gather3A_753 = tpu.dynamic_gather %get3A_612[%gather3A_752] in [0] : vector<16xi32>, vector<16xi32> -> vector<16xi32>
      %eq3A_754 = arith.constant 1 : i32
      %eq3A_755 = vector.broadcast %eq3A_754 : i32 to vector<16xi32>
      %eq3A_756 = arith.cmpi eq, %shift_right_arithmetic3A_6, %eq3A_755 : vector<16xi32>
      %broadcast_in_dim3A_757 = vector.shape_cast %add3A_747 : vector<16xi32> to vector<16x1xi32>
      %gather3A_758 = vector.shape_cast %broadcast_in_dim3A_757 : vector<16x1xi32> to vector<16xi32>
      %gather3A_759 = tpu.dynamic_gather %get3A_621[%gather3A_758] in [0] : vector<16xi32>, vector<16xi32> -> vector<16xi32>
      %eq3A_760 = arith.constant 2 : i32
      %eq3A_761 = vector.broadcast %eq3A_760 : i32 to vector<16xi32>
      %eq3A_762 = arith.cmpi eq, %shift_right_arithmetic3A_6, %eq3A_761 : vector<16xi32>
      %broadcast_in_dim3A_763 = vector.shape_cast %add3A_747 : vector<16xi32> to vector<16x1xi32>
      %gather3A_764 = vector.shape_cast %broadcast_in_dim3A_763 : vector<16x1xi32> to vector<16xi32>
      %gather3A_765 = tpu.dynamic_gather %get3A_630[%gather3A_764] in [0] : vector<16xi32>, vector<16xi32> -> vector<16xi32>
      %broadcast_in_dim3A_766 = vector.shape_cast %add3A_747 : vector<16xi32> to vector<16x1xi32>
      %gather3A_767 = vector.shape_cast %broadcast_in_dim3A_766 : vector<16x1xi32> to vector<16xi32>
      %gather3A_768 = tpu.dynamic_gather %get3A_639[%gather3A_767] in [0] : vector<16xi32>, vector<16xi32> -> vector<16xi32>
      %select_n3A_769 = arith.select %eq3A_762, %gather3A_765, %gather3A_768 : vector<16xi1>, vector<16xi32>
      %select_n3A_770 = arith.select %eq3A_756, %gather3A_759, %select_n3A_769 : vector<16xi1>, vector<16xi32>
      %select_n3A_771 = arith.select %eq3A_750, %gather3A_753, %select_n3A_770 : vector<16xi1>, vector<16xi32>
      %mul3A_772 = arith.constant 16 : i32
      %mul3A_773 = arith.muli %scan3A_605, %mul3A_772 : i32
      %add3A_774 = arith.constant 4800 : i32
      %add3A_775 = arith.addi %add3A_774, %mul3A_773 : i32
      %swap3A_776 = arith.index_cast %add3A_775 : i32 to index
      %swap3A_777 = tpu.vector_load %arg7[%swap3A_776] {strides = array<i32>} : memref<6400xi32, #tpu.memory_space<vmem>>, vector<16xi32>,
      %swap3A_778 = vector.shape_cast %swap3A_777 : vector<16xi32> to vector<16xi32>
      %swap3A_779 = vector.shape_cast %select_n3A_771 : vector<16xi32> to vector<16xi32>
      tpu.vector_store %arg7[%swap3A_776], %swap3A_779 {strides = array<i32>} : memref<6400xi32, #tpu.memory_space<vmem>>, vector<16xi32>,
    }
    %scan3A_48 = arith.constant 80 : i32
    %scan3A_49 = arith.constant 0 : i32
    %scan3A_50 = arith.constant 0 : i32
    %scan3A_51 = arith.constant 320 : i32
    %scan3A_52 = arith.addi %scan3A_50, %scan3A_51 : i32
    %scan3A_53 = arith.constant 2 : i32
    scf.for %scan3A_82 = %scan3A_50 to %scan3A_52 step %scan3A_53  : i32 {
      %swap3A = arith.index_cast %scan3A_82 : i32 to index
      %swap3A_83 = arith.constant 0 : index
      %swap3A_84 = tpu.vector_load %arg9[%swap3A, %swap3A_83] {strides = array<i32>} : memref<320x128xf32, #tpu.memory_space<vmem>>, vector<1x16xf32>,
      %swap3A_85 = vector.shape_cast %swap3A_84 : vector<1x16xf32> to vector<16xf32>
      %swap3A_86 = vector.shape_cast %broadcast_in_dim3A_12 : vector<16xf32> to vector<1x16xf32>
      tpu.vector_store %arg9[%swap3A, %swap3A_83], %swap3A_86 {strides = array<i32>} : memref<320x128xf32, #tpu.memory_space<vmem>>, vector<1x16xf32>,
      %swap3A_87 = arith.index_cast %scan3A_82 : i32 to index
      %swap3A_88 = arith.constant 16 : index
      %swap3A_89 = tpu.vector_load %arg9[%swap3A_87, %swap3A_88] {strides = array<i32>} : memref<320x128xf32, #tpu.memory_space<vmem>>, vector<1x16xf32>,
      %swap3A_90 = vector.shape_cast %swap3A_89 : vector<1x16xf32> to vector<16xf32>
      %swap3A_91 = vector.shape_cast %broadcast_in_dim3A_12 : vector<16xf32> to vector<1x16xf32>
      tpu.vector_store %arg9[%swap3A_87, %swap3A_88], %swap3A_91 {strides = array<i32>} : memref<320x128xf32, #tpu.memory_space<vmem>>, vector<1x16xf32>,
      %swap3A_92 = arith.index_cast %scan3A_82 : i32 to index
      %swap3A_93 = arith.constant 32 : index
      %swap3A_94 = tpu.vector_load %arg9[%swap3A_92, %swap3A_93] {strides = array<i32>} : memref<320x128xf32, #tpu.memory_space<vmem>>, vector<1x16xf32>,
      %swap3A_95 = vector.shape_cast %swap3A_94 : vector<1x16xf32> to vector<16xf32>
      %swap3A_96 = vector.shape_cast %broadcast_in_dim3A_12 : vector<16xf32> to vector<1x16xf32>
      tpu.vector_store %arg9[%swap3A_92, %swap3A_93], %swap3A_96 {strides = array<i32>} : memref<320x128xf32, #tpu.memory_space<vmem>>, vector<1x16xf32>,
      %swap3A_97 = arith.index_cast %scan3A_82 : i32 to index
      %swap3A_98 = arith.constant 48 : index
      %swap3A_99 = tpu.vector_load %arg9[%swap3A_97, %swap3A_98] {strides = array<i32>} : memref<320x128xf32, #tpu.memory_space<vmem>>, vector<1x16xf32>,
      %swap3A_100 = vector.shape_cast %swap3A_99 : vector<1x16xf32> to vector<16xf32>
      %swap3A_101 = vector.shape_cast %broadcast_in_dim3A_12 : vector<16xf32> to vector<1x16xf32>
      tpu.vector_store %arg9[%swap3A_97, %swap3A_98], %swap3A_101 {strides = array<i32>} : memref<320x128xf32, #tpu.memory_space<vmem>>, vector<1x16xf32>,
      %swap3A_102 = arith.index_cast %scan3A_82 : i32 to index
      %swap3A_103 = arith.constant 64 : index
      %swap3A_104 = tpu.vector_load %arg9[%swap3A_102, %swap3A_103] {strides = array<i32>} : memref<320x128xf32, #tpu.memory_space<vmem>>, vector<1x16xf32>,
      %swap3A_105 = vector.shape_cast %swap3A_104 : vector<1x16xf32> to vector<16xf32>
      %swap3A_106 = vector.shape_cast %broadcast_in_dim3A_12 : vector<16xf32> to vector<1x16xf32>
      tpu.vector_store %arg9[%swap3A_102, %swap3A_103], %swap3A_106 {strides = array<i32>} : memref<320x128xf32, #tpu.memory_space<vmem>>, vector<1x16xf32>,
      %swap3A_107 = arith.index_cast %scan3A_82 : i32 to index
      %swap3A_108 = arith.constant 80 : index
      %swap3A_109 = tpu.vector_load %arg9[%swap3A_107, %swap3A_108] {strides = array<i32>} : memref<320x128xf32, #tpu.memory_space<vmem>>, vector<1x16xf32>,
      %swap3A_110 = vector.shape_cast %swap3A_109 : vector<1x16xf32> to vector<16xf32>
      %swap3A_111 = vector.shape_cast %broadcast_in_dim3A_12 : vector<16xf32> to vector<1x16xf32>
      tpu.vector_store %arg9[%swap3A_107, %swap3A_108], %swap3A_111 {strides = array<i32>} : memref<320x128xf32, #tpu.memory_space<vmem>>, vector<1x16xf32>,
      %swap3A_112 = arith.index_cast %scan3A_82 : i32 to index
      %swap3A_113 = arith.constant 96 : index
      %swap3A_114 = tpu.vector_load %arg9[%swap3A_112, %swap3A_113] {strides = array<i32>} : memref<320x128xf32, #tpu.memory_space<vmem>>, vector<1x16xf32>,
      %swap3A_115 = vector.shape_cast %swap3A_114 : vector<1x16xf32> to vector<16xf32>
      %swap3A_116 = vector.shape_cast %broadcast_in_dim3A_12 : vector<16xf32> to vector<1x16xf32>
      tpu.vector_store %arg9[%swap3A_112, %swap3A_113], %swap3A_116 {strides = array<i32>} : memref<320x128xf32, #tpu.memory_space<vmem>>, vector<1x16xf32>,
      %swap3A_117 = arith.index_cast %scan3A_82 : i32 to index
      %swap3A_118 = arith.constant 112 : index
      %swap3A_119 = tpu.vector_load %arg9[%swap3A_117, %swap3A_118] {strides = array<i32>} : memref<320x128xf32, #tpu.memory_space<vmem>>, vector<1x16xf32>,
      %swap3A_120 = vector.shape_cast %swap3A_119 : vector<1x16xf32> to vector<16xf32>
      %swap3A_121 = vector.shape_cast %broadcast_in_dim3A_12 : vector<16xf32> to vector<1x16xf32>
      tpu.vector_store %arg9[%swap3A_117, %swap3A_118], %swap3A_121 {strides = array<i32>} : memref<320x128xf32, #tpu.memory_space<vmem>>, vector<1x16xf32>,
      %scan3A_122 = arith.constant 1 : i32
      %scan3A_123 = arith.addi %scan3A_82, %scan3A_122 : i32
      %swap3A_124 = arith.index_cast %scan3A_123 : i32 to index
      %swap3A_125 = arith.constant 0 : index
      %swap3A_126 = tpu.vector_load %arg9[%swap3A_124, %swap3A_125] {strides = array<i32>} : memref<320x128xf32, #tpu.memory_space<vmem>>, vector<1x16xf32>,
      %swap3A_127 = vector.shape_cast %swap3A_126 : vector<1x16xf32> to vector<16xf32>
      %swap3A_128 = vector.shape_cast %broadcast_in_dim3A_12 : vector<16xf32> to vector<1x16xf32>
      tpu.vector_store %arg9[%swap3A_124, %swap3A_125], %swap3A_128 {strides = array<i32>} : memref<320x128xf32, #tpu.memory_space<vmem>>, vector<1x16xf32>,
      %swap3A_129 = arith.index_cast %scan3A_123 : i32 to index
      %swap3A_130 = arith.constant 16 : index
      %swap3A_131 = tpu.vector_load %arg9[%swap3A_129, %swap3A_130] {strides = array<i32>} : memref<320x128xf32, #tpu.memory_space<vmem>>, vector<1x16xf32>,
      %swap3A_132 = vector.shape_cast %swap3A_131 : vector<1x16xf32> to vector<16xf32>
      %swap3A_133 = vector.shape_cast %broadcast_in_dim3A_12 : vector<16xf32> to vector<1x16xf32>
      tpu.vector_store %arg9[%swap3A_129, %swap3A_130], %swap3A_133 {strides = array<i32>} : memref<320x128xf32, #tpu.memory_space<vmem>>, vector<1x16xf32>,
      %swap3A_134 = arith.index_cast %scan3A_123 : i32 to index
      %swap3A_135 = arith.constant 32 : index
      %swap3A_136 = tpu.vector_load %arg9[%swap3A_134, %swap3A_135] {strides = array<i32>} : memref<320x128xf32, #tpu.memory_space<vmem>>, vector<1x16xf32>,
      %swap3A_137 = vector.shape_cast %swap3A_136 : vector<1x16xf32> to vector<16xf32>
      %swap3A_138 = vector.shape_cast %broadcast_in_dim3A_12 : vector<16xf32> to vector<1x16xf32>
      tpu.vector_store %arg9[%swap3A_134, %swap3A_135], %swap3A_138 {strides = array<i32>} : memref<320x128xf32, #tpu.memory_space<vmem>>, vector<1x16xf32>,
      %swap3A_139 = arith.index_cast %scan3A_123 : i32 to index
      %swap3A_140 = arith.constant 48 : index
      %swap3A_141 = tpu.vector_load %arg9[%swap3A_139, %swap3A_140] {strides = array<i32>} : memref<320x128xf32, #tpu.memory_space<vmem>>, vector<1x16xf32>,
      %swap3A_142 = vector.shape_cast %swap3A_141 : vector<1x16xf32> to vector<16xf32>
      %swap3A_143 = vector.shape_cast %broadcast_in_dim3A_12 : vector<16xf32> to vector<1x16xf32>
      tpu.vector_store %arg9[%swap3A_139, %swap3A_140], %swap3A_143 {strides = array<i32>} : memref<320x128xf32, #tpu.memory_space<vmem>>, vector<1x16xf32>,
      %swap3A_144 = arith.index_cast %scan3A_123 : i32 to index
      %swap3A_145 = arith.constant 64 : index
      %swap3A_146 = tpu.vector_load %arg9[%swap3A_144, %swap3A_145] {strides = array<i32>} : memref<320x128xf32, #tpu.memory_space<vmem>>, vector<1x16xf32>,
      %swap3A_147 = vector.shape_cast %swap3A_146 : vector<1x16xf32> to vector<16xf32>
      %swap3A_148 = vector.shape_cast %broadcast_in_dim3A_12 : vector<16xf32> to vector<1x16xf32>
      tpu.vector_store %arg9[%swap3A_144, %swap3A_145], %swap3A_148 {strides = array<i32>} : memref<320x128xf32, #tpu.memory_space<vmem>>, vector<1x16xf32>,
      %swap3A_149 = arith.index_cast %scan3A_123 : i32 to index
      %swap3A_150 = arith.constant 80 : index
      %swap3A_151 = tpu.vector_load %arg9[%swap3A_149, %swap3A_150] {strides = array<i32>} : memref<320x128xf32, #tpu.memory_space<vmem>>, vector<1x16xf32>,
      %swap3A_152 = vector.shape_cast %swap3A_151 : vector<1x16xf32> to vector<16xf32>
      %swap3A_153 = vector.shape_cast %broadcast_in_dim3A_12 : vector<16xf32> to vector<1x16xf32>
      tpu.vector_store %arg9[%swap3A_149, %swap3A_150], %swap3A_153 {strides = array<i32>} : memref<320x128xf32, #tpu.memory_space<vmem>>, vector<1x16xf32>,
      %swap3A_154 = arith.index_cast %scan3A_123 : i32 to index
      %swap3A_155 = arith.constant 96 : index
      %swap3A_156 = tpu.vector_load %arg9[%swap3A_154, %swap3A_155] {strides = array<i32>} : memref<320x128xf32, #tpu.memory_space<vmem>>, vector<1x16xf32>,
      %swap3A_157 = vector.shape_cast %swap3A_156 : vector<1x16xf32> to vector<16xf32>
      %swap3A_158 = vector.shape_cast %broadcast_in_dim3A_12 : vector<16xf32> to vector<1x16xf32>
      tpu.vector_store %arg9[%swap3A_154, %swap3A_155], %swap3A_158 {strides = array<i32>} : memref<320x128xf32, #tpu.memory_space<vmem>>, vector<1x16xf32>,
      %swap3A_159 = arith.index_cast %scan3A_123 : i32 to index
      %swap3A_160 = arith.constant 112 : index
      %swap3A_161 = tpu.vector_load %arg9[%swap3A_159, %swap3A_160] {strides = array<i32>} : memref<320x128xf32, #tpu.memory_space<vmem>>, vector<1x16xf32>,
      %swap3A_162 = vector.shape_cast %swap3A_161 : vector<1x16xf32> to vector<16xf32>
      %swap3A_163 = vector.shape_cast %broadcast_in_dim3A_12 : vector<16xf32> to vector<1x16xf32>
      tpu.vector_store %arg9[%swap3A_159, %swap3A_160], %swap3A_163 {strides = array<i32>} : memref<320x128xf32, #tpu.memory_space<vmem>>, vector<1x16xf32>,
    }
    %scan3A_54 = arith.constant 320 : i32
    %scan3A_55 = arith.constant 0 : i32
    %scan3A_56 = arith.constant 0 : i32
    %scan3A_57 = arith.constant 2 : i32
    %scan3A_58 = arith.addi %scan3A_56, %scan3A_57 : i32
    %scan3A_59 = arith.constant 1 : i32
    scf.for %scan3A_82 = %scan3A_56 to %scan3A_58 step %scan3A_59  : i32 {
      %mul3A_83 = arith.constant 2 : i32
      %mul3A_84 = arith.muli %mul3A_83, %scan3A_82 : i32
      %add3A_85 = arith.constant 1 : i32
      %add3A_86 = arith.addi %mul3A_84, %add3A_85 : i32
      %mul3A_87 = arith.constant 320 : i32
      %mul3A_88 = arith.muli %add3A_86, %mul3A_87 : i32
      %add3A_89 = arith.constant 0 : i32
      %add3A_90 = arith.addi %add3A_89, %mul3A_88 : i32
      %dma_start3A_91 = tpu.memref_slice %arg7[%add3A_90] : memref<6400xi32, #tpu.memory_space<vmem>> -> memref<320xi32, #tpu.memory_space<vmem>>
      %dma_start3A_92 = arith.constant 0 : i32
      %dma_start3A_93 = arith.constant 0 : i32
      %dma_start3A_94 = tpu.memref_slice %arg2[%dma_start3A_92, %dma_start3A_93] : memref<100000x128xf32, #tpu.memory_space<hbm>> -> memref<100000x128xf32, #tpu.memory_space<hbm>>
      tpu.enqueue_indirect_dma source(%dma_start3A_94 : memref<100000x128xf32, #tpu.memory_space<hbm>>) target(%arg9 : memref<320x128xf32, #tpu.memory_space<vmem>>) offsets(%dma_start3A_91 : memref<320xi32, #tpu.memory_space<vmem>>) semaphore(%arg11 : memref<!tpu.dma_semaphore, #tpu.memory_space<semaphore_mem>>) {add = true}
      %add3A_95 = arith.constant 1600 : i32
      %add3A_96 = arith.addi %add3A_95, %mul3A_88 : i32
      %dma_start3A_97 = tpu.memref_slice %arg7[%add3A_96] : memref<6400xi32, #tpu.memory_space<vmem>> -> memref<320xi32, #tpu.memory_space<vmem>>
      %dma_start3A_98 = arith.constant 0 : i32
      %dma_start3A_99 = arith.constant 0 : i32
      %dma_start3A_100 = tpu.memref_slice %arg2[%dma_start3A_98, %dma_start3A_99] : memref<100000x128xf32, #tpu.memory_space<hbm>> -> memref<100000x128xf32, #tpu.memory_space<hbm>>
      tpu.enqueue_indirect_dma source(%dma_start3A_100 : memref<100000x128xf32, #tpu.memory_space<hbm>>) target(%arg9 : memref<320x128xf32, #tpu.memory_space<vmem>>) offsets(%dma_start3A_97 : memref<320xi32, #tpu.memory_space<vmem>>) semaphore(%arg11 : memref<!tpu.dma_semaphore, #tpu.memory_space<semaphore_mem>>) {add = true}
      %add3A_101 = arith.constant 3200 : i32
      %add3A_102 = arith.addi %add3A_101, %mul3A_88 : i32
      %dma_start3A_103 = tpu.memref_slice %arg7[%add3A_102] : memref<6400xi32, #tpu.memory_space<vmem>> -> memref<320xi32, #tpu.memory_space<vmem>>
      %dma_start3A_104 = arith.constant 0 : i32
      %dma_start3A_105 = arith.constant 0 : i32
      %dma_start3A_106 = tpu.memref_slice %arg3[%dma_start3A_104, %dma_start3A_105] : memref<100000x128xf32, #tpu.memory_space<hbm>> -> memref<100000x128xf32, #tpu.memory_space<hbm>>
      tpu.enqueue_indirect_dma source(%dma_start3A_106 : memref<100000x128xf32, #tpu.memory_space<hbm>>) target(%arg9 : memref<320x128xf32, #tpu.memory_space<vmem>>) offsets(%dma_start3A_103 : memref<320xi32, #tpu.memory_space<vmem>>) semaphore(%arg11 : memref<!tpu.dma_semaphore, #tpu.memory_space<semaphore_mem>>) {add = true}
      %add3A_107 = arith.constant 4800 : i32
      %add3A_108 = arith.addi %add3A_107, %mul3A_88 : i32
      %dma_start3A_109 = tpu.memref_slice %arg7[%add3A_108] : memref<6400xi32, #tpu.memory_space<vmem>> -> memref<320xi32, #tpu.memory_space<vmem>>
      %dma_start3A_110 = arith.constant 0 : i32
      %dma_start3A_111 = arith.constant 0 : i32
      %dma_start3A_112 = tpu.memref_slice %arg3[%dma_start3A_110, %dma_start3A_111] : memref<100000x128xf32, #tpu.memory_space<hbm>> -> memref<100000x128xf32, #tpu.memory_space<hbm>>
      tpu.enqueue_indirect_dma source(%dma_start3A_112 : memref<100000x128xf32, #tpu.memory_space<hbm>>) target(%arg9 : memref<320x128xf32, #tpu.memory_space<vmem>>) offsets(%dma_start3A_109 : memref<320xi32, #tpu.memory_space<vmem>>) semaphore(%arg11 : memref<!tpu.dma_semaphore, #tpu.memory_space<semaphore_mem>>) {add = true}
      %dma_wait3A_113 = arith.constant 0 : i32
      %dma_wait3A_114 = tpu.memref_slice %arg7[%dma_wait3A_113] : memref<6400xi32, #tpu.memory_space<vmem>> -> memref<320xi32, #tpu.memory_space<vmem>>
      %dma_wait3A_115 = arith.constant 0 : i32
      %dma_wait3A_116 = arith.constant 0 : i32
      %dma_wait3A_117 = tpu.memref_slice %arg2[%dma_wait3A_115, %dma_wait3A_116] : memref<100000x128xf32, #tpu.memory_space<hbm>> -> memref<100000x128xf32, #tpu.memory_space<hbm>>
      tpu.wait_indirect_dma semaphore(%arg10 : memref<!tpu.dma_semaphore, #tpu.memory_space<semaphore_mem>>) src(%dma_wait3A_117 : memref<100000x128xf32, #tpu.memory_space<hbm>>) dst(%arg8 : memref<320x128xf32, #tpu.memory_space<vmem>>)
      %dma_wait3A_118 = arith.constant 1600 : i32
      %dma_wait3A_119 = tpu.memref_slice %arg7[%dma_wait3A_118] : memref<6400xi32, #tpu.memory_space<vmem>> -> memref<320xi32, #tpu.memory_space<vmem>>
      %dma_wait3A_120 = arith.constant 0 : i32
      %dma_wait3A_121 = arith.constant 0 : i32
      %dma_wait3A_122 = tpu.memref_slice %arg2[%dma_wait3A_120, %dma_wait3A_121] : memref<100000x128xf32, #tpu.memory_space<hbm>> -> memref<100000x128xf32, #tpu.memory_space<hbm>>
      tpu.wait_indirect_dma semaphore(%arg10 : memref<!tpu.dma_semaphore, #tpu.memory_space<semaphore_mem>>) src(%dma_wait3A_122 : memref<100000x128xf32, #tpu.memory_space<hbm>>) dst(%arg8 : memref<320x128xf32, #tpu.memory_space<vmem>>)
      %dma_wait3A_123 = arith.constant 3200 : i32
      %dma_wait3A_124 = tpu.memref_slice %arg7[%dma_wait3A_123] : memref<6400xi32, #tpu.memory_space<vmem>> -> memref<320xi32, #tpu.memory_space<vmem>>
      %dma_wait3A_125 = arith.constant 0 : i32
      %dma_wait3A_126 = arith.constant 0 : i32
      %dma_wait3A_127 = tpu.memref_slice %arg3[%dma_wait3A_125, %dma_wait3A_126] : memref<100000x128xf32, #tpu.memory_space<hbm>> -> memref<100000x128xf32, #tpu.memory_space<hbm>>
      tpu.wait_indirect_dma semaphore(%arg10 : memref<!tpu.dma_semaphore, #tpu.memory_space<semaphore_mem>>) src(%dma_wait3A_127 : memref<100000x128xf32, #tpu.memory_space<hbm>>) dst(%arg8 : memref<320x128xf32, #tpu.memory_space<vmem>>)
      %dma_wait3A_128 = arith.constant 4800 : i32
      %dma_wait3A_129 = tpu.memref_slice %arg7[%dma_wait3A_128] : memref<6400xi32, #tpu.memory_space<vmem>> -> memref<320xi32, #tpu.memory_space<vmem>>
      %dma_wait3A_130 = arith.constant 0 : i32
      %dma_wait3A_131 = arith.constant 0 : i32
      %dma_wait3A_132 = tpu.memref_slice %arg3[%dma_wait3A_130, %dma_wait3A_131] : memref<100000x128xf32, #tpu.memory_space<hbm>> -> memref<100000x128xf32, #tpu.memory_space<hbm>>
      tpu.wait_indirect_dma semaphore(%arg10 : memref<!tpu.dma_semaphore, #tpu.memory_space<semaphore_mem>>) src(%dma_wait3A_132 : memref<100000x128xf32, #tpu.memory_space<hbm>>) dst(%arg8 : memref<320x128xf32, #tpu.memory_space<vmem>>)
      %mul3A_133 = arith.constant 320 : i32
      %mul3A_134 = arith.muli %mul3A_84, %mul3A_133 : i32
      %add3A_135 = arith.addi %mul3A_2, %mul3A_134 : i32
      "tpu.region"() ({
        %run_scoped3A = tpu.sem_alloc : memref<!tpu.dma_semaphore, #tpu.memory_space<semaphore_mem>>
        %dma_start3A_201 = arith.constant 0 : i32
        %dma_start3A_202 = tpu.memref_slice %arg5[%add3A_135, %dma_start3A_201] : memref<51200x128xf32, #tpu.memory_space<hbm>> -> memref<320x128xf32, #tpu.memory_space<hbm>>
        %dma_start3A_203 = arith.constant 0 : i32
        %dma_start3A_204 = tpu.memref_slice %arg5[%add3A_135, %dma_start3A_203] : memref<51200x128xf32, #tpu.memory_space<hbm>> -> memref<320x128xf32, #tpu.memory_space<hbm>>
        tpu.enqueue_dma source(%arg8 : memref<320x128xf32, #tpu.memory_space<vmem>>) target(%dma_start3A_204 : memref<320x128xf32, #tpu.memory_space<hbm>>) target_semaphore(%run_scoped3A : memref<!tpu.dma_semaphore, #tpu.memory_space<semaphore_mem>>)
        %dma_wait3A_205 = arith.constant 0 : i32
        %dma_wait3A_206 = tpu.memref_slice %arg5[%add3A_135, %dma_wait3A_205] : memref<51200x128xf32, #tpu.memory_space<hbm>> -> memref<320x128xf32, #tpu.memory_space<hbm>>
        %dma_wait3A_207 = arith.constant 0 : i32
        %dma_wait3A_208 = tpu.memref_slice %arg5[%add3A_135, %dma_wait3A_207] : memref<51200x128xf32, #tpu.memory_space<hbm>> -> memref<320x128xf32, #tpu.memory_space<hbm>>
        tpu.wait_dma2 semaphore(%run_scoped3A : memref<!tpu.dma_semaphore, #tpu.memory_space<semaphore_mem>>) src(%arg8 : memref<320x128xf32, #tpu.memory_space<vmem>>) dst(%dma_wait3A_208 : memref<320x128xf32, #tpu.memory_space<hbm>>)
        tpu.yield
      }) : () -> ()
      %scan3A_136 = arith.constant 0 : i32
      %scan3A_137 = arith.constant 0 : i32
      %scan3A_138 = arith.constant 320 : i32
      %scan3A_139 = arith.addi %scan3A_137, %scan3A_138 : i32
      %scan3A_140 = arith.constant 2 : i32
      scf.for %scan3A_201 = %scan3A_137 to %scan3A_139 step %scan3A_140  : i32 {
        %swap3A = arith.index_cast %scan3A_201 : i32 to index
        %swap3A_202 = arith.constant 0 : index
        %swap3A_203 = tpu.vector_load %arg8[%swap3A, %swap3A_202] {strides = array<i32>} : memref<320x128xf32, #tpu.memory_space<vmem>>, vector<1x16xf32>,
        %swap3A_204 = vector.shape_cast %swap3A_203 : vector<1x16xf32> to vector<16xf32>
        %swap3A_205 = vector.shape_cast %broadcast_in_dim3A_12 : vector<16xf32> to vector<1x16xf32>
        tpu.vector_store %arg8[%swap3A, %swap3A_202], %swap3A_205 {strides = array<i32>} : memref<320x128xf32, #tpu.memory_space<vmem>>, vector<1x16xf32>,
        %swap3A_206 = arith.index_cast %scan3A_201 : i32 to index
        %swap3A_207 = arith.constant 16 : index
        %swap3A_208 = tpu.vector_load %arg8[%swap3A_206, %swap3A_207] {strides = array<i32>} : memref<320x128xf32, #tpu.memory_space<vmem>>, vector<1x16xf32>,
        %swap3A_209 = vector.shape_cast %swap3A_208 : vector<1x16xf32> to vector<16xf32>
        %swap3A_210 = vector.shape_cast %broadcast_in_dim3A_12 : vector<16xf32> to vector<1x16xf32>
        tpu.vector_store %arg8[%swap3A_206, %swap3A_207], %swap3A_210 {strides = array<i32>} : memref<320x128xf32, #tpu.memory_space<vmem>>, vector<1x16xf32>,
        %swap3A_211 = arith.index_cast %scan3A_201 : i32 to index
        %swap3A_212 = arith.constant 32 : index
        %swap3A_213 = tpu.vector_load %arg8[%swap3A_211, %swap3A_212] {strides = array<i32>} : memref<320x128xf32, #tpu.memory_space<vmem>>, vector<1x16xf32>,
        %swap3A_214 = vector.shape_cast %swap3A_213 : vector<1x16xf32> to vector<16xf32>
        %swap3A_215 = vector.shape_cast %broadcast_in_dim3A_12 : vector<16xf32> to vector<1x16xf32>
        tpu.vector_store %arg8[%swap3A_211, %swap3A_212], %swap3A_215 {strides = array<i32>} : memref<320x128xf32, #tpu.memory_space<vmem>>, vector<1x16xf32>,
        %swap3A_216 = arith.index_cast %scan3A_201 : i32 to index
        %swap3A_217 = arith.constant 48 : index
        %swap3A_218 = tpu.vector_load %arg8[%swap3A_216, %swap3A_217] {strides = array<i32>} : memref<320x128xf32, #tpu.memory_space<vmem>>, vector<1x16xf32>,
        %swap3A_219 = vector.shape_cast %swap3A_218 : vector<1x16xf32> to vector<16xf32>
        %swap3A_220 = vector.shape_cast %broadcast_in_dim3A_12 : vector<16xf32> to vector<1x16xf32>
        tpu.vector_store %arg8[%swap3A_216, %swap3A_217], %swap3A_220 {strides = array<i32>} : memref<320x128xf32, #tpu.memory_space<vmem>>, vector<1x16xf32>,
        %swap3A_221 = arith.index_cast %scan3A_201 : i32 to index
        %swap3A_222 = arith.constant 64 : index
        %swap3A_223 = tpu.vector_load %arg8[%swap3A_221, %swap3A_222] {strides = array<i32>} : memref<320x128xf32, #tpu.memory_space<vmem>>, vector<1x16xf32>,
        %swap3A_224 = vector.shape_cast %swap3A_223 : vector<1x16xf32> to vector<16xf32>
        %swap3A_225 = vector.shape_cast %broadcast_in_dim3A_12 : vector<16xf32> to vector<1x16xf32>
        tpu.vector_store %arg8[%swap3A_221, %swap3A_222], %swap3A_225 {strides = array<i32>} : memref<320x128xf32, #tpu.memory_space<vmem>>, vector<1x16xf32>,
        %swap3A_226 = arith.index_cast %scan3A_201 : i32 to index
        %swap3A_227 = arith.constant 80 : index
        %swap3A_228 = tpu.vector_load %arg8[%swap3A_226, %swap3A_227] {strides = array<i32>} : memref<320x128xf32, #tpu.memory_space<vmem>>, vector<1x16xf32>,
        %swap3A_229 = vector.shape_cast %swap3A_228 : vector<1x16xf32> to vector<16xf32>
        %swap3A_230 = vector.shape_cast %broadcast_in_dim3A_12 : vector<16xf32> to vector<1x16xf32>
        tpu.vector_store %arg8[%swap3A_226, %swap3A_227], %swap3A_230 {strides = array<i32>} : memref<320x128xf32, #tpu.memory_space<vmem>>, vector<1x16xf32>,
        %swap3A_231 = arith.index_cast %scan3A_201 : i32 to index
        %swap3A_232 = arith.constant 96 : index
        %swap3A_233 = tpu.vector_load %arg8[%swap3A_231, %swap3A_232] {strides = array<i32>} : memref<320x128xf32, #tpu.memory_space<vmem>>, vector<1x16xf32>,
        %swap3A_234 = vector.shape_cast %swap3A_233 : vector<1x16xf32> to vector<16xf32>
        %swap3A_235 = vector.shape_cast %broadcast_in_dim3A_12 : vector<16xf32> to vector<1x16xf32>
        tpu.vector_store %arg8[%swap3A_231, %swap3A_232], %swap3A_235 {strides = array<i32>} : memref<320x128xf32, #tpu.memory_space<vmem>>, vector<1x16xf32>,
        %swap3A_236 = arith.index_cast %scan3A_201 : i32 to index
        %swap3A_237 = arith.constant 112 : index
        %swap3A_238 = tpu.vector_load %arg8[%swap3A_236, %swap3A_237] {strides = array<i32>} : memref<320x128xf32, #tpu.memory_space<vmem>>, vector<1x16xf32>,
        %swap3A_239 = vector.shape_cast %swap3A_238 : vector<1x16xf32> to vector<16xf32>
        %swap3A_240 = vector.shape_cast %broadcast_in_dim3A_12 : vector<16xf32> to vector<1x16xf32>
        tpu.vector_store %arg8[%swap3A_236, %swap3A_237], %swap3A_240 {strides = array<i32>} : memref<320x128xf32, #tpu.memory_space<vmem>>, vector<1x16xf32>,
        %scan3A_241 = arith.constant 1 : i32
        %scan3A_242 = arith.addi %scan3A_201, %scan3A_241 : i32
        %swap3A_243 = arith.index_cast %scan3A_242 : i32 to index
        %swap3A_244 = arith.constant 0 : index
        %swap3A_245 = tpu.vector_load %arg8[%swap3A_243, %swap3A_244] {strides = array<i32>} : memref<320x128xf32, #tpu.memory_space<vmem>>, vector<1x16xf32>,
        %swap3A_246 = vector.shape_cast %swap3A_245 : vector<1x16xf32> to vector<16xf32>
        %swap3A_247 = vector.shape_cast %broadcast_in_dim3A_12 : vector<16xf32> to vector<1x16xf32>
        tpu.vector_store %arg8[%swap3A_243, %swap3A_244], %swap3A_247 {strides = array<i32>} : memref<320x128xf32, #tpu.memory_space<vmem>>, vector<1x16xf32>,
        %swap3A_248 = arith.index_cast %scan3A_242 : i32 to index
        %swap3A_249 = arith.constant 16 : index
        %swap3A_250 = tpu.vector_load %arg8[%swap3A_248, %swap3A_249] {strides = array<i32>} : memref<320x128xf32, #tpu.memory_space<vmem>>, vector<1x16xf32>,
        %swap3A_251 = vector.shape_cast %swap3A_250 : vector<1x16xf32> to vector<16xf32>
        %swap3A_252 = vector.shape_cast %broadcast_in_dim3A_12 : vector<16xf32> to vector<1x16xf32>
        tpu.vector_store %arg8[%swap3A_248, %swap3A_249], %swap3A_252 {strides = array<i32>} : memref<320x128xf32, #tpu.memory_space<vmem>>, vector<1x16xf32>,
        %swap3A_253 = arith.index_cast %scan3A_242 : i32 to index
        %swap3A_254 = arith.constant 32 : index
        %swap3A_255 = tpu.vector_load %arg8[%swap3A_253, %swap3A_254] {strides = array<i32>} : memref<320x128xf32, #tpu.memory_space<vmem>>, vector<1x16xf32>,
        %swap3A_256 = vector.shape_cast %swap3A_255 : vector<1x16xf32> to vector<16xf32>
        %swap3A_257 = vector.shape_cast %broadcast_in_dim3A_12 : vector<16xf32> to vector<1x16xf32>
        tpu.vector_store %arg8[%swap3A_253, %swap3A_254], %swap3A_257 {strides = array<i32>} : memref<320x128xf32, #tpu.memory_space<vmem>>, vector<1x16xf32>,
        %swap3A_258 = arith.index_cast %scan3A_242 : i32 to index
        %swap3A_259 = arith.constant 48 : index
        %swap3A_260 = tpu.vector_load %arg8[%swap3A_258, %swap3A_259] {strides = array<i32>} : memref<320x128xf32, #tpu.memory_space<vmem>>, vector<1x16xf32>,
        %swap3A_261 = vector.shape_cast %swap3A_260 : vector<1x16xf32> to vector<16xf32>
        %swap3A_262 = vector.shape_cast %broadcast_in_dim3A_12 : vector<16xf32> to vector<1x16xf32>
        tpu.vector_store %arg8[%swap3A_258, %swap3A_259], %swap3A_262 {strides = array<i32>} : memref<320x128xf32, #tpu.memory_space<vmem>>, vector<1x16xf32>,
        %swap3A_263 = arith.index_cast %scan3A_242 : i32 to index
        %swap3A_264 = arith.constant 64 : index
        %swap3A_265 = tpu.vector_load %arg8[%swap3A_263, %swap3A_264] {strides = array<i32>} : memref<320x128xf32, #tpu.memory_space<vmem>>, vector<1x16xf32>,
        %swap3A_266 = vector.shape_cast %swap3A_265 : vector<1x16xf32> to vector<16xf32>
        %swap3A_267 = vector.shape_cast %broadcast_in_dim3A_12 : vector<16xf32> to vector<1x16xf32>
        tpu.vector_store %arg8[%swap3A_263, %swap3A_264], %swap3A_267 {strides = array<i32>} : memref<320x128xf32, #tpu.memory_space<vmem>>, vector<1x16xf32>,
        %swap3A_268 = arith.index_cast %scan3A_242 : i32 to index
        %swap3A_269 = arith.constant 80 : index
        %swap3A_270 = tpu.vector_load %arg8[%swap3A_268, %swap3A_269] {strides = array<i32>} : memref<320x128xf32, #tpu.memory_space<vmem>>, vector<1x16xf32>,
        %swap3A_271 = vector.shape_cast %swap3A_270 : vector<1x16xf32> to vector<16xf32>
        %swap3A_272 = vector.shape_cast %broadcast_in_dim3A_12 : vector<16xf32> to vector<1x16xf32>
        tpu.vector_store %arg8[%swap3A_268, %swap3A_269], %swap3A_272 {strides = array<i32>} : memref<320x128xf32, #tpu.memory_space<vmem>>, vector<1x16xf32>,
        %swap3A_273 = arith.index_cast %scan3A_242 : i32 to index
        %swap3A_274 = arith.constant 96 : index
        %swap3A_275 = tpu.vector_load %arg8[%swap3A_273, %swap3A_274] {strides = array<i32>} : memref<320x128xf32, #tpu.memory_space<vmem>>, vector<1x16xf32>,
        %swap3A_276 = vector.shape_cast %swap3A_275 : vector<1x16xf32> to vector<16xf32>
        %swap3A_277 = vector.shape_cast %broadcast_in_dim3A_12 : vector<16xf32> to vector<1x16xf32>
        tpu.vector_store %arg8[%swap3A_273, %swap3A_274], %swap3A_277 {strides = array<i32>} : memref<320x128xf32, #tpu.memory_space<vmem>>, vector<1x16xf32>,
        %swap3A_278 = arith.index_cast %scan3A_242 : i32 to index
        %swap3A_279 = arith.constant 112 : index
        %swap3A_280 = tpu.vector_load %arg8[%swap3A_278, %swap3A_279] {strides = array<i32>} : memref<320x128xf32, #tpu.memory_space<vmem>>, vector<1x16xf32>,
        %swap3A_281 = vector.shape_cast %swap3A_280 : vector<1x16xf32> to vector<16xf32>
        %swap3A_282 = vector.shape_cast %broadcast_in_dim3A_12 : vector<16xf32> to vector<1x16xf32>
        tpu.vector_store %arg8[%swap3A_278, %swap3A_279], %swap3A_282 {strides = array<i32>} : memref<320x128xf32, #tpu.memory_space<vmem>>, vector<1x16xf32>,
      }
      %scan3A_141 = arith.constant 320 : i32
      %add3A_142 = arith.constant 2 : i32
      %add3A_143 = arith.addi %mul3A_84, %add3A_142 : i32
      %mul3A_144 = arith.constant 320 : i32
      %mul3A_145 = arith.muli %add3A_143, %mul3A_144 : i32
      %add3A_146 = arith.constant 0 : i32
      %add3A_147 = arith.addi %add3A_146, %mul3A_145 : i32
      %dma_start3A_148 = tpu.memref_slice %arg7[%add3A_147] : memref<6400xi32, #tpu.memory_space<vmem>> -> memref<320xi32, #tpu.memory_space<vmem>>
      %dma_start3A_149 = arith.constant 0 : i32
      %dma_start3A_150 = arith.constant 0 : i32
      %dma_start3A_151 = tpu.memref_slice %arg2[%dma_start3A_149, %dma_start3A_150] : memref<100000x128xf32, #tpu.memory_space<hbm>> -> memref<100000x128xf32, #tpu.memory_space<hbm>>
      tpu.enqueue_indirect_dma source(%dma_start3A_151 : memref<100000x128xf32, #tpu.memory_space<hbm>>) target(%arg8 : memref<320x128xf32, #tpu.memory_space<vmem>>) offsets(%dma_start3A_148 : memref<320xi32, #tpu.memory_space<vmem>>) semaphore(%arg10 : memref<!tpu.dma_semaphore, #tpu.memory_space<semaphore_mem>>) {add = true}
      %add3A_152 = arith.constant 1600 : i32
      %add3A_153 = arith.addi %add3A_152, %mul3A_145 : i32
      %dma_start3A_154 = tpu.memref_slice %arg7[%add3A_153] : memref<6400xi32, #tpu.memory_space<vmem>> -> memref<320xi32, #tpu.memory_space<vmem>>
      %dma_start3A_155 = arith.constant 0 : i32
      %dma_start3A_156 = arith.constant 0 : i32
      %dma_start3A_157 = tpu.memref_slice %arg2[%dma_start3A_155, %dma_start3A_156] : memref<100000x128xf32, #tpu.memory_space<hbm>> -> memref<100000x128xf32, #tpu.memory_space<hbm>>
      tpu.enqueue_indirect_dma source(%dma_start3A_157 : memref<100000x128xf32, #tpu.memory_space<hbm>>) target(%arg8 : memref<320x128xf32, #tpu.memory_space<vmem>>) offsets(%dma_start3A_154 : memref<320xi32, #tpu.memory_space<vmem>>) semaphore(%arg10 : memref<!tpu.dma_semaphore, #tpu.memory_space<semaphore_mem>>) {add = true}
      %add3A_158 = arith.constant 3200 : i32
      %add3A_159 = arith.addi %add3A_158, %mul3A_145 : i32
      %dma_start3A_160 = tpu.memref_slice %arg7[%add3A_159] : memref<6400xi32, #tpu.memory_space<vmem>> -> memref<320xi32, #tpu.memory_space<vmem>>
      %dma_start3A_161 = arith.constant 0 : i32
      %dma_start3A_162 = arith.constant 0 : i32
      %dma_start3A_163 = tpu.memref_slice %arg3[%dma_start3A_161, %dma_start3A_162] : memref<100000x128xf32, #tpu.memory_space<hbm>> -> memref<100000x128xf32, #tpu.memory_space<hbm>>
      tpu.enqueue_indirect_dma source(%dma_start3A_163 : memref<100000x128xf32, #tpu.memory_space<hbm>>) target(%arg8 : memref<320x128xf32, #tpu.memory_space<vmem>>) offsets(%dma_start3A_160 : memref<320xi32, #tpu.memory_space<vmem>>) semaphore(%arg10 : memref<!tpu.dma_semaphore, #tpu.memory_space<semaphore_mem>>) {add = true}
      %add3A_164 = arith.constant 4800 : i32
      %add3A_165 = arith.addi %add3A_164, %mul3A_145 : i32
      %dma_start3A_166 = tpu.memref_slice %arg7[%add3A_165] : memref<6400xi32, #tpu.memory_space<vmem>> -> memref<320xi32, #tpu.memory_space<vmem>>
      %dma_start3A_167 = arith.constant 0 : i32
      %dma_start3A_168 = arith.constant 0 : i32
      %dma_start3A_169 = tpu.memref_slice %arg3[%dma_start3A_167, %dma_start3A_168] : memref<100000x128xf32, #tpu.memory_space<hbm>> -> memref<100000x128xf32, #tpu.memory_space<hbm>>
      tpu.enqueue_indirect_dma source(%dma_start3A_169 : memref<100000x128xf32, #tpu.memory_space<hbm>>) target(%arg8 : memref<320x128xf32, #tpu.memory_space<vmem>>) offsets(%dma_start3A_166 : memref<320xi32, #tpu.memory_space<vmem>>) semaphore(%arg10 : memref<!tpu.dma_semaphore, #tpu.memory_space<semaphore_mem>>) {add = true}
      %add3A_170 = arith.constant 1 : i32
      %add3A_171 = arith.addi %mul3A_84, %add3A_170 : i32
      %dma_wait3A_172 = arith.constant 0 : i32
      %dma_wait3A_173 = tpu.memref_slice %arg7[%dma_wait3A_172] : memref<6400xi32, #tpu.memory_space<vmem>> -> memref<320xi32, #tpu.memory_space<vmem>>
      %dma_wait3A_174 = arith.constant 0 : i32
      %dma_wait3A_175 = arith.constant 0 : i32
      %dma_wait3A_176 = tpu.memref_slice %arg2[%dma_wait3A_174, %dma_wait3A_175] : memref<100000x128xf32, #tpu.memory_space<hbm>> -> memref<100000x128xf32, #tpu.memory_space<hbm>>
      tpu.wait_indirect_dma semaphore(%arg11 : memref<!tpu.dma_semaphore, #tpu.memory_space<semaphore_mem>>) src(%dma_wait3A_176 : memref<100000x128xf32, #tpu.memory_space<hbm>>) dst(%arg9 : memref<320x128xf32, #tpu.memory_space<vmem>>)
      %dma_wait3A_177 = arith.constant 1600 : i32
      %dma_wait3A_178 = tpu.memref_slice %arg7[%dma_wait3A_177] : memref<6400xi32, #tpu.memory_space<vmem>> -> memref<320xi32, #tpu.memory_space<vmem>>
      %dma_wait3A_179 = arith.constant 0 : i32
      %dma_wait3A_180 = arith.constant 0 : i32
      %dma_wait3A_181 = tpu.memref_slice %arg2[%dma_wait3A_179, %dma_wait3A_180] : memref<100000x128xf32, #tpu.memory_space<hbm>> -> memref<100000x128xf32, #tpu.memory_space<hbm>>
      tpu.wait_indirect_dma semaphore(%arg11 : memref<!tpu.dma_semaphore, #tpu.memory_space<semaphore_mem>>) src(%dma_wait3A_181 : memref<100000x128xf32, #tpu.memory_space<hbm>>) dst(%arg9 : memref<320x128xf32, #tpu.memory_space<vmem>>)
      %dma_wait3A_182 = arith.constant 3200 : i32
      %dma_wait3A_183 = tpu.memref_slice %arg7[%dma_wait3A_182] : memref<6400xi32, #tpu.memory_space<vmem>> -> memref<320xi32, #tpu.memory_space<vmem>>
      %dma_wait3A_184 = arith.constant 0 : i32
      %dma_wait3A_185 = arith.constant 0 : i32
      %dma_wait3A_186 = tpu.memref_slice %arg3[%dma_wait3A_184, %dma_wait3A_185] : memref<100000x128xf32, #tpu.memory_space<hbm>> -> memref<100000x128xf32, #tpu.memory_space<hbm>>
      tpu.wait_indirect_dma semaphore(%arg11 : memref<!tpu.dma_semaphore, #tpu.memory_space<semaphore_mem>>) src(%dma_wait3A_186 : memref<100000x128xf32, #tpu.memory_space<hbm>>) dst(%arg9 : memref<320x128xf32, #tpu.memory_space<vmem>>)
      %dma_wait3A_187 = arith.constant 4800 : i32
      %dma_wait3A_188 = tpu.memref_slice %arg7[%dma_wait3A_187] : memref<6400xi32, #tpu.memory_space<vmem>> -> memref<320xi32, #tpu.memory_space<vmem>>
      %dma_wait3A_189 = arith.constant 0 : i32
      %dma_wait3A_190 = arith.constant 0 : i32
      %dma_wait3A_191 = tpu.memref_slice %arg3[%dma_wait3A_189, %dma_wait3A_190] : memref<100000x128xf32, #tpu.memory_space<hbm>> -> memref<100000x128xf32, #tpu.memory_space<hbm>>
      tpu.wait_indirect_dma semaphore(%arg11 : memref<!tpu.dma_semaphore, #tpu.memory_space<semaphore_mem>>) src(%dma_wait3A_191 : memref<100000x128xf32, #tpu.memory_space<hbm>>) dst(%arg9 : memref<320x128xf32, #tpu.memory_space<vmem>>)
      %mul3A_192 = arith.constant 320 : i32
      %mul3A_193 = arith.muli %add3A_171, %mul3A_192 : i32
      %add3A_194 = arith.addi %mul3A_2, %mul3A_193 : i32
      "tpu.region"() ({
        %run_scoped3A = tpu.sem_alloc : memref<!tpu.dma_semaphore, #tpu.memory_space<semaphore_mem>>
        %dma_start3A_201 = arith.constant 0 : i32
        %dma_start3A_202 = tpu.memref_slice %arg5[%add3A_194, %dma_start3A_201] : memref<51200x128xf32, #tpu.memory_space<hbm>> -> memref<320x128xf32, #tpu.memory_space<hbm>>
        %dma_start3A_203 = arith.constant 0 : i32
        %dma_start3A_204 = tpu.memref_slice %arg5[%add3A_194, %dma_start3A_203] : memref<51200x128xf32, #tpu.memory_space<hbm>> -> memref<320x128xf32, #tpu.memory_space<hbm>>
        tpu.enqueue_dma source(%arg9 : memref<320x128xf32, #tpu.memory_space<vmem>>) target(%dma_start3A_204 : memref<320x128xf32, #tpu.memory_space<hbm>>) target_semaphore(%run_scoped3A : memref<!tpu.dma_semaphore, #tpu.memory_space<semaphore_mem>>)
        %dma_wait3A_205 = arith.constant 0 : i32
        %dma_wait3A_206 = tpu.memref_slice %arg5[%add3A_194, %dma_wait3A_205] : memref<51200x128xf32, #tpu.memory_space<hbm>> -> memref<320x128xf32, #tpu.memory_space<hbm>>
        %dma_wait3A_207 = arith.constant 0 : i32
        %dma_wait3A_208 = tpu.memref_slice %arg5[%add3A_194, %dma_wait3A_207] : memref<51200x128xf32, #tpu.memory_space<hbm>> -> memref<320x128xf32, #tpu.memory_space<hbm>>
        tpu.wait_dma2 semaphore(%run_scoped3A : memref<!tpu.dma_semaphore, #tpu.memory_space<semaphore_mem>>) src(%arg9 : memref<320x128xf32, #tpu.memory_space<vmem>>) dst(%dma_wait3A_208 : memref<320x128xf32, #tpu.memory_space<hbm>>)
        tpu.yield
      }) : () -> ()
      %scan3A_195 = arith.constant 0 : i32
      %scan3A_196 = arith.constant 0 : i32
      %scan3A_197 = arith.constant 320 : i32
      %scan3A_198 = arith.addi %scan3A_196, %scan3A_197 : i32
      %scan3A_199 = arith.constant 2 : i32
      scf.for %scan3A_201 = %scan3A_196 to %scan3A_198 step %scan3A_199  : i32 {
        %swap3A = arith.index_cast %scan3A_201 : i32 to index
        %swap3A_202 = arith.constant 0 : index
        %swap3A_203 = tpu.vector_load %arg9[%swap3A, %swap3A_202] {strides = array<i32>} : memref<320x128xf32, #tpu.memory_space<vmem>>, vector<1x16xf32>,
        %swap3A_204 = vector.shape_cast %swap3A_203 : vector<1x16xf32> to vector<16xf32>
        %swap3A_205 = vector.shape_cast %broadcast_in_dim3A_12 : vector<16xf32> to vector<1x16xf32>
        tpu.vector_store %arg9[%swap3A, %swap3A_202], %swap3A_205 {strides = array<i32>} : memref<320x128xf32, #tpu.memory_space<vmem>>, vector<1x16xf32>,
        %swap3A_206 = arith.index_cast %scan3A_201 : i32 to index
        %swap3A_207 = arith.constant 16 : index
        %swap3A_208 = tpu.vector_load %arg9[%swap3A_206, %swap3A_207] {strides = array<i32>} : memref<320x128xf32, #tpu.memory_space<vmem>>, vector<1x16xf32>,
        %swap3A_209 = vector.shape_cast %swap3A_208 : vector<1x16xf32> to vector<16xf32>
        %swap3A_210 = vector.shape_cast %broadcast_in_dim3A_12 : vector<16xf32> to vector<1x16xf32>
        tpu.vector_store %arg9[%swap3A_206, %swap3A_207], %swap3A_210 {strides = array<i32>} : memref<320x128xf32, #tpu.memory_space<vmem>>, vector<1x16xf32>,
        %swap3A_211 = arith.index_cast %scan3A_201 : i32 to index
        %swap3A_212 = arith.constant 32 : index
        %swap3A_213 = tpu.vector_load %arg9[%swap3A_211, %swap3A_212] {strides = array<i32>} : memref<320x128xf32, #tpu.memory_space<vmem>>, vector<1x16xf32>,
        %swap3A_214 = vector.shape_cast %swap3A_213 : vector<1x16xf32> to vector<16xf32>
        %swap3A_215 = vector.shape_cast %broadcast_in_dim3A_12 : vector<16xf32> to vector<1x16xf32>
        tpu.vector_store %arg9[%swap3A_211, %swap3A_212], %swap3A_215 {strides = array<i32>} : memref<320x128xf32, #tpu.memory_space<vmem>>, vector<1x16xf32>,
        %swap3A_216 = arith.index_cast %scan3A_201 : i32 to index
        %swap3A_217 = arith.constant 48 : index
        %swap3A_218 = tpu.vector_load %arg9[%swap3A_216, %swap3A_217] {strides = array<i32>} : memref<320x128xf32, #tpu.memory_space<vmem>>, vector<1x16xf32>,
        %swap3A_219 = vector.shape_cast %swap3A_218 : vector<1x16xf32> to vector<16xf32>
        %swap3A_220 = vector.shape_cast %broadcast_in_dim3A_12 : vector<16xf32> to vector<1x16xf32>
        tpu.vector_store %arg9[%swap3A_216, %swap3A_217], %swap3A_220 {strides = array<i32>} : memref<320x128xf32, #tpu.memory_space<vmem>>, vector<1x16xf32>,
        %swap3A_221 = arith.index_cast %scan3A_201 : i32 to index
        %swap3A_222 = arith.constant 64 : index
        %swap3A_223 = tpu.vector_load %arg9[%swap3A_221, %swap3A_222] {strides = array<i32>} : memref<320x128xf32, #tpu.memory_space<vmem>>, vector<1x16xf32>,
        %swap3A_224 = vector.shape_cast %swap3A_223 : vector<1x16xf32> to vector<16xf32>
        %swap3A_225 = vector.shape_cast %broadcast_in_dim3A_12 : vector<16xf32> to vector<1x16xf32>
        tpu.vector_store %arg9[%swap3A_221, %swap3A_222], %swap3A_225 {strides = array<i32>} : memref<320x128xf32, #tpu.memory_space<vmem>>, vector<1x16xf32>,
        %swap3A_226 = arith.index_cast %scan3A_201 : i32 to index
        %swap3A_227 = arith.constant 80 : index
        %swap3A_228 = tpu.vector_load %arg9[%swap3A_226, %swap3A_227] {strides = array<i32>} : memref<320x128xf32, #tpu.memory_space<vmem>>, vector<1x16xf32>,
        %swap3A_229 = vector.shape_cast %swap3A_228 : vector<1x16xf32> to vector<16xf32>
        %swap3A_230 = vector.shape_cast %broadcast_in_dim3A_12 : vector<16xf32> to vector<1x16xf32>
        tpu.vector_store %arg9[%swap3A_226, %swap3A_227], %swap3A_230 {strides = array<i32>} : memref<320x128xf32, #tpu.memory_space<vmem>>, vector<1x16xf32>,
        %swap3A_231 = arith.index_cast %scan3A_201 : i32 to index
        %swap3A_232 = arith.constant 96 : index
        %swap3A_233 = tpu.vector_load %arg9[%swap3A_231, %swap3A_232] {strides = array<i32>} : memref<320x128xf32, #tpu.memory_space<vmem>>, vector<1x16xf32>,
        %swap3A_234 = vector.shape_cast %swap3A_233 : vector<1x16xf32> to vector<16xf32>
        %swap3A_235 = vector.shape_cast %broadcast_in_dim3A_12 : vector<16xf32> to vector<1x16xf32>
        tpu.vector_store %arg9[%swap3A_231, %swap3A_232], %swap3A_235 {strides = array<i32>} : memref<320x128xf32, #tpu.memory_space<vmem>>, vector<1x16xf32>,
        %swap3A_236 = arith.index_cast %scan3A_201 : i32 to index
        %swap3A_237 = arith.constant 112 : index
        %swap3A_238 = tpu.vector_load %arg9[%swap3A_236, %swap3A_237] {strides = array<i32>} : memref<320x128xf32, #tpu.memory_space<vmem>>, vector<1x16xf32>,
        %swap3A_239 = vector.shape_cast %swap3A_238 : vector<1x16xf32> to vector<16xf32>
        %swap3A_240 = vector.shape_cast %broadcast_in_dim3A_12 : vector<16xf32> to vector<1x16xf32>
        tpu.vector_store %arg9[%swap3A_236, %swap3A_237], %swap3A_240 {strides = array<i32>} : memref<320x128xf32, #tpu.memory_space<vmem>>, vector<1x16xf32>,
        %scan3A_241 = arith.constant 1 : i32
        %scan3A_242 = arith.addi %scan3A_201, %scan3A_241 : i32
        %swap3A_243 = arith.index_cast %scan3A_242 : i32 to index
        %swap3A_244 = arith.constant 0 : index
        %swap3A_245 = tpu.vector_load %arg9[%swap3A_243, %swap3A_244] {strides = array<i32>} : memref<320x128xf32, #tpu.memory_space<vmem>>, vector<1x16xf32>,
        %swap3A_246 = vector.shape_cast %swap3A_245 : vector<1x16xf32> to vector<16xf32>
        %swap3A_247 = vector.shape_cast %broadcast_in_dim3A_12 : vector<16xf32> to vector<1x16xf32>
        tpu.vector_store %arg9[%swap3A_243, %swap3A_244], %swap3A_247 {strides = array<i32>} : memref<320x128xf32, #tpu.memory_space<vmem>>, vector<1x16xf32>,
        %swap3A_248 = arith.index_cast %scan3A_242 : i32 to index
        %swap3A_249 = arith.constant 16 : index
        %swap3A_250 = tpu.vector_load %arg9[%swap3A_248, %swap3A_249] {strides = array<i32>} : memref<320x128xf32, #tpu.memory_space<vmem>>, vector<1x16xf32>,
        %swap3A_251 = vector.shape_cast %swap3A_250 : vector<1x16xf32> to vector<16xf32>
        %swap3A_252 = vector.shape_cast %broadcast_in_dim3A_12 : vector<16xf32> to vector<1x16xf32>
        tpu.vector_store %arg9[%swap3A_248, %swap3A_249], %swap3A_252 {strides = array<i32>} : memref<320x128xf32, #tpu.memory_space<vmem>>, vector<1x16xf32>,
        %swap3A_253 = arith.index_cast %scan3A_242 : i32 to index
        %swap3A_254 = arith.constant 32 : index
        %swap3A_255 = tpu.vector_load %arg9[%swap3A_253, %swap3A_254] {strides = array<i32>} : memref<320x128xf32, #tpu.memory_space<vmem>>, vector<1x16xf32>,
        %swap3A_256 = vector.shape_cast %swap3A_255 : vector<1x16xf32> to vector<16xf32>
        %swap3A_257 = vector.shape_cast %broadcast_in_dim3A_12 : vector<16xf32> to vector<1x16xf32>
        tpu.vector_store %arg9[%swap3A_253, %swap3A_254], %swap3A_257 {strides = array<i32>} : memref<320x128xf32, #tpu.memory_space<vmem>>, vector<1x16xf32>,
        %swap3A_258 = arith.index_cast %scan3A_242 : i32 to index
        %swap3A_259 = arith.constant 48 : index
        %swap3A_260 = tpu.vector_load %arg9[%swap3A_258, %swap3A_259] {strides = array<i32>} : memref<320x128xf32, #tpu.memory_space<vmem>>, vector<1x16xf32>,
        %swap3A_261 = vector.shape_cast %swap3A_260 : vector<1x16xf32> to vector<16xf32>
        %swap3A_262 = vector.shape_cast %broadcast_in_dim3A_12 : vector<16xf32> to vector<1x16xf32>
        tpu.vector_store %arg9[%swap3A_258, %swap3A_259], %swap3A_262 {strides = array<i32>} : memref<320x128xf32, #tpu.memory_space<vmem>>, vector<1x16xf32>,
        %swap3A_263 = arith.index_cast %scan3A_242 : i32 to index
        %swap3A_264 = arith.constant 64 : index
        %swap3A_265 = tpu.vector_load %arg9[%swap3A_263, %swap3A_264] {strides = array<i32>} : memref<320x128xf32, #tpu.memory_space<vmem>>, vector<1x16xf32>,
        %swap3A_266 = vector.shape_cast %swap3A_265 : vector<1x16xf32> to vector<16xf32>
        %swap3A_267 = vector.shape_cast %broadcast_in_dim3A_12 : vector<16xf32> to vector<1x16xf32>
        tpu.vector_store %arg9[%swap3A_263, %swap3A_264], %swap3A_267 {strides = array<i32>} : memref<320x128xf32, #tpu.memory_space<vmem>>, vector<1x16xf32>,
        %swap3A_268 = arith.index_cast %scan3A_242 : i32 to index
        %swap3A_269 = arith.constant 80 : index
        %swap3A_270 = tpu.vector_load %arg9[%swap3A_268, %swap3A_269] {strides = array<i32>} : memref<320x128xf32, #tpu.memory_space<vmem>>, vector<1x16xf32>,
        %swap3A_271 = vector.shape_cast %swap3A_270 : vector<1x16xf32> to vector<16xf32>
        %swap3A_272 = vector.shape_cast %broadcast_in_dim3A_12 : vector<16xf32> to vector<1x16xf32>
        tpu.vector_store %arg9[%swap3A_268, %swap3A_269], %swap3A_272 {strides = array<i32>} : memref<320x128xf32, #tpu.memory_space<vmem>>, vector<1x16xf32>,
        %swap3A_273 = arith.index_cast %scan3A_242 : i32 to index
        %swap3A_274 = arith.constant 96 : index
        %swap3A_275 = tpu.vector_load %arg9[%swap3A_273, %swap3A_274] {strides = array<i32>} : memref<320x128xf32, #tpu.memory_space<vmem>>, vector<1x16xf32>,
        %swap3A_276 = vector.shape_cast %swap3A_275 : vector<1x16xf32> to vector<16xf32>
        %swap3A_277 = vector.shape_cast %broadcast_in_dim3A_12 : vector<16xf32> to vector<1x16xf32>
        tpu.vector_store %arg9[%swap3A_273, %swap3A_274], %swap3A_277 {strides = array<i32>} : memref<320x128xf32, #tpu.memory_space<vmem>>, vector<1x16xf32>,
        %swap3A_278 = arith.index_cast %scan3A_242 : i32 to index
        %swap3A_279 = arith.constant 112 : index
        %swap3A_280 = tpu.vector_load %arg9[%swap3A_278, %swap3A_279] {strides = array<i32>} : memref<320x128xf32, #tpu.memory_space<vmem>>, vector<1x16xf32>,
        %swap3A_281 = vector.shape_cast %swap3A_280 : vector<1x16xf32> to vector<16xf32>
        %swap3A_282 = vector.shape_cast %broadcast_in_dim3A_12 : vector<16xf32> to vector<1x16xf32>
        tpu.vector_store %arg9[%swap3A_278, %swap3A_279], %swap3A_282 {strides = array<i32>} : memref<320x128xf32, #tpu.memory_space<vmem>>, vector<1x16xf32>,
      }
      %scan3A_200 = arith.constant 320 : i32
    }
    %scan3A_60 = arith.constant 2 : i32
    %dma_wait3A = arith.constant 0 : i32
    %dma_wait3A_61 = tpu.memref_slice %arg7[%dma_wait3A] : memref<6400xi32, #tpu.memory_space<vmem>> -> memref<320xi32, #tpu.memory_space<vmem>>
    %dma_wait3A_62 = arith.constant 0 : i32
    %dma_wait3A_63 = arith.constant 0 : i32
    %dma_wait3A_64 = tpu.memref_slice %arg2[%dma_wait3A_62, %dma_wait3A_63] : memref<100000x128xf32, #tpu.memory_space<hbm>> -> memref<100000x128xf32, #tpu.memory_space<hbm>>
    tpu.wait_indirect_dma semaphore(%arg10 : memref<!tpu.dma_semaphore, #tpu.memory_space<semaphore_mem>>) src(%dma_wait3A_64 : memref<100000x128xf32, #tpu.memory_space<hbm>>) dst(%arg8 : memref<320x128xf32, #tpu.memory_space<vmem>>)
    %dma_wait3A_65 = arith.constant 1600 : i32
    %dma_wait3A_66 = tpu.memref_slice %arg7[%dma_wait3A_65] : memref<6400xi32, #tpu.memory_space<vmem>> -> memref<320xi32, #tpu.memory_space<vmem>>
    %dma_wait3A_67 = arith.constant 0 : i32
    %dma_wait3A_68 = arith.constant 0 : i32
    %dma_wait3A_69 = tpu.memref_slice %arg2[%dma_wait3A_67, %dma_wait3A_68] : memref<100000x128xf32, #tpu.memory_space<hbm>> -> memref<100000x128xf32, #tpu.memory_space<hbm>>
    tpu.wait_indirect_dma semaphore(%arg10 : memref<!tpu.dma_semaphore, #tpu.memory_space<semaphore_mem>>) src(%dma_wait3A_69 : memref<100000x128xf32, #tpu.memory_space<hbm>>) dst(%arg8 : memref<320x128xf32, #tpu.memory_space<vmem>>)
    %dma_wait3A_70 = arith.constant 3200 : i32
    %dma_wait3A_71 = tpu.memref_slice %arg7[%dma_wait3A_70] : memref<6400xi32, #tpu.memory_space<vmem>> -> memref<320xi32, #tpu.memory_space<vmem>>
    %dma_wait3A_72 = arith.constant 0 : i32
    %dma_wait3A_73 = arith.constant 0 : i32
    %dma_wait3A_74 = tpu.memref_slice %arg3[%dma_wait3A_72, %dma_wait3A_73] : memref<100000x128xf32, #tpu.memory_space<hbm>> -> memref<100000x128xf32, #tpu.memory_space<hbm>>
    tpu.wait_indirect_dma semaphore(%arg10 : memref<!tpu.dma_semaphore, #tpu.memory_space<semaphore_mem>>) src(%dma_wait3A_74 : memref<100000x128xf32, #tpu.memory_space<hbm>>) dst(%arg8 : memref<320x128xf32, #tpu.memory_space<vmem>>)
    %dma_wait3A_75 = arith.constant 4800 : i32
    %dma_wait3A_76 = tpu.memref_slice %arg7[%dma_wait3A_75] : memref<6400xi32, #tpu.memory_space<vmem>> -> memref<320xi32, #tpu.memory_space<vmem>>
    %dma_wait3A_77 = arith.constant 0 : i32
    %dma_wait3A_78 = arith.constant 0 : i32
    %dma_wait3A_79 = tpu.memref_slice %arg3[%dma_wait3A_77, %dma_wait3A_78] : memref<100000x128xf32, #tpu.memory_space<hbm>> -> memref<100000x128xf32, #tpu.memory_space<hbm>>
    tpu.wait_indirect_dma semaphore(%arg10 : memref<!tpu.dma_semaphore, #tpu.memory_space<semaphore_mem>>) src(%dma_wait3A_79 : memref<100000x128xf32, #tpu.memory_space<hbm>>) dst(%arg8 : memref<320x128xf32, #tpu.memory_space<vmem>>)
    %add3A_80 = arith.constant 1280 : i32
    %add3A_81 = arith.addi %mul3A_2, %add3A_80 : i32
    "tpu.region"() ({
      %run_scoped3A = tpu.sem_alloc : memref<!tpu.dma_semaphore, #tpu.memory_space<semaphore_mem>>
      %dma_start3A_82 = arith.constant 0 : i32
      %dma_start3A_83 = tpu.memref_slice %arg5[%add3A_81, %dma_start3A_82] : memref<51200x128xf32, #tpu.memory_space<hbm>> -> memref<320x128xf32, #tpu.memory_space<hbm>>
      %dma_start3A_84 = arith.constant 0 : i32
      %dma_start3A_85 = tpu.memref_slice %arg5[%add3A_81, %dma_start3A_84] : memref<51200x128xf32, #tpu.memory_space<hbm>> -> memref<320x128xf32, #tpu.memory_space<hbm>>
      tpu.enqueue_dma source(%arg8 : memref<320x128xf32, #tpu.memory_space<vmem>>) target(%dma_start3A_85 : memref<320x128xf32, #tpu.memory_space<hbm>>) target_semaphore(%run_scoped3A : memref<!tpu.dma_semaphore, #tpu.memory_space<semaphore_mem>>)
      %dma_wait3A_86 = arith.constant 0 : i32
      %dma_wait3A_87 = tpu.memref_slice %arg5[%add3A_81, %dma_wait3A_86] : memref<51200x128xf32, #tpu.memory_space<hbm>> -> memref<320x128xf32, #tpu.memory_space<hbm>>
      %dma_wait3A_88 = arith.constant 0 : i32
      %dma_wait3A_89 = tpu.memref_slice %arg5[%add3A_81, %dma_wait3A_88] : memref<51200x128xf32, #tpu.memory_space<hbm>> -> memref<320x128xf32, #tpu.memory_space<hbm>>
      tpu.wait_dma2 semaphore(%run_scoped3A : memref<!tpu.dma_semaphore, #tpu.memory_space<semaphore_mem>>) src(%arg8 : memref<320x128xf32, #tpu.memory_space<vmem>>) dst(%dma_wait3A_89 : memref<320x128xf32, #tpu.memory_space<hbm>>)
      tpu.yield
    }) : () -> ()
    return
  }
}

</mosaic_0001>

<sc_bundles>
// kernel: _run.3.cloned.1.call-start
scs
__scs_entry_jumppad:
0x0: {  	(pc) =	sbr.rel $0x88, $3  }
0x1: {  	(tag) =	ssettag $0x0;
	lr =	simm.s32 $0x1  }
0x2: {  	[smem:$0x3F9E] =	sst lr;
	_ =	strace $0xD0000000  }
0x3: {  	_ = 	snop  }
0x4: {  	_ = 	snop  }
0x5: {  	_ = 	snop  }
0x6: {  	_ = 	snop  }
0x7: {  	_ = 	snop  }
__scs_overlays_trampoline_lowered:
0x8: {  	[smem:$0x3FAD] =	sst s0  }
0x9: {  	[smem:$0x3FAE] =	sst s1  }
0xa: {  	[smem:$0x3FAF] =	sst s2  }
0xb: {  	[smem:$0x3FB0] =	sst s3  }
0xc: {  	[smem:$0x3FB1] =	sst s4  }
0xd: {  	[smem:$0x3FB2] =	sst s5  }
0xe: {  	[smem:$0x3FB3] =	sst s6  }
0xf: {  	[smem:$0x3FB4] =	sst s7  }
0x10: {  	[smem:$0x3FB5] =	sst s8  }
0x11: {  	[smem:$0x3FB6] =	sst s9;
	s0 =	simm.s32 @!p0 $0x0  }
0x12: {  	s1 =	sld [smem:$0x3F9C];
	s0 =	simm.s32 @p0 $0x1  }
0x13: {  	[smem:$0x3FB7] =	sst s0;
	s0 =	simm.s32 @!p1 $0x0  }
0x14: {  	s2 =	sld [smem:$0x3F9B];
	s0 =	simm.s32 @p1 $0x1  }
0x15: {  	[smem:$0x3FB8] =	sst s0;
	s0 =	simm.s32 @!p2 $0x0  }
0x16: {  	s3 =	sld [smem:$0x3FDB];
	s0 =	simm.s32 @p2 $0x1  }
0x17: {  	s4 =	simm.s32 $0x1BF5;
	[smem:$0x3FBA] =	sst s0  }
0x18: {  	s0 =	sld [smem:$0x3F9D];
	_ =	swait.ge [sflag:s4], $0x0  }
0x19: {  	s7 =	sld [smem:$0x3F9E]  }
0x1a: {  	s8 =	sadd.s32 $0xFFFFE003, lr  }
0x1b: {  	s9 =	sadd.s32 $0xFFFFFEF7, lr;
	s5 =	simm.s32 $0xFFFFFFFF;
	p2 =	slt.u32 s8, $0xFFFFF086  }
0x1c: {  	p1 =	slt.u32 s9, $0xF7A;
	s5 =	simm.s32 @!p2 $0x0  }
0x1d: {  	s5 =	simm.s32 @p1 $0x1;
	p0 =	seq.s32 s7, s2  }
0x1e: {  	s7 =	smul.u32 @!p0 $0xF7A, s2;
	p2 =	seq.s32 @!p0 s5, $0x0  }
0x1f: {  	s9 =	smul.u32 $0xF7A, s1;
	s8 =	simm.s32 @!p0 $0x1BF5;
	p2 =	por !p2, p0  }
0x20: {  	[sflag:s8] =	ssyncset.s32 @!p0 $0xFFFFF086;
	s6 =	sadd.s32 @!p0 s3, s7;
	s7 =	simm.s32 @!p0 $0x108  }
0x21: {  	s3 =	sadd.s32 s3, s9;
	s6 =	sadd.s32 @!p0 $0x88, s6;
	s7 =	simm.s32 @p2 $0x1082  }
0x22: {  	[simem:s7], [sflag:s8] =	dma.local @!p0 [hbm:s6], $0xF7A  }
0x23: {  	s9 =	sor.u32 $0xD0000000, s2;
	s6 =	simm.s32 $0x108;
	_ =	swait.ge @!p0 [sflag:s8], $0x0  }
0x24: {  	s3 =	sadd.s32 $0x88, s3;
	s6 =	simm.s32 @!p1 $0x1082;
	[sflag:s4] =	ssyncset.s32 $0xFFFFF086  }
0x25: {  	[simem:s6], [sflag:s4] =	dma.local [hbm:s3], $0xF7A  }
0x26: {  	[smem:$0x3F9E] =	sst s1;
	(tag) =	ssettag s2;
	_ =	strace s9  }
0x27: {  	s1 =	sld [smem:$0x3FAE]  }
0x28: {  	s2 =	sld [smem:$0x3FAF]  }
0x29: {  	s4 =	sld [smem:$0x3FB1]  }
0x2a: {  	p0 =	seq.s32 s5, $0x0;
	s5 =	sld [smem:$0x3FB2]  }
0x2b: {  	s6 =	sld [smem:$0x3FB3]  }
0x2c: {  	s7 =	sld [smem:$0x3FB4]  }
0x2d: {  	s3 =	simm.s32 $0x108;
	s8 =	sld [smem:$0x3FB5]  }
0x2e: {  	s3 =	simm.s32 @!p0 $0x1082;
	s9 =	sld [smem:$0x3FB6]  }
0x2f: {  	lr =	sadd.s32 s0, s3;
	s0 =	sld [smem:$0x3FAD]  }
0x30: {  	s3 =	sld [smem:$0x3FB0]  }
0x31: {  	[smem:$0x3FB9] =	sst s10  }
0x32: {  	s10 =	sld [smem:$0x3FB7];
	_ =	sdelay $0x3  }
0x33: {  	p0 =	seq.s32 s10, $0x1;
	s10 =	sld [smem:$0x3FB9];
	_ =	sdelay $0x3  }
0x34: {  	[smem:$0x3FB9] =	sst s10  }
0x35: {  	s10 =	sld [smem:$0x3FB8];
	_ =	sdelay $0x3  }
0x36: {  	p1 =	seq.s32 s10, $0x1;
	s10 =	sld [smem:$0x3FB9];
	_ =	sdelay $0x3  }
0x37: {  	[smem:$0x3FB9] =	sst s10  }
0x38: {  	s10 =	sld [smem:$0x3FBA]  }
0x39: {  	_ = 	snop;
	(pc) =	sbr.ind lr, $3  }
0x3a: {  	_ = 	snop  }
0x3b: {  	_ = 	snop  }
0x3c: {  	p2 =	seq.s32 s10, $0x1;
	s10 =	sld [smem:$0x3FB9]  }
0x3d: {  	_ =	shalt  }
0x3e: {  	_ =	shalt  }
0x3f: {  	_ =	shalt  }
0x40: {  	_ =	shalt  }
0x41: {  	_ =	shalt  }
0x42: {  	_ =	shalt  }
0x43: {  	_ =	shalt  }
0x44: {  	_ =	shalt  }
0x45: {  	_ =	shalt  }
0x46: {  	_ =	shalt  }
0x47: {  	_ =	shalt  }
0x48: {  	_ =	shalt  }
0x49: {  	_ =	shalt  }
0x4a: {  	_ =	shalt  }
0x4b: {  	_ =	shalt  }
0x4c: {  	_ =	shalt  }
0x4d: {  	_ =	shalt  }
0x4e: {  	_ =	shalt  }
0x4f: {  	_ =	shalt  }
0x50: {  	_ =	shalt  }
0x51: {  	_ =	shalt  }
0x52: {  	_ =	shalt  }
0x53: {  	_ =	shalt  }
0x54: {  	_ =	shalt  }
0x55: {  	_ =	shalt  }
0x56: {  	_ =	shalt  }
0x57: {  	_ =	shalt  }
0x58: {  	_ =	shalt  }
0x59: {  	_ =	shalt  }
0x5a: {  	_ =	shalt  }
0x5b: {  	_ =	shalt  }
0x5c: {  	_ =	shalt  }
0x5d: {  	_ =	shalt  }
0x5e: {  	_ =	shalt  }
0x5f: {  	_ =	shalt  }
0x60: {  	_ =	shalt  }
0x61: {  	_ =	shalt  }
0x62: {  	_ =	shalt  }
0x63: {  	_ =	shalt  }
0x64: {  	_ =	shalt  }
0x65: {  	_ =	shalt  }
0x66: {  	_ =	shalt  }
0x67: {  	_ =	shalt  }
0x68: {  	_ =	shalt  }
0x69: {  	_ =	shalt  }
0x6a: {  	_ =	shalt  }
0x6b: {  	_ =	shalt  }
0x6c: {  	_ =	shalt  }
0x6d: {  	_ =	shalt  }
0x6e: {  	_ =	shalt  }
0x6f: {  	_ =	shalt  }
0x70: {  	_ =	shalt  }
0x71: {  	_ =	shalt  }
0x72: {  	_ =	shalt  }
0x73: {  	_ =	shalt  }
0x74: {  	_ =	shalt  }
0x75: {  	_ =	shalt  }
0x76: {  	_ =	shalt  }
0x77: {  	_ =	shalt  }
0x78: {  	_ =	shalt  }
0x79: {  	_ =	shalt  }
0x7a: {  	_ =	shalt  }
0x7b: {  	_ =	shalt  }
0x7c: {  	_ =	shalt  }
0x7d: {  	_ =	shalt  }
0x7e: {  	_ =	shalt  }
0x7f: {  	_ =	shalt  }
0x80: {  	_ =	shalt  }
0x81: {  	_ =	shalt  }
0x82: {  	_ =	shalt  }
0x83: {  	_ =	shalt  }
0x84: {  	_ =	shalt  }
0x85: {  	_ =	shalt  }
0x86: {  	_ =	shalt  }
0x87: {  	_ =	shalt  }
.Lfunc_end0:
.L_simem_size_0:
called_computation_lowered:
.L_overlay_start_0:
0x88: {  	s2 =	sld [smem:$0x3FD9]  }
0x89: {  	s3 =	sld [smem:$0x3FFE];
	_ =	sdelay $0x1  }
0x8a: {  	s1 =	srdreg.scid  }
0x8b: {  	s0 =	sand.u32 $0x1, s1  }
0x8c: {  	s18 =	sshll.u32 s0, $0xA;
	s2 =	sadd.s32 s3, s2  }
0x8d: {  	s2 =	sadd.s32 s2, s18  }
0x8e: {  	[smem:$0x3FC5] =	sst s2  }
0x8f: {  	_ = 	snop  }
0x90: {  	s2 =	sld [smem:$0x3FC9]  }
0x91: {  	s19 =	sld [smem:$0x3FC8]  }
0x92: {  	s4 =	sld [smem:$0x3FC7]  }
0x93: {  	s5 =	sld [smem:$0x3FD0];
	(tm) =	ssettm $0x1  }
0x94: {  	s6 =	sld [smem:$0x3FFB];
	_ =	sdelay $0x3  }
0x95: {  	_ =	strace s6  }
0x96: {  	s6 =	sld [smem:$0x3FFC];
	_ =	sdelay $0x3  }
0x97: {  	_ =	strace s6  }
0x98: {  	s6 =	sld [smem:$0x3FFD];
	_ =	sdelay $0x3  }
0x99: {  	_ =	strace s6  }
0x9a: {  	_ =	strace $0x8FFFFFFF  }
0x9b: {  	s20 =	sld [smem:$0x3FDB];
	_ =	sdelay $0x1  }
0x9c: {  	s7 =	simm.s32 $_scs_section_size  }
0x9d: {  	s8 =	simm.s32 $_size__tile_overlayer_lowered;
	s9 =	simm.s32 $_tile_overlayer_lowered  }
0x9e: {  	s23 =	simm.s32 $0x1BFF;
	s22 =	sshll.u32 s9, $0x1;
	s6 =	sadd.s32 s7, s20  }
0x9f: {  	s10 =	simm.s32 $0x0;
	s21 =	sshll.u32 s8, $0x1;
	s8 =	sadd.s32 s22, s6  }
0xa0: {  	[timem:s10], [sflag:s23] =	dma.local [hbm:s8], s21  }
0xa1: {  	_ =	swait.ge [sflag:s23], s21  }
0xa2: {  	s7 =	ssub.s32 $0x0, s21;
	[sflag:s23] =	ssyncset.done $0x0  }
0xa3: {  	[sflag:s23] =	ssyncadd.s32 s7;
	_ =	sdelay $0x1  }
0xa4: {  	s24 =	simm.s32 $0x1B8B  }
0xa5: {  	_ =	swait.ge [sflag:s24], $0x1  }
0xa6: {  	[sflag:s24] =	ssyncset.done $0x0  }
0xa7: {  	s25 =	simm.s32 $0x1B8E;
	[sflag:s24] =	ssyncadd.s32 $0xFFFFFFFF  }
0xa8: {  	s26 =	simm.s32 $execute0_lowered;
	[smem:$0x3FD2] =	sst s25  }
0xa9: {  	s7 =	sshll.u32 s26, $0x1;
	_ =	strace $0x80000046;
	[dreg:$0x1] =	wrdreg $0xFFFFFFFF  }
0xaa: {  	s28 =	simm.s32 $_size_execute0_lowered;
	s6 =	sadd.s32 s6, s7;
	[dreg:$0x0] =	wrdreg $0x0  }
0xab: {  	s7 =	sshll.u32 s28, $0x1;
	[dreg:$0x2] =	wrdreg s6  }
0xac: {  	[dreg:$0x3] =	wrdreg s7  }
0xad: {  	[dreg:$0x4] =	wrdreg $0xC0  }
0xae: {  	_ =	task [dreg:s10], $0x5FFFF  }
0xaf: {  	[dreg:$0x1] =	wrdreg $0xFFFFFFFF  }
0xb0: {  	[dreg:$0x0] =	wrdreg $0x60  }
0xb1: {  	[dreg:$0x2] =	wrdreg s2  }
0xb2: {  	[dreg:$0x3] =	wrdreg s19  }
0xb3: {  	[dreg:$0x4] =	wrdreg s4  }
0xb4: {  	[dreg:$0x5] =	wrdreg s5  }
0xb5: {  	[dreg:$0x6] =	wrdreg $0x9  }
0xb6: {  	_ =	task.clear_ibuf [dreg:s10], $0x7FFFF;
	_ =	strace $0x90000046  }
0xb7: {  	s29 =	simm.s32 $0x9;
	_ =	strace $0x80000048  }
0xb8: {  	_ =	swait.ge [sflag:s29], $0x1  }
0xb9: {  	[sflag:s29] =	ssyncadd.s32 $0xFFFFFFFF  }
0xba: {  	_ =	strace $0x90000048  }
0xbb: {  	_ =	sfence  }
0xbc: {  	s30 =	sld [smem:$0x0];
	_ =	sdelay $0x2  }
0xbd: {  	s31 =	sshll.u32 s1, $0xD;
	s1 =	sshrl.u32 s1, $0x2  }
0xbe: {  	s3 =	sand.u32 $0x4000, s31;
	s1 =	sadd.s32 s1, s30  }
0xbf: {  	s0 =	sor.u32 s3, s0;
	s1 =	sshll.u32 s1, $0x11  }
0xc0: {  	s0 =	sor.u32 s1, s0  }
0xc1: {  	s0 =	sadd.s32 $0x8F2B, s0  }
0xc2: {  	[sflag:s0] =	ssyncadd.remote.s32 $0x1  }
0xc3: {  	_ =	sfence.sel $0xFFFF  }
0xc4: {  	[dreg:$0x0] =	wrdreg $0xFFFFFFFF;
	(pc) =	sbr.abs _section_cstart, $3  }
0xc5: {  	[dreg:$0x1] =	wrdreg $0xFFFFFFFF  }
0xc6: {  	_ =	task.clear_ibuf [dreg:s10], $0x2FFFF;
	_ =	strace $0x9FFFFFFF  }
0xc7: {  	(tm) =	ssettm $0x7FFFFFFF  }
tec
execute0_lowered:
.L_overlay_start_1:
0x0: {  	(tag) =	ssettag $0x1  }
0x1: {  	s1 =	rddreg [dreg:$0x0]  }
0x2: {  	s2 =	rddreg [dreg:$0x1]  }
0x3: {  	s3 =	srdreg.scid;
	s7 =	rddreg [dreg:$0x2]  }
0x4: {  	s0 =	stileid.u32;
	s4 =	rddreg [dreg:$0x3]  }
0x5: {  	s5 =	simm.s32 $0x0;
	s13 =	simm.s32 $0x3200;
	s14 =	simm.s32 $0x1F40  }
0x6: {  	s15 =	simm.s32 $0x2580;
	s16 =	simm.s32 $0x2BC0;
	s17 =	simm.s32 $0xD200  }
0x7: {  	s18 =	simm.s32 $0x1;
	s6 =	sand.u32 $0x1, s3;
	s31 =	sshll.u32 s0, $0x1  }
0x8: {  	s19 =	simm.s32 $0x2;
	s20 =	simm.s32 $0x0;
	s8 =	sor.u32 s6, s31  }
0x9: {  	v0 =	vlaneseq.u32;
	[smem:$0x7FF] =	sst s5;
	s6 =	ssub.s32 $0x2, s6;
	s9 =	smul.u32 $0x32000, s8  }
0xa: {  	v0 =	vand.u32 $0x3, v0;
	_ =	strace $0x80000047;
	s10 =	sshrl.u32 s6, $0x1;
	s11 =	smul.u32 $0x320, s8  }
0xb: {  	vm0 =	vcmask $0x3F30;
	v0 =	vmul.u32 $0x4, v0;
	s10 =	ssub.s32 s6, s10;
	s6 =	smul.u32 $0x640, s8;
	s9 =	sshrl.u32 s9, $0x3  }
0xc: {  	vm1 =	vcmask $0x3F20;
	vm2 =	vmmov $0xf;
	v4 =	vimm.f32 $0.0e+00;
	s7 =	sadd.s32 s7, s11;
	s11 =	simm.s32 $0x140;
	s9 =	sadd.s32 s4, s9  }
0xd: {  	v1 =	vor.u32 $0x1, v0;
	v2 =	vor.u32 $0x2, v0;
	v3 =	vor.u32 $0x3, v0;
	s8 =	sadd.s32 $0x5000, s9;
	s9 =	smax.u32 s10, $0x1;
	s10 =	simm.s32 $0x3  }
.LBB2_1:
0xe: {  	[tilespmem:s5], [sflag:$0x3] =	stream.linear.gather [hbm4b:s7+s5], $0x1900, $0x38;
	[tilespmem:$0x17200] =	vst v63  }
0xf: {  	_ =	swait.ge [sflag:s10], $0x1900  }
0x10: {  	[sflag:s10] =	ssyncset.done $0x0  }
0x11: {  	s21 =	simm.s32 $0x80;
	[sflag:s10] =	ssyncadd.s32 $0xFFFFE700  }
0x12: {  	v5 =	vld [tilespmem:s21+$0xFFFFFF80]  }
0x13: {  	v6 =	vld [tilespmem:s21+$0xFFFFFFB0]  }
0x14: {  	v7 =	vld [tilespmem:s21+$0xFFFFFFA0];
	_ =	sdelay $0x1  }
0x15: {  	v8 =	vld [tilespmem:s21+$0xFFFFFF90]  }
0x16: {  	v9 =	vperm.xlane v5, v2;
	v10 =	vperm.xlane v5, v1  }
0x17: {  	v11 =	vperm.xlane v6, v3;
	v12 =	vperm.xlane v6, v1  }
0x18: {  	v13 =	vperm.xlane v7, v2;
	v14 =	vperm.xlane v6, v0  }
0x19: {  	v15 =	vperm.xlane v7, v3;
	v16 =	vperm.xlane v7, v1  }
0x1a: {  	v17 =	vperm.xlane v8, v3;
	v7 =	vperm.xlane v7, v0  }
0x1b: {  	v18 =	vperm.xlane v8, v0;
	v6 =	vperm.xlane v6, v2;
	v11 =	vsel vm0, v11, v15  }
0x1c: {  	v15 =	vperm.xlane v8, v1;
	v7 =	vsel vm0, v14, v7;
	v14 =	vperm.xlane v5, v0  }
0x1d: {  	v12 =	vsel vm0, v12, v16;
	v8 =	vperm.xlane v8, v2;
	v7 =	vsel vm1, v7, v18  }
0x1e: {  	s23 =	simm.s32 $0x12C0;
	v6 =	vsel vm0, v6, v13;
	v12 =	vsel vm1, v12, v15;
	v7 =	vsel vm2, v14, v7  }
0x1f: {  	s22 =	simm.s32 $0x0;
	v5 =	vperm.xlane v5, v3;
	v6 =	vsel vm1, v6, v8;
	v10 =	vsel vm2, v10, v12;
	[tilespmem:s23+$0x640] =	vst v7  }
0x20: {  	s22 =	sand.u32 $0x1C0, s22;
	v6 =	vsel vm2, v9, v6;
	v7 =	vsel vm1, v11, v17;
	[tilespmem:s23+$0xC80] =	vst v10  }
0x21: {  	s12 =	simm.s32 $0x40;
	v5 =	vsel vm2, v5, v7;
	[tilespmem:s22+$0x2580] =	vst v6  }
0x22: {  	s24 =	sor.u32 $0x60, s12;
	[tilespmem:s23+$0x1900] =	vst v5  }
0x23: {  	v5 =	vld [tilespmem:s24+$0x0]  }
0x24: {  	s25 =	sor.u32 $0x70, s12  }
0x25: {  	s22 =	sor.u32 $0x50, s12;
	v6 =	vld [tilespmem:s25+$0x0]  }
0x26: {  	v7 =	vld [tilespmem:s22+$0x0]  }
0x27: {  	v8 =	vld [tilespmem:s21+$0xFFFFFFC0]  }
0x28: {  	v9 =	vperm.xlane v5, v2  }
0x29: {  	v10 =	vperm.xlane v5, v3;
	v11 =	vperm.xlane v5, v0  }
0x2a: {  	v5 =	vperm.xlane v5, v1;
	v12 =	vperm.xlane v6, v0  }
0x2b: {  	v13 =	vperm.xlane v6, v1;
	v14 =	vperm.xlane v7, v0  }
0x2c: {  	v15 =	vperm.xlane v7, v1;
	v63 =	vperm.xlane v8, v0;
	v11 =	vsel vm0, v12, v11  }
0x2d: {  	v5 =	vsel vm0, v13, v5;
	v12 =	vperm.xlane v6, v2;
	v13 =	vperm.xlane v7, v2  }
0x2e: {  	v6 =	vperm.xlane v6, v3;
	v7 =	vperm.xlane v7, v3;
	v11 =	vsel vm1, v11, v14  }
0x2f: {  	v5 =	vsel vm1, v5, v15;
	v14 =	vperm.xlane v8, v1;
	v11 =	vsel vm2, v63, v11  }
0x30: {  	v9 =	vsel vm0, v12, v9;
	v12 =	vperm.xlane v8, v2;
	v6 =	vsel vm0, v6, v10  }
0x31: {  	s26 =	simm.s32 $0x10;
	v8 =	vperm.xlane v8, v3;
	v9 =	vsel vm1, v9, v13;
	[tilespmem:s23+$0x650] =	vst v11;
	v5 =	vsel vm2, v14, v5  }
0x32: {  	s22 =	sand.u32 $0x1D0, s26;
	v6 =	vsel vm1, v6, v7;
	[tilespmem:s23+$0xC90] =	vst v5;
	v5 =	vsel vm2, v12, v9  }
0x33: {  	[tilespmem:s22+$0x2580] =	vst v5;
	v5 =	vsel vm2, v8, v6  }
0x34: {  	[tilespmem:s23+$0x1910] =	vst v5  }
0x35: {  	v10 =	vld [tilespmem:s21+$0x20]  }
0x36: {  	v6 =	vld [tilespmem:s21+$0x30]  }
0x37: {  	v7 =	vld [tilespmem:s21+$0x10];
	_ =	sdelay $0x1  }
0x38: {  	v8 =	vld [tilespmem:s21+$0x0]  }
0x39: {  	s28 =	simm.s32 $0x30;
	s29 =	simm.s32 $0x4B00;
	v11 =	vperm.xlane v10, v0;
	v5 =	vperm.xlane v10, v2  }
0x3a: {  	s30 =	simm.s32 $0x0;
	s31 =	simm.s32 $0x180;
	s26 =	simm.s32 $0x20;
	v13 =	vperm.xlane v6, v0;
	v9 =	vperm.xlane v10, v1  }
0x3b: {  	s25 =	simm.s32 $0xC0;
	s24 =	simm.s32 $0x30;
	s22 =	simm.s32 $0x3280;
	v12 =	vperm.xlane v7, v0;
	v10 =	vperm.xlane v10, v3  }
.LBB2_2:
0x3c: {  	s30 =	sadd.s32 $0x4, s30;
	v11 =	vsel vm0, v13, v11;
	v13 =	vperm.xlane v7, v1;
	v14 =	vperm.xlane v6, v3;
	s28 =	sadd.s32 $0x40, s28;
	s29 =	sadd.s32 $0x100, s29  }
0x3d: {  	v15 =	vperm.xlane v8, v0;
	s3 =	sadd.s32 $0xFFFFFFF0, s28;
	s0 =	sadd.s32 $0xFFFFB5C0, s29;
	p0 =	slt.u32 s30, $0x10;
	v11 =	vsel vm1, v11, v12;
	v12 =	vperm.xlane v7, v2  }
0x3e: {  	v16 =	vperm.xlane v8, v1;
	v7 =	vperm.xlane v7, v3  }
0x3f: {  	v17 =	vperm.xlane v6, v1;
	v18 =	vperm.xlane v8, v3;
	v10 =	vsel vm0, v14, v10  }
0x40: {  	v8 =	vperm.xlane v8, v2;
	v6 =	vperm.xlane v6, v2;
	v7 =	vsel vm1, v10, v7  }
0x41: {  	v9 =	vsel vm0, v17, v9;
	v7 =	vsel vm2, v18, v7  }
0x42: {  	v5 =	vsel vm0, v6, v5;
	v10 =	vsel vm2, v15, v11;
	v9 =	vsel vm1, v9, v13  }
0x43: {  	v5 =	vsel vm1, v5, v12;
	v6 =	vsel vm2, v16, v9;
	[tilespmem:s23+$0x660] =	vst v10  }
0x44: {  	s12 =	sand.u32 $0x1E0, s26;
	s26 =	smov.u32 s3;
	v5 =	vsel vm2, v8, v5;
	[tilespmem:s23+$0xCA0] =	vst v6  }
0x45: {  	[tilespmem:s12+$0x2580] =	vst v5  }
0x46: {  	s3 =	sor.u32 $0x60, s25;
	[tilespmem:s23+$0x1920] =	vst v7  }
0x47: {  	v5 =	vld [tilespmem:s3+$0x0];
	s3 =	sor.u32 $0x70, s25  }
0x48: {  	s12 =	sor.u32 $0x50, s25;
	s25 =	smov.u32 s0;
	v6 =	vld [tilespmem:s3+$0x0]  }
0x49: {  	v7 =	vld [tilespmem:s12+$0x0]  }
0x4a: {  	v8 =	vld [tilespmem:s21+$0x40];
	s21 =	smov.u32 s31;
	_ =	sdelay $0x1  }
0x4b: {  	v9 =	vperm.xlane v5, v0;
	v10 =	vperm.xlane v5, v1  }
0x4c: {  	v12 =	vperm.xlane v5, v3;
	v11 =	vperm.xlane v6, v0  }
0x4d: {  	v14 =	vperm.xlane v6, v3;
	v13 =	vperm.xlane v7, v1  }
0x4e: {  	v15 =	vperm.xlane v7, v0;
	v9 =	vsel vm0, v11, v9;
	v11 =	vperm.xlane v6, v1  }
0x4f: {  	v5 =	vperm.xlane v5, v2;
	v16 =	vperm.xlane v7, v3  }
0x50: {  	v17 =	vperm.xlane v8, v0;
	v9 =	vsel vm1, v9, v15;
	v15 =	vperm.xlane v8, v1  }
0x51: {  	v7 =	vperm.xlane v7, v2;
	v6 =	vperm.xlane v6, v2;
	v10 =	vsel vm0, v11, v10  }
0x52: {  	v9 =	vsel vm2, v17, v9;
	v11 =	vperm.xlane v8, v2;
	v10 =	vsel vm1, v10, v13  }
0x53: {  	v5 =	vsel vm0, v6, v5;
	v6 =	vperm.xlane v8, v3;
	v8 =	vsel vm0, v14, v12;
	[tilespmem:s23+$0x670] =	vst v9  }
0x54: {  	v5 =	vsel vm1, v5, v7;
	v7 =	vsel vm1, v8, v16;
	v9 =	vsel vm2, v15, v10  }
0x55: {  	s0 =	sand.u32 $0x1F0, s24;
	s24 =	smov.u32 s28;
	v5 =	vsel vm2, v11, v5;
	v6 =	vsel vm2, v6, v7;
	[tilespmem:s23+$0xCB0] =	vst v9  }
0x56: {  	[tilespmem:s0+$0x2580] =	vst v5  }
0x57: {  	[tilespmem:s23+$0x1930] =	vst v6;
	_ =	sdelay $0x3  }
0x58: {  	v5 =	vld [tilespmem:s31+$0xFFFFFF80]  }
0x59: {  	v6 =	vld [tilespmem:s31+$0xFFFFFFB0]  }
0x5a: {  	v7 =	vld [tilespmem:s31+$0xFFFFFFA0];
	_ =	sdelay $0x1  }
0x5b: {  	v8 =	vld [tilespmem:s31+$0xFFFFFF90]  }
0x5c: {  	v9 =	vperm.xlane v5, v2  }
0x5d: {  	v10 =	vperm.xlane v5, v1;
	v11 =	vperm.xlane v6, v3  }
0x5e: {  	v12 =	vperm.xlane v6, v1;
	v13 =	vperm.xlane v7, v2  }
0x5f: {  	v14 =	vperm.xlane v6, v0;
	v15 =	vperm.xlane v7, v3  }
0x60: {  	v16 =	vperm.xlane v7, v1;
	v17 =	vperm.xlane v8, v3  }
0x61: {  	v7 =	vperm.xlane v7, v0;
	v18 =	vperm.xlane v8, v0;
	v11 =	vsel vm0, v11, v15  }
0x62: {  	v6 =	vperm.xlane v6, v2;
	v15 =	vperm.xlane v8, v1;
	v12 =	vsel vm0, v12, v16  }
0x63: {  	v16 =	vperm.xlane v5, v0;
	v7 =	vsel vm0, v14, v7;
	v8 =	vperm.xlane v8, v2  }
0x64: {  	v6 =	vsel vm0, v6, v13;
	v7 =	vsel vm1, v7, v18;
	v12 =	vsel vm1, v12, v15  }
0x65: {  	s23 =	sshra.s32 s29, $0x2;
	v6 =	vsel vm1, v6, v8;
	v7 =	vsel vm2, v16, v7;
	v10 =	vsel vm2, v10, v12  }
0x66: {  	s0 =	sadd.s32 $0xFFFFFFD0, s28;
	v5 =	vperm.xlane v5, v3;
	v6 =	vsel vm2, v9, v6;
	[tilespmem:s23+$0x640] =	vst v7;
	v7 =	vsel vm1, v11, v17  }
0x67: {  	s0 =	sand.u32 $0x1C0, s0;
	[tilespmem:s23+$0xC80] =	vst v10  }
0x68: {  	v5 =	vsel vm2, v5, v7;
	[tilespmem:s0+$0x2580] =	vst v6;
	s0 =	sadd.s32 $0xFFFFB540, s29  }
0x69: {  	[tilespmem:s23+$0x1900] =	vst v5;
	s3 =	sor.u32 $0x60, s0  }
0x6a: {  	s12 =	sor.u32 $0x50, s0;
	v5 =	vld [tilespmem:s3+$0x0]  }
0x6b: {  	s0 =	sor.u32 $0x70, s0;
	v6 =	vld [tilespmem:s12+$0x0]  }
0x6c: {  	v7 =	vld [tilespmem:s0+$0x0]  }
0x6d: {  	v8 =	vld [tilespmem:s31+$0xFFFFFFC0];
	_ =	sdelay $0x1  }
0x6e: {  	v9 =	vperm.xlane v5, v2;
	v10 =	vperm.xlane v5, v3  }
0x6f: {  	v11 =	vperm.xlane v5, v0;
	v5 =	vperm.xlane v5, v1  }
0x70: {  	v12 =	vperm.xlane v7, v0;
	v13 =	vperm.xlane v7, v1  }
0x71: {  	v14 =	vperm.xlane v6, v0;
	v15 =	vperm.xlane v6, v1  }
0x72: {  	v16 =	vperm.xlane v8, v0;
	v11 =	vsel vm0, v12, v11;
	v5 =	vsel vm0, v13, v5  }
0x73: {  	v12 =	vperm.xlane v7, v2;
	v11 =	vsel vm1, v11, v14;
	v5 =	vsel vm1, v5, v15  }
0x74: {  	v13 =	vperm.xlane v6, v2;
	v7 =	vperm.xlane v7, v3;
	v11 =	vsel vm2, v16, v11  }
0x75: {  	v6 =	vperm.xlane v6, v3;
	v9 =	vsel vm0, v12, v9;
	[tilespmem:s23+$0x650] =	vst v11;
	v11 =	vperm.xlane v8, v1  }
0x76: {  	v12 =	vperm.xlane v8, v2;
	v7 =	vsel vm0, v7, v10;
	v9 =	vsel vm1, v9, v13  }
0x77: {  	s0 =	sadd.s32 $0xFFFFFFE0, s28;
	v8 =	vperm.xlane v8, v3;
	v6 =	vsel vm1, v7, v6;
	v5 =	vsel vm2, v11, v5  }
0x78: {  	s0 =	sand.u32 $0x1D0, s0;
	[tilespmem:s23+$0xC90] =	vst v5;
	v5 =	vsel vm2, v12, v9  }
0x79: {  	[tilespmem:s0+$0x2580] =	vst v5;
	v5 =	vsel vm2, v8, v6  }
0x7a: {  	[tilespmem:s23+$0x1910] =	vst v5  }
0x7b: {  	v10 =	vld [tilespmem:s31+$0x20]  }
0x7c: {  	v6 =	vld [tilespmem:s31+$0x30]  }
0x7d: {  	v7 =	vld [tilespmem:s31+$0x10]  }
.Ltmp0:
0x7e: {  	v8 =	vld [tilespmem:s31+$0x0];
	(pc) =	sbr.rel @p0 .LBB2_2-.Ltmp0, $4  }
0x7f: {  	_ = 	snop  }
0x80: {  	v11 =	vperm.xlane v10, v0;
	v5 =	vperm.xlane v10, v2  }
0x81: {  	v9 =	vperm.xlane v10, v1;
	v13 =	vperm.xlane v6, v0  }
0x82: {  	s31 =	sadd.s32 $0x100, s31;
	v10 =	vperm.xlane v10, v3;
	v12 =	vperm.xlane v7, v0  }
0x83: {  	v14 =	vperm.xlane v7, v1  }
0x84: {  	v15 =	vperm.xlane v6, v3;
	v16 =	vperm.xlane v8, v0  }
0x85: {  	v17 =	vperm.xlane v7, v2;
	v46 =	vperm.xlane v8, v1  }
0x86: {  	v18 =	vperm.xlane v6, v1;
	v7 =	vperm.xlane v7, v3  }
0x87: {  	v11 =	vsel vm0, v13, v11;
	v6 =	vperm.xlane v6, v2;
	v47 =	vperm.xlane v8, v3  }
0x88: {  	v48 =	vperm.xlane v8, v2;
	v11 =	vsel vm1, v11, v12;
	v9 =	vsel vm0, v18, v9  }
0x89: {  	v11 =	vsel vm2, v16, v11;
	v5 =	vsel vm0, v6, v5;
	v9 =	vsel vm1, v9, v14  }
0x8a: {  	v6 =	vsel vm0, v15, v10;
	[tilespmem:s23+$0x660] =	vst v11;
	v5 =	vsel vm1, v5, v17;
	v9 =	vsel vm2, v46, v9  }
0x8b: {  	s0 =	sand.u32 $0x1E0, s26;
	v6 =	vsel vm1, v6, v7;
	v5 =	vsel vm2, v48, v5;
	[tilespmem:s23+$0xCA0] =	vst v9  }
0x8c: {  	v6 =	vsel vm2, v47, v6;
	[tilespmem:s0+$0x2580] =	vst v5  }
0x8d: {  	s29 =	sor.u32 $0x60, s25;
	[tilespmem:s23+$0x1920] =	vst v6  }
0x8e: {  	s30 =	sor.u32 $0x70, s25;
	v5 =	vld [tilespmem:s29+$0x0]  }
0x8f: {  	s3 =	sor.u32 $0x50, s25;
	v6 =	vld [tilespmem:s30+$0x0]  }
0x90: {  	v7 =	vld [tilespmem:s3+$0x0];
	_ =	sdelay $0x2  }
0x91: {  	v49 =	vld [tilespmem:s21+$0x40];
	v50 =	vperm.xlane v5, v0  }
0x92: {  	v51 =	vperm.xlane v5, v1;
	v52 =	vperm.xlane v6, v0  }
0x93: {  	v53 =	vperm.xlane v5, v3;
	v54 =	vperm.xlane v7, v1  }
0x94: {  	v55 =	vperm.xlane v6, v3;
	v56 =	vperm.xlane v7, v0  }
0x95: {  	v57 =	vperm.xlane v6, v1;
	v5 =	vperm.xlane v5, v2  }
0x96: {  	v58 =	vperm.xlane v7, v3;
	v59 =	vperm.xlane v49, v0  }
0x97: {  	v60 =	vperm.xlane v49, v1;
	v6 =	vperm.xlane v6, v2  }
0x98: {  	v7 =	vperm.xlane v7, v2;
	v61 =	vperm.xlane v49, v2;
	v9 =	vsel vm0, v52, v50  }
0x99: {  	v10 =	vsel vm0, v57, v51;
	v5 =	vsel vm0, v6, v5;
	v9 =	vsel vm1, v9, v56  }
0x9a: {  	v6 =	vperm.xlane v49, v3;
	v10 =	vsel vm1, v10, v54;
	v9 =	vsel vm2, v59, v9  }
0x9b: {  	v62 =	vsel vm0, v55, v53;
	v5 =	vsel vm1, v5, v7;
	v63 =	vsel vm2, v60, v10;
	[tilespmem:s23+$0x670] =	vst v9  }
0x9c: {  	s31 =	sand.u32 $0x1F0, s24;
	v7 =	vsel vm1, v62, v58;
	v5 =	vsel vm2, v61, v5;
	[tilespmem:s23+$0xCB0] =	vst v63  }
0x9d: {  	v6 =	vsel vm2, v6, v7;
	[tilespmem:s31+$0x2580] =	vst v5  }
0x9e: {  	[tilespmem:s23+$0x1930] =	vst v6  }
0x9f: {  	[tilespmem:s22+$0xFFFFFF80] =	vst v4  }
0xa0: {  	[tilespmem:s22+$0x70] =	vst v4  }
0xa1: {  	[tilespmem:s22+$0x60] =	vst v4  }
0xa2: {  	[tilespmem:s22+$0x50] =	vst v4  }
0xa3: {  	[tilespmem:s22+$0x40] =	vst v4  }
0xa4: {  	[tilespmem:s22+$0x30] =	vst v4  }
0xa5: {  	[tilespmem:s22+$0x20] =	vst v4  }
0xa6: {  	[tilespmem:s22+$0x10] =	vst v4  }
0xa7: {  	[tilespmem:s22+$0x0] =	vst v4  }
0xa8: {  	[tilespmem:s22+$0xFFFFFFF0] =	vst v4  }
0xa9: {  	[tilespmem:s22+$0xFFFFFFE0] =	vst v4  }
0xaa: {  	[tilespmem:s22+$0xFFFFFFD0] =	vst v4  }
0xab: {  	[tilespmem:s22+$0xFFFFFFC0] =	vst v4  }
0xac: {  	[tilespmem:s22+$0xFFFFFFB0] =	vst v4  }
0xad: {  	s21 =	simm.s32 $0x0;
	[tilespmem:s22+$0xFFFFFFA0] =	vst v4  }
.LBB2_4:
0xae: {  	s21 =	sadd.s32 $0x2, s21;
	[tilespmem:s22+$0xFFFFFF90] =	vst v4;
	s22 =	sadd.s32 $0x100, s22  }
0xaf: {  	[tilespmem:s22+$0xFFFFFF80] =	vst v4;
	p0 =	slt.u32 s21, $0x13E  }
0xb0: {  	[tilespmem:s22+$0x70] =	vst v4  }
0xb1: {  	[tilespmem:s22+$0x60] =	vst v4  }
0xb2: {  	[tilespmem:s22+$0x50] =	vst v4  }
0xb3: {  	[tilespmem:s22+$0x40] =	vst v4  }
0xb4: {  	[tilespmem:s22+$0x30] =	vst v4  }
0xb5: {  	[tilespmem:s22+$0x20] =	vst v4  }
0xb6: {  	[tilespmem:s22+$0x10] =	vst v4  }
0xb7: {  	[tilespmem:s22+$0x0] =	vst v4  }
0xb8: {  	[tilespmem:s22+$0xFFFFFFF0] =	vst v4  }
.Ltmp1:
0xb9: {  	[tilespmem:s22+$0xFFFFFFE0] =	vst v4;
	(pc) =	sbr.rel @p0 .LBB2_4-.Ltmp1, $4  }
0xba: {  	[tilespmem:s22+$0xFFFFFFD0] =	vst v4  }
0xbb: {  	[tilespmem:s22+$0xFFFFFFC0] =	vst v4  }
0xbc: {  	[tilespmem:s22+$0xFFFFFFB0] =	vst v4  }
0xbd: {  	[tilespmem:s22+$0xFFFFFFA0] =	vst v4  }
0xbe: {  	[tilespmem:s22+$0xFFFFFF90] =	vst v4;
	s0 =	simm.s32 $0x1900  }
0xbf: {  	[tilespmem:s13], [sflag:$0x1] =	stream.indirect.gather.add.f32 [hbm:s1], $0x80, s0, s11, $0xb8;
	[tilespmem:$0x17200] =	vst v63  }
0xc0: {  	_ = 	snop  }
0xc1: {  	[tilespmem:s13], [sflag:$0x1] =	stream.indirect.gather.add.f32 [hbm:s1], $0x80, s14, s11, $0xb8;
	[tilespmem:$0x17200] =	vst v63  }
0xc2: {  	_ = 	snop  }
0xc3: {  	[tilespmem:s13], [sflag:$0x1] =	stream.indirect.gather.add.f32 [hbm:s2], $0x80, s15, s11, $0xb8;
	[tilespmem:$0x17200] =	vst v63  }
0xc4: {  	s21 =	simm.s32 $0x5C0  }
0xc5: {  	[tilespmem:s13], [sflag:$0x1] =	stream.indirect.gather.add.f32 [hbm:s2], $0x80, s16, s11, $0xb8;
	[tilespmem:$0x17200] =	vst v63  }
0xc6: {  	v5 =	vld [tilespmem:s21+$0xFFFFFF40]  }
0xc7: {  	v6 =	vld [tilespmem:s21+$0xFFFFFF70]  }
0xc8: {  	v7 =	vld [tilespmem:s21+$0xFFFFFF60];
	_ =	sdelay $0x1  }
0xc9: {  	v8 =	vld [tilespmem:s21+$0xFFFFFF50]  }
0xca: {  	v9 =	vperm.xlane v5, v2;
	v10 =	vperm.xlane v5, v1  }
0xcb: {  	v11 =	vperm.xlane v6, v3;
	v12 =	vperm.xlane v6, v1  }
0xcc: {  	v13 =	vperm.xlane v7, v2;
	v14 =	vperm.xlane v6, v0  }
0xcd: {  	v15 =	vperm.xlane v7, v3;
	v16 =	vperm.xlane v7, v1  }
0xce: {  	v17 =	vperm.xlane v8, v3;
	v7 =	vperm.xlane v7, v0  }
0xcf: {  	v18 =	vperm.xlane v8, v0;
	v6 =	vperm.xlane v6, v2;
	v11 =	vsel vm0, v11, v15  }
0xd0: {  	v15 =	vperm.xlane v8, v1;
	v7 =	vsel vm0, v14, v7;
	v14 =	vperm.xlane v5, v0  }
0xd1: {  	v12 =	vsel vm0, v12, v16;
	v8 =	vperm.xlane v8, v2;
	v7 =	vsel vm1, v7, v18  }
0xd2: {  	s23 =	simm.s32 $0x1400;
	v6 =	vsel vm0, v6, v13;
	v12 =	vsel vm1, v12, v15;
	v7 =	vsel vm2, v14, v7  }
0xd3: {  	s22 =	simm.s32 $0x140;
	v5 =	vperm.xlane v5, v3;
	v6 =	vsel vm1, v6, v8;
	v10 =	vsel vm2, v10, v12;
	[tilespmem:s23+$0x640] =	vst v7  }
0xd4: {  	s0 =	sand.u32 $0x7C0, s22;
	v6 =	vsel vm2, v9, v6;
	v7 =	vsel vm1, v11, v17;
	[tilespmem:s23+$0xC80] =	vst v10  }
0xd5: {  	s24 =	simm.s32 $0x540;
	v5 =	vsel vm2, v5, v7;
	[tilespmem:s0+$0x2580] =	vst v6  }
0xd6: {  	s3 =	sor.u32 $0x60, s24;
	[tilespmem:s23+$0x1900] =	vst v5  }
0xd7: {  	v5 =	vld [tilespmem:s3+$0x0]  }
0xd8: {  	s25 =	sor.u32 $0x70, s24  }
0xd9: {  	s0 =	sor.u32 $0x50, s24;
	v6 =	vld [tilespmem:s25+$0x0]  }
0xda: {  	v7 =	vld [tilespmem:s0+$0x0]  }
0xdb: {  	v8 =	vld [tilespmem:s21+$0xFFFFFF80]  }
0xdc: {  	v9 =	vperm.xlane v5, v2  }
0xdd: {  	v10 =	vperm.xlane v5, v3;
	v11 =	vperm.xlane v5, v0  }
0xde: {  	v5 =	vperm.xlane v5, v1;
	v12 =	vperm.xlane v6, v0  }
0xdf: {  	v13 =	vperm.xlane v6, v1;
	v14 =	vperm.xlane v7, v0  }
0xe0: {  	v15 =	vperm.xlane v7, v1;
	v63 =	vperm.xlane v8, v0;
	v11 =	vsel vm0, v12, v11  }
0xe1: {  	v5 =	vsel vm0, v13, v5;
	v12 =	vperm.xlane v6, v2;
	v13 =	vperm.xlane v7, v2  }
0xe2: {  	v6 =	vperm.xlane v6, v3;
	v7 =	vperm.xlane v7, v3;
	v11 =	vsel vm1, v11, v14  }
0xe3: {  	v5 =	vsel vm1, v5, v15;
	v14 =	vperm.xlane v8, v1;
	v11 =	vsel vm2, v63, v11  }
0xe4: {  	v9 =	vsel vm0, v12, v9;
	v12 =	vperm.xlane v8, v2;
	v6 =	vsel vm0, v6, v10  }
0xe5: {  	s26 =	simm.s32 $0x150;
	v8 =	vperm.xlane v8, v3;
	v9 =	vsel vm1, v9, v13;
	[tilespmem:s23+$0x650] =	vst v11;
	v5 =	vsel vm2, v14, v5  }
0xe6: {  	s0 =	sand.u32 $0x7D0, s26;
	v6 =	vsel vm1, v6, v7;
	[tilespmem:s23+$0xC90] =	vst v5;
	v5 =	vsel vm2, v12, v9  }
0xe7: {  	[tilespmem:s0+$0x2580] =	vst v5;
	v5 =	vsel vm2, v8, v6  }
0xe8: {  	[tilespmem:s23+$0x1910] =	vst v5  }
0xe9: {  	v10 =	vld [tilespmem:s21+$0xFFFFFFE0]  }
0xea: {  	v6 =	vld [tilespmem:s21+$0xFFFFFFF0]  }
0xeb: {  	v7 =	vld [tilespmem:s21+$0xFFFFFFD0];
	_ =	sdelay $0x1  }
0xec: {  	v8 =	vld [tilespmem:s21+$0xFFFFFFC0]  }
0xed: {  	s28 =	simm.s32 $0x170;
	s29 =	simm.s32 $0x5000;
	v11 =	vperm.xlane v10, v0;
	v5 =	vperm.xlane v10, v2  }
0xee: {  	s30 =	simm.s32 $0x14;
	s31 =	simm.s32 $0x6C0;
	s22 =	simm.s32 $0xD280;
	v13 =	vperm.xlane v6, v0;
	v9 =	vperm.xlane v10, v1  }
0xef: {  	s24 =	simm.s32 $0x170;
	s26 =	simm.s32 $0x160;
	s25 =	simm.s32 $0x5C0;
	v12 =	vperm.xlane v7, v0;
	v10 =	vperm.xlane v10, v3  }
.LBB2_6:
0xf0: {  	s30 =	sadd.s32 $0x4, s30;
	v11 =	vsel vm0, v13, v11;
	v13 =	vperm.xlane v7, v1;
	v14 =	vperm.xlane v6, v3;
	s28 =	sadd.s32 $0x40, s28;
	s29 =	sadd.s32 $0x100, s29  }
0xf1: {  	v15 =	vperm.xlane v8, v0;
	s0 =	sadd.s32 $0xFFFFFFF0, s28;
	s3 =	sadd.s32 $0xFFFFB5C0, s29;
	p0 =	slt.u32 s30, $0x60;
	v11 =	vsel vm1, v11, v12;
	v12 =	vperm.xlane v7, v2  }
0xf2: {  	v16 =	vperm.xlane v8, v1;
	v7 =	vperm.xlane v7, v3  }
0xf3: {  	v17 =	vperm.xlane v6, v1;
	v18 =	vperm.xlane v8, v3;
	v10 =	vsel vm0, v14, v10  }
0xf4: {  	v8 =	vperm.xlane v8, v2;
	v6 =	vperm.xlane v6, v2;
	v7 =	vsel vm1, v10, v7  }
0xf5: {  	v9 =	vsel vm0, v17, v9;
	v7 =	vsel vm2, v18, v7  }
0xf6: {  	v5 =	vsel vm0, v6, v5;
	v10 =	vsel vm2, v15, v11;
	v9 =	vsel vm1, v9, v13  }
0xf7: {  	v5 =	vsel vm1, v5, v12;
	v6 =	vsel vm2, v16, v9;
	[tilespmem:s23+$0x660] =	vst v10  }
0xf8: {  	s12 =	sand.u32 $0x7E0, s26;
	s26 =	smov.u32 s0;
	v5 =	vsel vm2, v8, v5;
	[tilespmem:s23+$0xCA0] =	vst v6  }
0xf9: {  	[tilespmem:s12+$0x2580] =	vst v5  }
0xfa: {  	s0 =	sor.u32 $0x60, s25;
	[tilespmem:s23+$0x1920] =	vst v7  }
0xfb: {  	v5 =	vld [tilespmem:s0+$0x0];
	s0 =	sor.u32 $0x70, s25  }
0xfc: {  	s12 =	sor.u32 $0x50, s25;
	s25 =	smov.u32 s3;
	v6 =	vld [tilespmem:s0+$0x0]  }
0xfd: {  	v7 =	vld [tilespmem:s12+$0x0]  }
0xfe: {  	v8 =	vld [tilespmem:s21+$0x0];
	s21 =	smov.u32 s31;
	_ =	sdelay $0x1  }
0xff: {  	v9 =	vperm.xlane v5, v0;
	v10 =	vperm.xlane v5, v1  }
0x100: {  	v12 =	vperm.xlane v5, v3;
	v11 =	vperm.xlane v6, v0  }
0x101: {  	v14 =	vperm.xlane v6, v3;
	v13 =	vperm.xlane v7, v1  }
0x102: {  	v15 =	vperm.xlane v7, v0;
	v9 =	vsel vm0, v11, v9;
	v11 =	vperm.xlane v6, v1  }
0x103: {  	v5 =	vperm.xlane v5, v2;
	v16 =	vperm.xlane v7, v3  }
0x104: {  	v17 =	vperm.xlane v8, v0;
	v9 =	vsel vm1, v9, v15;
	v15 =	vperm.xlane v8, v1  }
0x105: {  	v7 =	vperm.xlane v7, v2;
	v6 =	vperm.xlane v6, v2;
	v10 =	vsel vm0, v11, v10  }
0x106: {  	v9 =	vsel vm2, v17, v9;
	v11 =	vperm.xlane v8, v2;
	v10 =	vsel vm1, v10, v13  }
0x107: {  	v5 =	vsel vm0, v6, v5;
	v6 =	vperm.xlane v8, v3;
	v8 =	vsel vm0, v14, v12;
	[tilespmem:s23+$0x670] =	vst v9  }
0x108: {  	v5 =	vsel vm1, v5, v7;
	v7 =	vsel vm1, v8, v16;
	v9 =	vsel vm2, v15, v10  }
0x109: {  	s0 =	sand.u32 $0x7F0, s24;
	s24 =	smov.u32 s28;
	v5 =	vsel vm2, v11, v5;
	v6 =	vsel vm2, v6, v7;
	[tilespmem:s23+$0xCB0] =	vst v9  }
0x10a: {  	[tilespmem:s0+$0x2580] =	vst v5  }
0x10b: {  	[tilespmem:s23+$0x1930] =	vst v6;
	_ =	sdelay $0x3  }
0x10c: {  	v5 =	vld [tilespmem:s31+$0xFFFFFF40]  }
0x10d: {  	v6 =	vld [tilespmem:s31+$0xFFFFFF70]  }
0x10e: {  	v7 =	vld [tilespmem:s31+$0xFFFFFF60];
	_ =	sdelay $0x1  }
0x10f: {  	v8 =	vld [tilespmem:s31+$0xFFFFFF50]  }
0x110: {  	v9 =	vperm.xlane v5, v2  }
0x111: {  	v10 =	vperm.xlane v5, v1;
	v11 =	vperm.xlane v6, v3  }
0x112: {  	v12 =	vperm.xlane v6, v1;
	v13 =	vperm.xlane v7, v2  }
0x113: {  	v14 =	vperm.xlane v6, v0;
	v15 =	vperm.xlane v7, v3  }
0x114: {  	v16 =	vperm.xlane v7, v1;
	v17 =	vperm.xlane v8, v3  }
0x115: {  	v7 =	vperm.xlane v7, v0;
	v18 =	vperm.xlane v8, v0;
	v11 =	vsel vm0, v11, v15  }
0x116: {  	v6 =	vperm.xlane v6, v2;
	v15 =	vperm.xlane v8, v1;
	v12 =	vsel vm0, v12, v16  }
0x117: {  	v16 =	vperm.xlane v5, v0;
	v7 =	vsel vm0, v14, v7;
	v8 =	vperm.xlane v8, v2  }
0x118: {  	v6 =	vsel vm0, v6, v13;
	v7 =	vsel vm1, v7, v18;
	v12 =	vsel vm1, v12, v15  }
0x119: {  	s23 =	sshra.s32 s29, $0x2;
	v6 =	vsel vm1, v6, v8;
	v7 =	vsel vm2, v16, v7;
	v10 =	vsel vm2, v10, v12  }
0x11a: {  	s0 =	sadd.s32 $0xFFFFFFD0, s28;
	v5 =	vperm.xlane v5, v3;
	v6 =	vsel vm2, v9, v6;
	[tilespmem:s23+$0x640] =	vst v7;
	v7 =	vsel vm1, v11, v17  }
0x11b: {  	s0 =	sand.u32 $0x7C0, s0;
	[tilespmem:s23+$0xC80] =	vst v10  }
0x11c: {  	v5 =	vsel vm2, v5, v7;
	[tilespmem:s0+$0x2580] =	vst v6;
	s0 =	sadd.s32 $0xFFFFB540, s29  }
0x11d: {  	[tilespmem:s23+$0x1900] =	vst v5;
	s3 =	sor.u32 $0x60, s0  }
0x11e: {  	s12 =	sor.u32 $0x50, s0;
	v5 =	vld [tilespmem:s3+$0x0]  }
0x11f: {  	s0 =	sor.u32 $0x70, s0;
	v6 =	vld [tilespmem:s12+$0x0]  }
0x120: {  	v7 =	vld [tilespmem:s0+$0x0]  }
0x121: {  	v8 =	vld [tilespmem:s31+$0xFFFFFF80];
	_ =	sdelay $0x1  }
0x122: {  	v9 =	vperm.xlane v5, v2;
	v10 =	vperm.xlane v5, v3  }
0x123: {  	v11 =	vperm.xlane v5, v0;
	v5 =	vperm.xlane v5, v1  }
0x124: {  	v12 =	vperm.xlane v7, v0;
	v13 =	vperm.xlane v7, v1  }
0x125: {  	v14 =	vperm.xlane v6, v0;
	v15 =	vperm.xlane v6, v1  }
0x126: {  	v16 =	vperm.xlane v8, v0;
	v11 =	vsel vm0, v12, v11;
	v5 =	vsel vm0, v13, v5  }
0x127: {  	v12 =	vperm.xlane v7, v2;
	v11 =	vsel vm1, v11, v14;
	v5 =	vsel vm1, v5, v15  }
0x128: {  	v13 =	vperm.xlane v6, v2;
	v7 =	vperm.xlane v7, v3;
	v11 =	vsel vm2, v16, v11  }
0x129: {  	v6 =	vperm.xlane v6, v3;
	v9 =	vsel vm0, v12, v9;
	[tilespmem:s23+$0x650] =	vst v11;
	v11 =	vperm.xlane v8, v1  }
0x12a: {  	v12 =	vperm.xlane v8, v2;
	v7 =	vsel vm0, v7, v10;
	v9 =	vsel vm1, v9, v13  }
0x12b: {  	s0 =	sadd.s32 $0xFFFFFFE0, s28;
	v8 =	vperm.xlane v8, v3;
	v6 =	vsel vm1, v7, v6;
	v5 =	vsel vm2, v11, v5  }
0x12c: {  	s0 =	sand.u32 $0x7D0, s0;
	[tilespmem:s23+$0xC90] =	vst v5;
	v5 =	vsel vm2, v12, v9  }
0x12d: {  	[tilespmem:s0+$0x2580] =	vst v5;
	v5 =	vsel vm2, v8, v6  }
0x12e: {  	[tilespmem:s23+$0x1910] =	vst v5  }
0x12f: {  	v10 =	vld [tilespmem:s31+$0xFFFFFFE0]  }
0x130: {  	v6 =	vld [tilespmem:s31+$0xFFFFFFF0]  }
0x131: {  	v7 =	vld [tilespmem:s31+$0xFFFFFFD0]  }
.Ltmp2:
0x132: {  	v8 =	vld [tilespmem:s31+$0xFFFFFFC0];
	(pc) =	sbr.rel @p0 .LBB2_6-.Ltmp2, $4  }
0x133: {  	_ = 	snop  }
0x134: {  	v11 =	vperm.xlane v10, v0;
	v5 =	vperm.xlane v10, v2  }
0x135: {  	v9 =	vperm.xlane v10, v1;
	v13 =	vperm.xlane v6, v0  }
0x136: {  	s31 =	sadd.s32 $0x100, s31;
	v10 =	vperm.xlane v10, v3;
	v12 =	vperm.xlane v7, v0  }
0x137: {  	v14 =	vperm.xlane v7, v1  }
0x138: {  	v15 =	vperm.xlane v6, v3;
	v16 =	vperm.xlane v8, v0  }
0x139: {  	v17 =	vperm.xlane v7, v2;
	v46 =	vperm.xlane v8, v1  }
0x13a: {  	v18 =	vperm.xlane v6, v1;
	v7 =	vperm.xlane v7, v3  }
0x13b: {  	v11 =	vsel vm0, v13, v11;
	v6 =	vperm.xlane v6, v2;
	v47 =	vperm.xlane v8, v3  }
0x13c: {  	v48 =	vperm.xlane v8, v2;
	v11 =	vsel vm1, v11, v12;
	v9 =	vsel vm0, v18, v9  }
0x13d: {  	v11 =	vsel vm2, v16, v11;
	v5 =	vsel vm0, v6, v5;
	v9 =	vsel vm1, v9, v14  }
0x13e: {  	v6 =	vsel vm0, v15, v10;
	[tilespmem:s23+$0x660] =	vst v11;
	v5 =	vsel vm1, v5, v17;
	v9 =	vsel vm2, v46, v9  }
0x13f: {  	s0 =	sand.u32 $0x7E0, s26;
	v6 =	vsel vm1, v6, v7;
	v5 =	vsel vm2, v48, v5;
	[tilespmem:s23+$0xCA0] =	vst v9  }
0x140: {  	v6 =	vsel vm2, v47, v6;
	[tilespmem:s0+$0x2580] =	vst v5  }
0x141: {  	s29 =	sor.u32 $0x60, s25;
	[tilespmem:s23+$0x1920] =	vst v6  }
0x142: {  	s30 =	sor.u32 $0x70, s25;
	v5 =	vld [tilespmem:s29+$0x0]  }
0x143: {  	s3 =	sor.u32 $0x50, s25;
	v6 =	vld [tilespmem:s30+$0x0]  }
0x144: {  	v7 =	vld [tilespmem:s3+$0x0];
	_ =	sdelay $0x2  }
0x145: {  	v49 =	vld [tilespmem:s21+$0x0];
	v50 =	vperm.xlane v5, v0  }
0x146: {  	v51 =	vperm.xlane v5, v1;
	v52 =	vperm.xlane v6, v0  }
0x147: {  	v53 =	vperm.xlane v5, v3;
	v54 =	vperm.xlane v7, v1  }
0x148: {  	v55 =	vperm.xlane v6, v3;
	v56 =	vperm.xlane v7, v0  }
0x149: {  	v57 =	vperm.xlane v6, v1;
	v5 =	vperm.xlane v5, v2  }
0x14a: {  	v58 =	vperm.xlane v7, v3;
	v59 =	vperm.xlane v49, v0  }
0x14b: {  	v60 =	vperm.xlane v49, v1;
	v6 =	vperm.xlane v6, v2  }
0x14c: {  	v7 =	vperm.xlane v7, v2;
	v61 =	vperm.xlane v49, v2;
	v9 =	vsel vm0, v52, v50  }
0x14d: {  	v10 =	vsel vm0, v57, v51;
	v5 =	vsel vm0, v6, v5;
	v9 =	vsel vm1, v9, v56  }
0x14e: {  	v6 =	vperm.xlane v49, v3;
	v10 =	vsel vm1, v10, v54;
	v9 =	vsel vm2, v59, v9  }
0x14f: {  	v62 =	vsel vm0, v55, v53;
	v5 =	vsel vm1, v5, v7;
	v63 =	vsel vm2, v60, v10;
	[tilespmem:s23+$0x670] =	vst v9  }
0x150: {  	s31 =	sand.u32 $0x7F0, s24;
	v7 =	vsel vm1, v62, v58;
	v5 =	vsel vm2, v61, v5;
	[tilespmem:s23+$0xCB0] =	vst v63  }
0x151: {  	v6 =	vsel vm2, v6, v7;
	[tilespmem:s31+$0x2580] =	vst v5  }
0x152: {  	[tilespmem:s23+$0x1930] =	vst v6  }
0x153: {  	[tilespmem:s22+$0xFFFFFF80] =	vst v4  }
0x154: {  	[tilespmem:s22+$0x70] =	vst v4  }
0x155: {  	[tilespmem:s22+$0x60] =	vst v4  }
0x156: {  	[tilespmem:s22+$0x50] =	vst v4  }
0x157: {  	[tilespmem:s22+$0x40] =	vst v4  }
0x158: {  	[tilespmem:s22+$0x30] =	vst v4  }
0x159: {  	[tilespmem:s22+$0x20] =	vst v4  }
0x15a: {  	[tilespmem:s22+$0x10] =	vst v4  }
0x15b: {  	[tilespmem:s22+$0x0] =	vst v4  }
0x15c: {  	[tilespmem:s22+$0xFFFFFFF0] =	vst v4  }
0x15d: {  	[tilespmem:s22+$0xFFFFFFE0] =	vst v4  }
0x15e: {  	[tilespmem:s22+$0xFFFFFFD0] =	vst v4  }
0x15f: {  	[tilespmem:s22+$0xFFFFFFC0] =	vst v4  }
0x160: {  	[tilespmem:s22+$0xFFFFFFB0] =	vst v4  }
0x161: {  	p1 =	por $0x1, $0x1;
	s21 =	simm.s32 $0x0;
	[tilespmem:s22+$0xFFFFFFA0] =	vst v4  }
.LBB2_8:
0x162: {  	s21 =	sadd.s32 $0x2, s21;
	[tilespmem:s22+$0xFFFFFF90] =	vst v4;
	s22 =	sadd.s32 $0x100, s22  }
0x163: {  	[tilespmem:s22+$0xFFFFFF80] =	vst v4;
	p0 =	slt.u32 s21, $0x13E  }
0x164: {  	[tilespmem:s22+$0x70] =	vst v4  }
0x165: {  	[tilespmem:s22+$0x60] =	vst v4  }
0x166: {  	[tilespmem:s22+$0x50] =	vst v4  }
0x167: {  	[tilespmem:s22+$0x40] =	vst v4  }
0x168: {  	[tilespmem:s22+$0x30] =	vst v4  }
0x169: {  	[tilespmem:s22+$0x20] =	vst v4  }
0x16a: {  	[tilespmem:s22+$0x10] =	vst v4  }
0x16b: {  	[tilespmem:s22+$0x0] =	vst v4  }
0x16c: {  	[tilespmem:s22+$0xFFFFFFF0] =	vst v4  }
.Ltmp3:
0x16d: {  	[tilespmem:s22+$0xFFFFFFE0] =	vst v4;
	(pc) =	sbr.rel @p0 .LBB2_8-.Ltmp3, $4  }
0x16e: {  	[tilespmem:s22+$0xFFFFFFD0] =	vst v4  }
0x16f: {  	[tilespmem:s22+$0xFFFFFFC0] =	vst v4  }
0x170: {  	[tilespmem:s22+$0xFFFFFFB0] =	vst v4  }
0x171: {  	[tilespmem:s22+$0xFFFFFFA0] =	vst v4  }
0x172: {  	[tilespmem:s22+$0xFFFFFF90] =	vst v4;
	s21 =	simm.s32 $0x0  }
.LBB2_10:
0x173: {  	s0 =	sadd.s32 $0x1A40, s21  }
0x174: {  	[tilespmem:s17], [sflag:$0x2] =	stream.indirect.gather.add.f32 [hbm:s1], $0x80, s0, s11, $0xb8;
	[tilespmem:$0x17200] =	vst v63  }
0x175: {  	s28 =	sadd.s32 $0x2080, s21  }
0x176: {  	[tilespmem:s17], [sflag:$0x2] =	stream.indirect.gather.add.f32 [hbm:s1], $0x80, s28, s11, $0xb8;
	[tilespmem:$0x17200] =	vst v63  }
0x177: {  	s29 =	sadd.s32 $0x26C0, s21  }
0x178: {  	[tilespmem:s17], [sflag:$0x2] =	stream.indirect.gather.add.f32 [hbm:s2], $0x80, s29, s11, $0xb8;
	[tilespmem:$0x17200] =	vst v63  }
0x179: {  	s30 =	sadd.s32 $0x2D00, s21  }
0x17a: {  	[tilespmem:s17], [sflag:$0x2] =	stream.indirect.gather.add.f32 [hbm:s2], $0x80, s30, s11, $0xb8;
	[tilespmem:$0x17200] =	vst v63  }
0x17b: {  	_ =	swait.ge [sflag:s18], $0xA000  }
0x17c: {  	[sflag:s18] =	ssyncset.done $0x0  }
0x17d: {  	[sflag:s18] =	ssyncadd.s32 $0xFFFF6000  }
0x17e: {  	_ =	swait.ge [sflag:s18], $0xA000  }
0x17f: {  	[sflag:s18] =	ssyncset.done $0x0  }
0x180: {  	[sflag:s18] =	ssyncadd.s32 $0xFFFF6000  }
0x181: {  	_ =	swait.ge [sflag:s18], $0xA000  }
0x182: {  	[sflag:s18] =	ssyncset.done $0x0  }
0x183: {  	[sflag:s18] =	ssyncadd.s32 $0xFFFF6000  }
0x184: {  	s31 =	sadd.s32 s6, s21;
	_ =	swait.ge [sflag:s18], $0xA000  }
0x185: {  	s0 =	sshll.u32 s31, $0x4;
	[sflag:s18] =	ssyncset.done $0x0  }
0x186: {  	s0 =	sadd.s32 s4, s0;
	[sflag:s18] =	ssyncadd.s32 $0xFFFF6000  }
0x187: {  	[hbm4b:s0+s5] =	stream.linear.scatter [tilespmem:s13], [sflag:$0x3], $0xA000, $0x38;
	[tilespmem:$0x17200] =	vst v63  }
0x188: {  	_ =	swait.ge [sflag:s10], $0xA000  }
0x189: {  	[sflag:s10] =	ssyncset.done $0x0  }
0x18a: {  	s23 =	simm.s32 $0x3280;
	[sflag:s10] =	ssyncadd.s32 $0xFFFF6000  }
0x18b: {  	[tilespmem:s23+$0xFFFFFF80] =	vst v4  }
0x18c: {  	[tilespmem:s23+$0x70] =	vst v4  }
0x18d: {  	[tilespmem:s23+$0x60] =	vst v4  }
0x18e: {  	[tilespmem:s23+$0x50] =	vst v4  }
0x18f: {  	[tilespmem:s23+$0x40] =	vst v4  }
0x190: {  	[tilespmem:s23+$0x30] =	vst v4  }
0x191: {  	[tilespmem:s23+$0x20] =	vst v4  }
0x192: {  	[tilespmem:s23+$0x10] =	vst v4  }
0x193: {  	[tilespmem:s23+$0x0] =	vst v4  }
0x194: {  	[tilespmem:s23+$0xFFFFFFF0] =	vst v4  }
0x195: {  	[tilespmem:s23+$0xFFFFFFE0] =	vst v4  }
0x196: {  	[tilespmem:s23+$0xFFFFFFD0] =	vst v4  }
0x197: {  	[tilespmem:s23+$0xFFFFFFC0] =	vst v4  }
0x198: {  	[tilespmem:s23+$0xFFFFFFB0] =	vst v4  }
0x199: {  	p0 =	por p1, p1;
	s22 =	sor.u32 $0x140, s21;
	s24 =	simm.s32 $0x0;
	[tilespmem:s23+$0xFFFFFFA0] =	vst v4  }
.LBB2_11:
0x19a: {  	s24 =	sadd.s32 $0x2, s24;
	[tilespmem:s23+$0xFFFFFF90] =	vst v4;
	s23 =	sadd.s32 $0x100, s23  }
0x19b: {  	[tilespmem:s23+$0xFFFFFF80] =	vst v4;
	p1 =	slt.u32 s24, $0x13E  }
0x19c: {  	[tilespmem:s23+$0x70] =	vst v4  }
0x19d: {  	[tilespmem:s23+$0x60] =	vst v4  }
0x19e: {  	[tilespmem:s23+$0x50] =	vst v4  }
0x19f: {  	[tilespmem:s23+$0x40] =	vst v4  }
0x1a0: {  	[tilespmem:s23+$0x30] =	vst v4  }
0x1a1: {  	[tilespmem:s23+$0x20] =	vst v4  }
0x1a2: {  	[tilespmem:s23+$0x10] =	vst v4  }
0x1a3: {  	[tilespmem:s23+$0x0] =	vst v4  }
0x1a4: {  	[tilespmem:s23+$0xFFFFFFF0] =	vst v4  }
.Ltmp4:
0x1a5: {  	[tilespmem:s23+$0xFFFFFFE0] =	vst v4;
	(pc) =	sbr.rel @p1 .LBB2_11-.Ltmp4, $4  }
0x1a6: {  	[tilespmem:s23+$0xFFFFFFD0] =	vst v4  }
0x1a7: {  	[tilespmem:s23+$0xFFFFFFC0] =	vst v4  }
0x1a8: {  	[tilespmem:s23+$0xFFFFFFB0] =	vst v4  }
0x1a9: {  	[tilespmem:s23+$0xFFFFFFA0] =	vst v4  }
0x1aa: {  	[tilespmem:s23+$0xFFFFFF90] =	vst v4;
	s0 =	sadd.s32 $0x1B80, s21  }
0x1ab: {  	[tilespmem:s13], [sflag:$0x1] =	stream.indirect.gather.add.f32 [hbm:s1], $0x80, s0, s11, $0xb8;
	[tilespmem:$0x17200] =	vst v63  }
0x1ac: {  	s28 =	sadd.s32 $0x21C0, s21  }
0x1ad: {  	[tilespmem:s13], [sflag:$0x1] =	stream.indirect.gather.add.f32 [hbm:s1], $0x80, s28, s11, $0xb8;
	[tilespmem:$0x17200] =	vst v63  }
0x1ae: {  	s29 =	sadd.s32 $0x2800, s21  }
0x1af: {  	[tilespmem:s13], [sflag:$0x1] =	stream.indirect.gather.add.f32 [hbm:s2], $0x80, s29, s11, $0xb8;
	[tilespmem:$0x17200] =	vst v63  }
0x1b0: {  	s30 =	sadd.s32 $0x2E40, s21  }
0x1b1: {  	[tilespmem:s13], [sflag:$0x1] =	stream.indirect.gather.add.f32 [hbm:s2], $0x80, s30, s11, $0xb8;
	[tilespmem:$0x17200] =	vst v63  }
0x1b2: {  	_ =	swait.ge [sflag:s19], $0xA000  }
0x1b3: {  	[sflag:s19] =	ssyncset.done $0x0  }
0x1b4: {  	[sflag:s19] =	ssyncadd.s32 $0xFFFF6000  }
0x1b5: {  	_ =	swait.ge [sflag:s19], $0xA000  }
0x1b6: {  	[sflag:s19] =	ssyncset.done $0x0  }
0x1b7: {  	[sflag:s19] =	ssyncadd.s32 $0xFFFF6000  }
0x1b8: {  	_ =	swait.ge [sflag:s19], $0xA000  }
0x1b9: {  	[sflag:s19] =	ssyncset.done $0x0  }
0x1ba: {  	[sflag:s19] =	ssyncadd.s32 $0xFFFF6000  }
0x1bb: {  	s31 =	sadd.s32 s6, s22;
	_ =	swait.ge [sflag:s19], $0xA000  }
0x1bc: {  	s0 =	sshll.u32 s31, $0x4;
	[sflag:s19] =	ssyncset.done $0x0  }
0x1bd: {  	s0 =	sadd.s32 s4, s0;
	[sflag:s19] =	ssyncadd.s32 $0xFFFF6000  }
0x1be: {  	[hbm4b:s0+s5] =	stream.linear.scatter [tilespmem:s17], [sflag:$0x3], $0xA000, $0x38;
	[tilespmem:$0x17200] =	vst v63  }
0x1bf: {  	_ =	swait.ge [sflag:s10], $0xA000  }
0x1c0: {  	[sflag:s10] =	ssyncset.done $0x0  }
0x1c1: {  	s21 =	simm.s32 $0xD280;
	[sflag:s10] =	ssyncadd.s32 $0xFFFF6000  }
0x1c2: {  	[tilespmem:s21+$0xFFFFFF80] =	vst v4  }
0x1c3: {  	[tilespmem:s21+$0x70] =	vst v4  }
0x1c4: {  	[tilespmem:s21+$0x60] =	vst v4  }
0x1c5: {  	[tilespmem:s21+$0x50] =	vst v4  }
0x1c6: {  	[tilespmem:s21+$0x40] =	vst v4  }
0x1c7: {  	[tilespmem:s21+$0x30] =	vst v4  }
0x1c8: {  	[tilespmem:s21+$0x20] =	vst v4  }
0x1c9: {  	[tilespmem:s21+$0x10] =	vst v4  }
0x1ca: {  	[tilespmem:s21+$0x0] =	vst v4  }
0x1cb: {  	[tilespmem:s21+$0xFFFFFFF0] =	vst v4  }
0x1cc: {  	[tilespmem:s21+$0xFFFFFFE0] =	vst v4  }
0x1cd: {  	[tilespmem:s21+$0xFFFFFFD0] =	vst v4  }
0x1ce: {  	[tilespmem:s21+$0xFFFFFFC0] =	vst v4  }
0x1cf: {  	[tilespmem:s21+$0xFFFFFFB0] =	vst v4  }
0x1d0: {  	s22 =	simm.s32 $0x0;
	[tilespmem:s21+$0xFFFFFFA0] =	vst v4  }
.LBB2_13:
0x1d1: {  	s22 =	sadd.s32 $0x2, s22;
	[tilespmem:s21+$0xFFFFFF90] =	vst v4;
	s21 =	sadd.s32 $0x100, s21  }
0x1d2: {  	[tilespmem:s21+$0xFFFFFF80] =	vst v4;
	p1 =	slt.u32 s22, $0x13E  }
0x1d3: {  	[tilespmem:s21+$0x70] =	vst v4  }
0x1d4: {  	[tilespmem:s21+$0x60] =	vst v4  }
0x1d5: {  	[tilespmem:s21+$0x50] =	vst v4  }
0x1d6: {  	[tilespmem:s21+$0x40] =	vst v4  }
0x1d7: {  	[tilespmem:s21+$0x30] =	vst v4  }
0x1d8: {  	[tilespmem:s21+$0x20] =	vst v4  }
0x1d9: {  	[tilespmem:s21+$0x10] =	vst v4  }
0x1da: {  	[tilespmem:s21+$0x0] =	vst v4  }
0x1db: {  	[tilespmem:s21+$0xFFFFFFF0] =	vst v4  }
.Ltmp5:
0x1dc: {  	[tilespmem:s21+$0xFFFFFFE0] =	vst v4;
	(pc) =	sbr.rel @p1 .LBB2_13-.Ltmp5, $4  }
0x1dd: {  	[tilespmem:s21+$0xFFFFFFD0] =	vst v4  }
0x1de: {  	[tilespmem:s21+$0xFFFFFFC0] =	vst v4  }
0x1df: {  	[tilespmem:s21+$0xFFFFFFB0] =	vst v4  }
0x1e0: {  	[tilespmem:s21+$0xFFFFFFA0] =	vst v4  }
.Ltmp6:
0x1e1: {  	(pc) =	sbr.rel @p0 .LBB2_10-.Ltmp6, $2  }
0x1e2: {  	_ =	sdelay $0x2  }
0x1e3: {  	[tilespmem:s21+$0xFFFFFF90] =	vst v4;
	s21 =	simm.s32 $0x280;
	p1 =	por $0x0, $0x0  }
0x1e4: {  	_ =	swait.ge [sflag:s18], $0xA000  }
0x1e5: {  	[sflag:s18] =	ssyncset.done $0x0  }
0x1e6: {  	[sflag:s18] =	ssyncadd.s32 $0xFFFF6000  }
0x1e7: {  	_ =	swait.ge [sflag:s18], $0xA000  }
0x1e8: {  	[sflag:s18] =	ssyncset.done $0x0  }
0x1e9: {  	[sflag:s18] =	ssyncadd.s32 $0xFFFF6000  }
0x1ea: {  	_ =	swait.ge [sflag:s18], $0xA000  }
0x1eb: {  	[sflag:s18] =	ssyncset.done $0x0  }
0x1ec: {  	[sflag:s18] =	ssyncadd.s32 $0xFFFF6000  }
0x1ed: {  	s20 =	sadd.s32 $0x1, s20;
	_ =	swait.ge [sflag:s18], $0xA000  }
0x1ee: {  	p0 =	sne.s32 s20, s9;
	[sflag:s18] =	ssyncset.done $0x0  }
.Ltmp7:
0x1ef: {  	[sflag:s18] =	ssyncadd.s32 $0xFFFF6000;
	(pc) =	sbr.rel @p0 .LBB2_1-.Ltmp7, $4  }
0x1f0: {  	[hbm4b:s8+s5] =	stream.linear.scatter [tilespmem:s13], [sflag:$0x3], $0xA000, $0x38;
	[tilespmem:$0x17200] =	vst v63  }
0x1f1: {  	_ =	swait.ge [sflag:s10], $0xA000  }
0x1f2: {  	[sflag:s10] =	ssyncset.done $0x0  }
0x1f3: {  	[sflag:s10] =	ssyncadd.s32 $0xFFFF6000  }
0x1f4: {  	_ =	sfence.sel $0x180000  }
0x1f5: {  	[bflag:$0x0] =	sbarrier.arrive $0xFFFF  }
0x1f6: {  	_ =	strace $0x90000047  }
0x1f7: {  	s0 =	stileid.u32;
	[bflag:$0x2] =	sbarrier.arrive $0xFFFF  }
0x1f8: {  	p0 =	sne.s32 s0, $0x0;
	s0 =	rddreg [dreg:$0x4]  }
0x1f9: {  	s0 =	sadd.s32 @!p0 $0x100000, s0  }
0x1fa: {  	[sflag:s0] =	ssyncadd.tile.s32 @!p0 $0x1;
	_ =	shalt  }
.Lfunc_end2:
_tile_overlayer_lowered:
.L_overlay_start_2:
0x1fb: {  	(tag) =	ssettag $0x2  }
0x1fc: {  	s0 =	rddreg [dreg:$0x0];
	s2 =	stileid.u32  }
0x1fd: {  	s1 =	rddreg [dreg:$0x1];
	p0 =	sne.s32 s2, $0x0  }
0x1fe: {  	s3 =	rddreg [dreg:$0x2];
	[bflag:$0x3] =	sbarrier.arrive $0xFFFF;
	s2 =	simm.s32 @!p0 $0x1C03  }
0x1ff: {  	[timem:s3], [sflag:s2] =	dma.local @!p0 [hbm:s0], s1  }
0x200: {  	s0 =	simm.s32 @!p0 $0x3  }
0x201: {  	_ =	swait.ge @!p0 [sflag:s0], s1  }
0x202: {  	s1 =	ssub.s32 @!p0 $0x0, s1;
	[sflag:s0] =	ssyncset.done @!p0 $0x0  }
0x203: {  	[sflag:s0] =	ssyncadd.s32 @!p0 s1  }
0x204: {  	[bflag:$0x3] =	sbarrier.arrive $0xFFFF  }
0x205: {  	_ =	shalt  }

</sc_bundles>
